<compile_context>
chip_gen: v7x
topology: tpu7x:2x2x1
jax: 0.10.2.dev20260603
libtpu: 0.0.44.dev20260713+nightly
codegen_flags: <defaults>
</compile_context>

<pallas_src>
import functools

import jax
import jax.numpy as jnp
from jax import lax
from jax.experimental import pallas as pl
from jax.experimental.pallas import tpu as pltpu
from jax.experimental.pallas import tpu_sc as plsc

NC = 2
NS = 16
NW = NC * NS

SUP = 32
HALF = 16


@functools.partial(jax.jit, static_argnames=("n_tok", "d_model"))
def _embed_lookup(tok_ids, pos_ids, wte, wpe, *, n_tok, d_model):
    per_w = n_tok // NW
    n_sup = per_w // SUP
    assert n_sup % 2 == 0 and n_sup >= 2
    d_regs = d_model // 16

    mesh = plsc.VectorSubcoreMesh(
        core_axis_name="c", subcore_axis_name="s", num_cores=NC, num_subcores=NS
    )

    @functools.partial(
        pl.kernel,
        out_type=jax.ShapeDtypeStruct((n_tok, d_model), jnp.float32),
        mesh=mesh,
        scratch_types=[
            pltpu.VMEM((n_sup, SUP), jnp.int32),
            pltpu.VMEM((2 * n_sup, HALF), jnp.int32),
            pltpu.VMEM((2, SUP, d_model), jnp.float32),
            pltpu.VMEM((2, HALF, d_model), jnp.float32),
            pltpu.SemaphoreType.DMA((2,)),
            pltpu.SemaphoreType.DMA((2,)),
            pltpu.SemaphoreType.DMA((2,)),
        ],
    )
    def k(tok_hbm, pos_hbm, wte_hbm, wpe_hbm, out_hbm,
          tok_v, pos_v, rows_t, rows_p, sem_t, sem_p, sem_o):
        cid = lax.axis_index("c")
        sid = lax.axis_index("s")
        wid = sid * NC + cid
        base = wid * per_w
        cp_tok = pltpu.async_copy(tok_hbm.at[wid], tok_v, sem_t.at[0])
        cp_pos = pltpu.async_copy(pos_hbm.at[wid], pos_v, sem_p.at[0])
        cp_tok.wait()
        cp_pos.wait()

        pltpu.async_copy(wte_hbm.at[tok_v.at[0]], rows_t.at[0], sem_t.at[0])
        for h in range(2):
            pltpu.async_copy(wpe_hbm.at[pos_v.at[h]], rows_p.at[h], sem_p.at[h])

        @pl.loop(0, n_sup, step=2)
        def _supers(j):
            for sg in range(2):
                g = j + sg
                so2 = 1 - sg
                pltpu.make_async_copy(
                    wte_hbm.at[tok_v.at[g]], rows_t.at[sg], sem_t.at[sg]).wait()

                @pl.when(g >= 1)
                def _():
                    pltpu.make_async_copy(
                        rows_t.at[so2],
                        out_hbm.at[pl.ds(base, SUP)],
                        sem_o.at[so2]).wait()

                @pl.when(g + 1 < n_sup)
                def _():
                    pltpu.async_copy(
                        wte_hbm.at[tok_v.at[g + 1]], rows_t.at[so2],
                        sem_t.at[so2])

                for h in range(2):
                    hh = 2 * g + h
                    pltpu.make_async_copy(
                        wpe_hbm.at[pos_v.at[hh]], rows_p.at[h],
                        sem_p.at[h]).wait()

                    @plsc.parallel_loop(0, d_regs)
                    def _add_col(d):
                        sl = pl.ds(d * 16, 16)
                        for t in range(HALF):
                            t2 = t + h * HALF
                            rows_t[sg, t2, sl] = (
                                rows_t[sg, t2, sl] + rows_p[h, t, sl])

                    @pl.when(hh + 2 < 2 * n_sup)
                    def _():
                        pltpu.async_copy(
                            wpe_hbm.at[pos_v.at[hh + 2]], rows_p.at[h],
                            sem_p.at[h])

                pltpu.async_copy(
                    rows_t.at[sg],
                    out_hbm.at[pl.ds(base + g * SUP, SUP)],
                    sem_o.at[sg])

        pltpu.make_async_copy(
            rows_t.at[1], out_hbm.at[pl.ds(base, SUP)], sem_o.at[1]).wait()

    tok3 = tok_ids.reshape(NW, n_sup, SUP)
    pos3 = pos_ids.reshape(NW, 2 * n_sup, HALF)
    return k(tok3, pos3, wte, wpe)


def kernel(input_ids, position_ids, wte, wpe):
    b, s = input_ids.shape
    d = wte.shape[1]
    out = _embed_lookup(
        input_ids.reshape(-1).astype(jnp.int32),
        position_ids.reshape(-1).astype(jnp.int32),
        wte,
        wpe,
        n_tok=b * s,
        d_model=d,
    )
    return out.reshape(b, s, d)

# --- scband reference (transcript-rebuilt; emitter-appended) ---
"""Pipeline reference for scband-embedding-60687887892671 (READ-ONLY COPY).

The authoritative reference and input builder live on the scoring server;
editing this copy changes nothing except your own understanding.
"""

import jax, jax.numpy as jnp
import numpy as np

VOCAB = 100000
MAX_POS = 8192
D_MODEL = 1024
BATCH = 4
SEQ = 4096

def setup_inputs(seed: int = 0) -> dict:
    key = jax.random.key(seed)
    k1, k2, k3, k4 = jax.random.split(key, 4)
    input_ids = jax.random.randint(k1, (BATCH, SEQ), 0, VOCAB, dtype=jnp.int64 if jax.config.jax_enable_x64 else jnp.int32)
    position_ids = jax.random.randint(k2, (BATCH, SEQ), 0, 4096, dtype=jnp.int64 if jax.config.jax_enable_x64 else jnp.int32)
    wte = jax.random.normal(k3, (VOCAB, D_MODEL), dtype=jnp.float32) * 0.02
    wpe = jax.random.normal(k4, (MAX_POS, D_MODEL), dtype=jnp.float32) * 0.02
    return {"input_ids": input_ids, "position_ids": position_ids, "wte": wte, "wpe": wpe}

def reference(input_ids, position_ids, wte, wpe):
    # wte(input_ids) + wpe(position_ids): two embedding gathers + elementwise add
    tok = jnp.take(wte, input_ids, axis=0)
    pos = jnp.take(wpe, position_ids, axis=0)
    return tok + pos

if __name__ == "__main__":
    import jax
    _d = setup_inputs()
    print(jax.jit(kernel)(*tuple(_d.values())))

</pallas_src>

<mosaic_0001>
#map = affine_map<(d0, d1) -> (0, 0, 0)>
#map1 = affine_map<(d0, d1) -> (0, 0)>
module attributes {stable_mosaic.version = 14 : i64} {
  func.func @k(%arg0: i32, %arg1: i32, %arg2: memref<32x16x32xi32, #tpu.memory_space<hbm>>, %arg3: memref<32x32x16xi32, #tpu.memory_space<hbm>>, %arg4: memref<100000x1024xf32, #tpu.memory_space<hbm>>, %arg5: memref<8192x1024xf32, #tpu.memory_space<hbm>>, %arg6: memref<16384x1024xf32, #tpu.memory_space<hbm>>, %arg7: memref<16x32xi32, #tpu.memory_space<vmem>>, %arg8: memref<32x16xi32, #tpu.memory_space<vmem>>, %arg9: memref<2x32x1024xf32, #tpu.memory_space<vmem>>, %arg10: memref<2x16x1024xf32, #tpu.memory_space<vmem>>, %arg11: memref<2x!tpu.dma_semaphore, #tpu.memory_space<semaphore_mem>>, %arg12: memref<2x!tpu.dma_semaphore, #tpu.memory_space<semaphore_mem>>, %arg13: memref<2x!tpu.dma_semaphore, #tpu.memory_space<semaphore_mem>>) attributes {dimension_semantics = [#tpu.dimension_semantics<core_parallel>, #tpu.dimension_semantics<subcore_parallel>], iteration_bounds = array<i64: 2, 16>, scalar_prefetch = 0 : i64, scratch_operands = 7 : i64, tpu.core_type = #tpu.core_type<sc_vector_subcore>, window_params = [{transform_indices = #map}, {transform_indices = #map}, {transform_indices = #map1}, {transform_indices = #map1}, {transform_indices = #map1}]} {
    %mul3A = arith.constant 2 : i32
    %mul3A_0 = arith.muli %arg1, %mul3A : i32
    %add3A = arith.addi %mul3A_0, %arg0 : i32
    %mul3A_1 = arith.constant 512 : i32
    %mul3A_2 = arith.muli %add3A, %mul3A_1 : i32
    %dma_start3A = arith.constant 0 : i32
    %dma_start3A_3 = arith.constant 0 : i32
    %dma_start3A_4 = arith.constant 0 : i32
    %dma_start3A_5 = tpu.memref_slice %arg2[%add3A, %dma_start3A_3, %dma_start3A_4] : memref<32x16x32xi32, #tpu.memory_space<hbm>> -> memref<1x16x32xi32, #tpu.memory_space<hbm>>
    %dma_start3A_6 = tpu.memref_squeeze %dma_start3A_5 : memref<1x16x32xi32, #tpu.memory_space<hbm>> -> memref<16x32xi32, #tpu.memory_space<hbm>>
    %dma_start3A_7 = tpu.memref_slice %arg11[%dma_start3A] : memref<2x!tpu.dma_semaphore, #tpu.memory_space<semaphore_mem>> -> memref<1x!tpu.dma_semaphore, #tpu.memory_space<semaphore_mem>>
    %dma_start3A_8 = tpu.memref_squeeze %dma_start3A_7 : memref<1x!tpu.dma_semaphore, #tpu.memory_space<semaphore_mem>> -> memref<!tpu.dma_semaphore, #tpu.memory_space<semaphore_mem>>
    %dma_start3A_9 = arith.constant 0 : i32
    %dma_start3A_10 = arith.constant 0 : i32
    %dma_start3A_11 = tpu.memref_slice %arg2[%add3A, %dma_start3A_9, %dma_start3A_10] : memref<32x16x32xi32, #tpu.memory_space<hbm>> -> memref<1x16x32xi32, #tpu.memory_space<hbm>>
    %dma_start3A_12 = tpu.memref_squeeze %dma_start3A_11 : memref<1x16x32xi32, #tpu.memory_space<hbm>> -> memref<16x32xi32, #tpu.memory_space<hbm>>
    tpu.enqueue_dma source(%dma_start3A_12 : memref<16x32xi32, #tpu.memory_space<hbm>>) target(%arg7 : memref<16x32xi32, #tpu.memory_space<vmem>>) target_semaphore(%dma_start3A_8 : memref<!tpu.dma_semaphore, #tpu.memory_space<semaphore_mem>>)
    %dma_start3A_13 = arith.constant 0 : i32
    %dma_start3A_14 = arith.constant 0 : i32
    %dma_start3A_15 = arith.constant 0 : i32
    %dma_start3A_16 = tpu.memref_slice %arg3[%add3A, %dma_start3A_14, %dma_start3A_15] : memref<32x32x16xi32, #tpu.memory_space<hbm>> -> memref<1x32x16xi32, #tpu.memory_space<hbm>>
    %dma_start3A_17 = tpu.memref_squeeze %dma_start3A_16 : memref<1x32x16xi32, #tpu.memory_space<hbm>> -> memref<32x16xi32, #tpu.memory_space<hbm>>
    %dma_start3A_18 = tpu.memref_slice %arg12[%dma_start3A_13] : memref<2x!tpu.dma_semaphore, #tpu.memory_space<semaphore_mem>> -> memref<1x!tpu.dma_semaphore, #tpu.memory_space<semaphore_mem>>
    %dma_start3A_19 = tpu.memref_squeeze %dma_start3A_18 : memref<1x!tpu.dma_semaphore, #tpu.memory_space<semaphore_mem>> -> memref<!tpu.dma_semaphore, #tpu.memory_space<semaphore_mem>>
    %dma_start3A_20 = arith.constant 0 : i32
    %dma_start3A_21 = arith.constant 0 : i32
    %dma_start3A_22 = tpu.memref_slice %arg3[%add3A, %dma_start3A_20, %dma_start3A_21] : memref<32x32x16xi32, #tpu.memory_space<hbm>> -> memref<1x32x16xi32, #tpu.memory_space<hbm>>
    %dma_start3A_23 = tpu.memref_squeeze %dma_start3A_22 : memref<1x32x16xi32, #tpu.memory_space<hbm>> -> memref<32x16xi32, #tpu.memory_space<hbm>>
    tpu.enqueue_dma source(%dma_start3A_23 : memref<32x16xi32, #tpu.memory_space<hbm>>) target(%arg8 : memref<32x16xi32, #tpu.memory_space<vmem>>) target_semaphore(%dma_start3A_19 : memref<!tpu.dma_semaphore, #tpu.memory_space<semaphore_mem>>)
    %dma_wait3A = arith.constant 0 : i32
    %dma_wait3A_24 = arith.constant 0 : i32
    %dma_wait3A_25 = arith.constant 0 : i32
    %dma_wait3A_26 = tpu.memref_slice %arg2[%add3A, %dma_wait3A_24, %dma_wait3A_25] : memref<32x16x32xi32, #tpu.memory_space<hbm>> -> memref<1x16x32xi32, #tpu.memory_space<hbm>>
    %dma_wait3A_27 = tpu.memref_squeeze %dma_wait3A_26 : memref<1x16x32xi32, #tpu.memory_space<hbm>> -> memref<16x32xi32, #tpu.memory_space<hbm>>
    %dma_wait3A_28 = tpu.memref_slice %arg11[%dma_wait3A] : memref<2x!tpu.dma_semaphore, #tpu.memory_space<semaphore_mem>> -> memref<1x!tpu.dma_semaphore, #tpu.memory_space<semaphore_mem>>
    %dma_wait3A_29 = tpu.memref_squeeze %dma_wait3A_28 : memref<1x!tpu.dma_semaphore, #tpu.memory_space<semaphore_mem>> -> memref<!tpu.dma_semaphore, #tpu.memory_space<semaphore_mem>>
    %dma_wait3A_30 = arith.constant 0 : i32
    %dma_wait3A_31 = arith.constant 0 : i32
    %dma_wait3A_32 = tpu.memref_slice %arg2[%add3A, %dma_wait3A_30, %dma_wait3A_31] : memref<32x16x32xi32, #tpu.memory_space<hbm>> -> memref<1x16x32xi32, #tpu.memory_space<hbm>>
    %dma_wait3A_33 = tpu.memref_squeeze %dma_wait3A_32 : memref<1x16x32xi32, #tpu.memory_space<hbm>> -> memref<16x32xi32, #tpu.memory_space<hbm>>
    tpu.wait_dma2 semaphore(%dma_wait3A_29 : memref<!tpu.dma_semaphore, #tpu.memory_space<semaphore_mem>>) src(%dma_wait3A_33 : memref<16x32xi32, #tpu.memory_space<hbm>>) dst(%arg7 : memref<16x32xi32, #tpu.memory_space<vmem>>)
    %dma_wait3A_34 = arith.constant 0 : i32
    %dma_wait3A_35 = arith.constant 0 : i32
    %dma_wait3A_36 = arith.constant 0 : i32
    %dma_wait3A_37 = tpu.memref_slice %arg3[%add3A, %dma_wait3A_35, %dma_wait3A_36] : memref<32x32x16xi32, #tpu.memory_space<hbm>> -> memref<1x32x16xi32, #tpu.memory_space<hbm>>
    %dma_wait3A_38 = tpu.memref_squeeze %dma_wait3A_37 : memref<1x32x16xi32, #tpu.memory_space<hbm>> -> memref<32x16xi32, #tpu.memory_space<hbm>>
    %dma_wait3A_39 = tpu.memref_slice %arg12[%dma_wait3A_34] : memref<2x!tpu.dma_semaphore, #tpu.memory_space<semaphore_mem>> -> memref<1x!tpu.dma_semaphore, #tpu.memory_space<semaphore_mem>>
    %dma_wait3A_40 = tpu.memref_squeeze %dma_wait3A_39 : memref<1x!tpu.dma_semaphore, #tpu.memory_space<semaphore_mem>> -> memref<!tpu.dma_semaphore, #tpu.memory_space<semaphore_mem>>
    %dma_wait3A_41 = arith.constant 0 : i32
    %dma_wait3A_42 = arith.constant 0 : i32
    %dma_wait3A_43 = tpu.memref_slice %arg3[%add3A, %dma_wait3A_41, %dma_wait3A_42] : memref<32x32x16xi32, #tpu.memory_space<hbm>> -> memref<1x32x16xi32, #tpu.memory_space<hbm>>
    %dma_wait3A_44 = tpu.memref_squeeze %dma_wait3A_43 : memref<1x32x16xi32, #tpu.memory_space<hbm>> -> memref<32x16xi32, #tpu.memory_space<hbm>>
    tpu.wait_dma2 semaphore(%dma_wait3A_40 : memref<!tpu.dma_semaphore, #tpu.memory_space<semaphore_mem>>) src(%dma_wait3A_44 : memref<32x16xi32, #tpu.memory_space<hbm>>) dst(%arg8 : memref<32x16xi32, #tpu.memory_space<vmem>>)
    %dma_start3A_45 = arith.constant 0 : i32
    %dma_start3A_46 = arith.constant 0 : i32
    %dma_start3A_47 = arith.constant 0 : i32
    %dma_start3A_48 = arith.constant 0 : i32
    %dma_start3A_49 = arith.constant 0 : i32
    %dma_start3A_50 = tpu.memref_slice %arg9[%dma_start3A_46, %dma_start3A_48, %dma_start3A_49] : memref<2x32x1024xf32, #tpu.memory_space<vmem>> -> memref<1x32x1024xf32, #tpu.memory_space<vmem>>
    %dma_start3A_51 = tpu.memref_squeeze %dma_start3A_50 : memref<1x32x1024xf32, #tpu.memory_space<vmem>> -> memref<32x1024xf32, #tpu.memory_space<vmem>>
    %dma_start3A_52 = arith.constant 0 : i32
    %dma_start3A_53 = tpu.memref_slice %arg7[%dma_start3A_45, %dma_start3A_52] : memref<16x32xi32, #tpu.memory_space<vmem>> -> memref<1x32xi32, #tpu.memory_space<vmem>>
    %dma_start3A_54 = tpu.memref_squeeze %dma_start3A_53 : memref<1x32xi32, #tpu.memory_space<vmem>> -> memref<32xi32, #tpu.memory_space<vmem>>
    %dma_start3A_55 = arith.constant 0 : i32
    %dma_start3A_56 = arith.constant 0 : i32
    %dma_start3A_57 = tpu.memref_slice %arg4[%dma_start3A_55, %dma_start3A_56] : memref<100000x1024xf32, #tpu.memory_space<hbm>> -> memref<100000x1024xf32, #tpu.memory_space<hbm>>
    %dma_start3A_58 = tpu.memref_slice %arg11[%dma_start3A_47] : memref<2x!tpu.dma_semaphore, #tpu.memory_space<semaphore_mem>> -> memref<1x!tpu.dma_semaphore, #tpu.memory_space<semaphore_mem>>
    %dma_start3A_59 = tpu.memref_squeeze %dma_start3A_58 : memref<1x!tpu.dma_semaphore, #tpu.memory_space<semaphore_mem>> -> memref<!tpu.dma_semaphore, #tpu.memory_space<semaphore_mem>>
    tpu.enqueue_indirect_dma source(%dma_start3A_57 : memref<100000x1024xf32, #tpu.memory_space<hbm>>) target(%dma_start3A_51 : memref<32x1024xf32, #tpu.memory_space<vmem>>) offsets(%dma_start3A_54 : memref<32xi32, #tpu.memory_space<vmem>>) semaphore(%dma_start3A_59 : memref<!tpu.dma_semaphore, #tpu.memory_space<semaphore_mem>>)
    %dma_start3A_60 = arith.constant 0 : i32
    %dma_start3A_61 = arith.constant 0 : i32
    %dma_start3A_62 = arith.constant 0 : i32
    %dma_start3A_63 = arith.constant 0 : i32
    %dma_start3A_64 = arith.constant 0 : i32
    %dma_start3A_65 = tpu.memref_slice %arg10[%dma_start3A_61, %dma_start3A_63, %dma_start3A_64] : memref<2x16x1024xf32, #tpu.memory_space<vmem>> -> memref<1x16x1024xf32, #tpu.memory_space<vmem>>
    %dma_start3A_66 = tpu.memref_squeeze %dma_start3A_65 : memref<1x16x1024xf32, #tpu.memory_space<vmem>> -> memref<16x1024xf32, #tpu.memory_space<vmem>>
    %dma_start3A_67 = arith.constant 0 : i32
    %dma_start3A_68 = tpu.memref_slice %arg8[%dma_start3A_60, %dma_start3A_67] : memref<32x16xi32, #tpu.memory_space<vmem>> -> memref<1x16xi32, #tpu.memory_space<vmem>>
    %dma_start3A_69 = tpu.memref_squeeze %dma_start3A_68 : memref<1x16xi32, #tpu.memory_space<vmem>> -> memref<16xi32, #tpu.memory_space<vmem>>
    %dma_start3A_70 = arith.constant 0 : i32
    %dma_start3A_71 = arith.constant 0 : i32
    %dma_start3A_72 = tpu.memref_slice %arg5[%dma_start3A_70, %dma_start3A_71] : memref<8192x1024xf32, #tpu.memory_space<hbm>> -> memref<8192x1024xf32, #tpu.memory_space<hbm>>
    %dma_start3A_73 = tpu.memref_slice %arg12[%dma_start3A_62] : memref<2x!tpu.dma_semaphore, #tpu.memory_space<semaphore_mem>> -> memref<1x!tpu.dma_semaphore, #tpu.memory_space<semaphore_mem>>
    %dma_start3A_74 = tpu.memref_squeeze %dma_start3A_73 : memref<1x!tpu.dma_semaphore, #tpu.memory_space<semaphore_mem>> -> memref<!tpu.dma_semaphore, #tpu.memory_space<semaphore_mem>>
    tpu.enqueue_indirect_dma source(%dma_start3A_72 : memref<8192x1024xf32, #tpu.memory_space<hbm>>) target(%dma_start3A_66 : memref<16x1024xf32, #tpu.memory_space<vmem>>) offsets(%dma_start3A_69 : memref<16xi32, #tpu.memory_space<vmem>>) semaphore(%dma_start3A_74 : memref<!tpu.dma_semaphore, #tpu.memory_space<semaphore_mem>>)
    %dma_start3A_75 = arith.constant 1 : i32
    %dma_start3A_76 = arith.constant 1 : i32
    %dma_start3A_77 = arith.constant 1 : i32
    %dma_start3A_78 = arith.constant 0 : i32
    %dma_start3A_79 = arith.constant 0 : i32
    %dma_start3A_80 = tpu.memref_slice %arg10[%dma_start3A_76, %dma_start3A_78, %dma_start3A_79] : memref<2x16x1024xf32, #tpu.memory_space<vmem>> -> memref<1x16x1024xf32, #tpu.memory_space<vmem>>
    %dma_start3A_81 = tpu.memref_squeeze %dma_start3A_80 : memref<1x16x1024xf32, #tpu.memory_space<vmem>> -> memref<16x1024xf32, #tpu.memory_space<vmem>>
    %dma_start3A_82 = arith.constant 0 : i32
    %dma_start3A_83 = tpu.memref_slice %arg8[%dma_start3A_75, %dma_start3A_82] : memref<32x16xi32, #tpu.memory_space<vmem>> -> memref<1x16xi32, #tpu.memory_space<vmem>>
    %dma_start3A_84 = tpu.memref_squeeze %dma_start3A_83 : memref<1x16xi32, #tpu.memory_space<vmem>> -> memref<16xi32, #tpu.memory_space<vmem>>
    %dma_start3A_85 = arith.constant 0 : i32
    %dma_start3A_86 = arith.constant 0 : i32
    %dma_start3A_87 = tpu.memref_slice %arg5[%dma_start3A_85, %dma_start3A_86] : memref<8192x1024xf32, #tpu.memory_space<hbm>> -> memref<8192x1024xf32, #tpu.memory_space<hbm>>
    %dma_start3A_88 = tpu.memref_slice %arg12[%dma_start3A_77] : memref<2x!tpu.dma_semaphore, #tpu.memory_space<semaphore_mem>> -> memref<1x!tpu.dma_semaphore, #tpu.memory_space<semaphore_mem>>
    %dma_start3A_89 = tpu.memref_squeeze %dma_start3A_88 : memref<1x!tpu.dma_semaphore, #tpu.memory_space<semaphore_mem>> -> memref<!tpu.dma_semaphore, #tpu.memory_space<semaphore_mem>>
    tpu.enqueue_indirect_dma source(%dma_start3A_87 : memref<8192x1024xf32, #tpu.memory_space<hbm>>) target(%dma_start3A_81 : memref<16x1024xf32, #tpu.memory_space<vmem>>) offsets(%dma_start3A_84 : memref<16xi32, #tpu.memory_space<vmem>>) semaphore(%dma_start3A_89 : memref<!tpu.dma_semaphore, #tpu.memory_space<semaphore_mem>>)
    %scan3A = arith.constant 0 : i32
    %scan3A_90 = arith.constant 8 : i32
    %scan3A_91 = arith.addi %scan3A, %scan3A_90 : i32
    %scan3A_92 = arith.constant 1 : i32
    scf.for %scan3A_110 = %scan3A to %scan3A_91 step %scan3A_92  : i32 {
      %mul3A_111 = arith.constant 2 : i32
      %mul3A_112 = arith.muli %scan3A_110, %mul3A_111 : i32
      %add3A_113 = arith.constant 0 : i32
      %add3A_114 = arith.addi %add3A_113, %mul3A_112 : i32
      %add3A_115 = arith.constant 0 : i32
      %add3A_116 = arith.addi %add3A_114, %add3A_115 : i32
      %dma_wait3A_117 = arith.constant 0 : i32
      %dma_wait3A_118 = arith.constant 0 : i32
      %dma_wait3A_119 = arith.constant 0 : i32
      %dma_wait3A_120 = arith.constant 0 : i32
      %dma_wait3A_121 = tpu.memref_slice %arg9[%dma_wait3A_117, %dma_wait3A_119, %dma_wait3A_120] : memref<2x32x1024xf32, #tpu.memory_space<vmem>> -> memref<1x32x1024xf32, #tpu.memory_space<vmem>>
      %dma_wait3A_122 = tpu.memref_squeeze %dma_wait3A_121 : memref<1x32x1024xf32, #tpu.memory_space<vmem>> -> memref<32x1024xf32, #tpu.memory_space<vmem>>
      %dma_wait3A_123 = arith.constant 0 : i32
      %dma_wait3A_124 = tpu.memref_slice %arg7[%add3A_116, %dma_wait3A_123] : memref<16x32xi32, #tpu.memory_space<vmem>> -> memref<1x32xi32, #tpu.memory_space<vmem>>
      %dma_wait3A_125 = tpu.memref_squeeze %dma_wait3A_124 : memref<1x32xi32, #tpu.memory_space<vmem>> -> memref<32xi32, #tpu.memory_space<vmem>>
      %dma_wait3A_126 = arith.constant 0 : i32
      %dma_wait3A_127 = arith.constant 0 : i32
      %dma_wait3A_128 = tpu.memref_slice %arg4[%dma_wait3A_126, %dma_wait3A_127] : memref<100000x1024xf32, #tpu.memory_space<hbm>> -> memref<100000x1024xf32, #tpu.memory_space<hbm>>
      %dma_wait3A_129 = tpu.memref_slice %arg11[%dma_wait3A_118] : memref<2x!tpu.dma_semaphore, #tpu.memory_space<semaphore_mem>> -> memref<1x!tpu.dma_semaphore, #tpu.memory_space<semaphore_mem>>
      %dma_wait3A_130 = tpu.memref_squeeze %dma_wait3A_129 : memref<1x!tpu.dma_semaphore, #tpu.memory_space<semaphore_mem>> -> memref<!tpu.dma_semaphore, #tpu.memory_space<semaphore_mem>>
      tpu.wait_indirect_dma semaphore(%dma_wait3A_130 : memref<!tpu.dma_semaphore, #tpu.memory_space<semaphore_mem>>) src(%dma_wait3A_128 : memref<100000x1024xf32, #tpu.memory_space<hbm>>) dst(%dma_wait3A_122 : memref<32x1024xf32, #tpu.memory_space<vmem>>)
      %ge3A = arith.constant 1 : i32
      %ge3A_131 = arith.cmpi sge, %add3A_116, %ge3A : i32
      %convert_element_type3A = arith.extui %ge3A_131 : i1 to i32
      %cond3A = arith.constant 0 : i32
      %cond3A_132 = arith.cmpi ne, %convert_element_type3A, %cond3A : i32
      scf.if %cond3A_132 {
        %dma_wait3A_316 = arith.constant 1 : i32
        %dma_wait3A_317 = arith.constant 1 : i32
        %dma_wait3A_318 = arith.constant 0 : i32
        %dma_wait3A_319 = arith.constant 0 : i32
        %dma_wait3A_320 = tpu.memref_slice %arg9[%dma_wait3A_316, %dma_wait3A_318, %dma_wait3A_319] : memref<2x32x1024xf32, #tpu.memory_space<vmem>> -> memref<1x32x1024xf32, #tpu.memory_space<vmem>>
        %dma_wait3A_321 = tpu.memref_squeeze %dma_wait3A_320 : memref<1x32x1024xf32, #tpu.memory_space<vmem>> -> memref<32x1024xf32, #tpu.memory_space<vmem>>
        %dma_wait3A_322 = arith.constant 0 : i32
        %dma_wait3A_323 = tpu.memref_slice %arg6[%mul3A_2, %dma_wait3A_322] : memref<16384x1024xf32, #tpu.memory_space<hbm>> -> memref<32x1024xf32, #tpu.memory_space<hbm>>
        %dma_wait3A_324 = tpu.memref_slice %arg13[%dma_wait3A_317] : memref<2x!tpu.dma_semaphore, #tpu.memory_space<semaphore_mem>> -> memref<1x!tpu.dma_semaphore, #tpu.memory_space<semaphore_mem>>
        %dma_wait3A_325 = tpu.memref_squeeze %dma_wait3A_324 : memref<1x!tpu.dma_semaphore, #tpu.memory_space<semaphore_mem>> -> memref<!tpu.dma_semaphore, #tpu.memory_space<semaphore_mem>>
        %dma_wait3A_326 = arith.constant 0 : i32
        %dma_wait3A_327 = tpu.memref_slice %arg6[%mul3A_2, %dma_wait3A_326] : memref<16384x1024xf32, #tpu.memory_space<hbm>> -> memref<32x1024xf32, #tpu.memory_space<hbm>>
        %dma_wait3A_328 = arith.constant 0 : i32
        %dma_wait3A_329 = arith.constant 0 : i32
        %dma_wait3A_330 = tpu.memref_slice %arg9[%dma_wait3A_316, %dma_wait3A_328, %dma_wait3A_329] : memref<2x32x1024xf32, #tpu.memory_space<vmem>> -> memref<1x32x1024xf32, #tpu.memory_space<vmem>>
        %dma_wait3A_331 = tpu.memref_squeeze %dma_wait3A_330 : memref<1x32x1024xf32, #tpu.memory_space<vmem>> -> memref<32x1024xf32, #tpu.memory_space<vmem>>
        tpu.wait_dma2 semaphore(%dma_wait3A_325 : memref<!tpu.dma_semaphore, #tpu.memory_space<semaphore_mem>>) src(%dma_wait3A_331 : memref<32x1024xf32, #tpu.memory_space<vmem>>) dst(%dma_wait3A_327 : memref<32x1024xf32, #tpu.memory_space<hbm>>)
      } else {
      }
      %add3A_133 = arith.constant 1 : i32
      %add3A_134 = arith.addi %add3A_116, %add3A_133 : i32
      %lt3A = arith.constant 16 : i32
      %lt3A_135 = arith.cmpi slt, %add3A_134, %lt3A : i32
      %convert_element_type3A_136 = arith.extui %lt3A_135 : i1 to i32
      %cond3A_137 = arith.constant 0 : i32
      %cond3A_138 = arith.cmpi ne, %convert_element_type3A_136, %cond3A_137 : i32
      scf.if %cond3A_138 {
        %add3A_316 = arith.constant 1 : i32
        %add3A_317 = arith.addi %add3A_116, %add3A_316 : i32
        %dma_start3A_318 = arith.constant 1 : i32
        %dma_start3A_319 = arith.constant 1 : i32
        %dma_start3A_320 = arith.constant 0 : i32
        %dma_start3A_321 = arith.constant 0 : i32
        %dma_start3A_322 = tpu.memref_slice %arg9[%dma_start3A_318, %dma_start3A_320, %dma_start3A_321] : memref<2x32x1024xf32, #tpu.memory_space<vmem>> -> memref<1x32x1024xf32, #tpu.memory_space<vmem>>
        %dma_start3A_323 = tpu.memref_squeeze %dma_start3A_322 : memref<1x32x1024xf32, #tpu.memory_space<vmem>> -> memref<32x1024xf32, #tpu.memory_space<vmem>>
        %dma_start3A_324 = arith.constant 0 : i32
        %dma_start3A_325 = tpu.memref_slice %arg7[%add3A_317, %dma_start3A_324] : memref<16x32xi32, #tpu.memory_space<vmem>> -> memref<1x32xi32, #tpu.memory_space<vmem>>
        %dma_start3A_326 = tpu.memref_squeeze %dma_start3A_325 : memref<1x32xi32, #tpu.memory_space<vmem>> -> memref<32xi32, #tpu.memory_space<vmem>>
        %dma_start3A_327 = arith.constant 0 : i32
        %dma_start3A_328 = arith.constant 0 : i32
        %dma_start3A_329 = tpu.memref_slice %arg4[%dma_start3A_327, %dma_start3A_328] : memref<100000x1024xf32, #tpu.memory_space<hbm>> -> memref<100000x1024xf32, #tpu.memory_space<hbm>>
        %dma_start3A_330 = tpu.memref_slice %arg11[%dma_start3A_319] : memref<2x!tpu.dma_semaphore, #tpu.memory_space<semaphore_mem>> -> memref<1x!tpu.dma_semaphore, #tpu.memory_space<semaphore_mem>>
        %dma_start3A_331 = tpu.memref_squeeze %dma_start3A_330 : memref<1x!tpu.dma_semaphore, #tpu.memory_space<semaphore_mem>> -> memref<!tpu.dma_semaphore, #tpu.memory_space<semaphore_mem>>
        tpu.enqueue_indirect_dma source(%dma_start3A_329 : memref<100000x1024xf32, #tpu.memory_space<hbm>>) target(%dma_start3A_323 : memref<32x1024xf32, #tpu.memory_space<vmem>>) offsets(%dma_start3A_326 : memref<32xi32, #tpu.memory_space<vmem>>) semaphore(%dma_start3A_331 : memref<!tpu.dma_semaphore, #tpu.memory_space<semaphore_mem>>)
      } else {
      }
      %mul3A_139 = arith.constant 2 : i32
      %mul3A_140 = arith.muli %mul3A_139, %add3A_116 : i32
      %add3A_141 = arith.constant 0 : i32
      %add3A_142 = arith.addi %mul3A_140, %add3A_141 : i32
      %dma_wait3A_143 = arith.constant 0 : i32
      %dma_wait3A_144 = arith.constant 0 : i32
      %dma_wait3A_145 = arith.constant 0 : i32
      %dma_wait3A_146 = arith.constant 0 : i32
      %dma_wait3A_147 = tpu.memref_slice %arg10[%dma_wait3A_143, %dma_wait3A_145, %dma_wait3A_146] : memref<2x16x1024xf32, #tpu.memory_space<vmem>> -> memref<1x16x1024xf32, #tpu.memory_space<vmem>>
      %dma_wait3A_148 = tpu.memref_squeeze %dma_wait3A_147 : memref<1x16x1024xf32, #tpu.memory_space<vmem>> -> memref<16x1024xf32, #tpu.memory_space<vmem>>
      %dma_wait3A_149 = arith.constant 0 : i32
      %dma_wait3A_150 = tpu.memref_slice %arg8[%add3A_142, %dma_wait3A_149] : memref<32x16xi32, #tpu.memory_space<vmem>> -> memref<1x16xi32, #tpu.memory_space<vmem>>
      %dma_wait3A_151 = tpu.memref_squeeze %dma_wait3A_150 : memref<1x16xi32, #tpu.memory_space<vmem>> -> memref<16xi32, #tpu.memory_space<vmem>>
      %dma_wait3A_152 = arith.constant 0 : i32
      %dma_wait3A_153 = arith.constant 0 : i32
      %dma_wait3A_154 = tpu.memref_slice %arg5[%dma_wait3A_152, %dma_wait3A_153] : memref<8192x1024xf32, #tpu.memory_space<hbm>> -> memref<8192x1024xf32, #tpu.memory_space<hbm>>
      %dma_wait3A_155 = tpu.memref_slice %arg12[%dma_wait3A_144] : memref<2x!tpu.dma_semaphore, #tpu.memory_space<semaphore_mem>> -> memref<1x!tpu.dma_semaphore, #tpu.memory_space<semaphore_mem>>
      %dma_wait3A_156 = tpu.memref_squeeze %dma_wait3A_155 : memref<1x!tpu.dma_semaphore, #tpu.memory_space<semaphore_mem>> -> memref<!tpu.dma_semaphore, #tpu.memory_space<semaphore_mem>>
      tpu.wait_indirect_dma semaphore(%dma_wait3A_156 : memref<!tpu.dma_semaphore, #tpu.memory_space<semaphore_mem>>) src(%dma_wait3A_154 : memref<8192x1024xf32, #tpu.memory_space<hbm>>) dst(%dma_wait3A_148 : memref<16x1024xf32, #tpu.memory_space<vmem>>)
      %parallel_loop3A = arith.constant 0 : i32
      %parallel_loop3A_157 = arith.constant 64 : i32
      %parallel_loop3A_158 = arith.constant 1 : i32
      scf.for %parallel_loop3A_316 = %parallel_loop3A to %parallel_loop3A_157 step %parallel_loop3A_158  : i32 {
        %parallel_loop3A_317 = arith.constant 16 : i32
        %parallel_loop3A_318 = arith.muli %parallel_loop3A_316, %parallel_loop3A_317 : i32
        %parallel_loop3A_319 = arith.constant 0 : i32
        %parallel_loop3A_320 = arith.constant 0 : i32
        %parallel_loop3A_321 = arith.index_cast %parallel_loop3A_319 : i32 to index
        %parallel_loop3A_322 = arith.index_cast %parallel_loop3A_320 : i32 to index
        %parallel_loop3A_323 = arith.index_cast %parallel_loop3A_318 : i32 to index
        %parallel_loop3A_324 = tpu.vector_load %arg9[%parallel_loop3A_321, %parallel_loop3A_322, %parallel_loop3A_323] {strides = array<i32>} : memref<2x32x1024xf32, #tpu.memory_space<vmem>>, vector<1x1x16xf32>,
        %parallel_loop3A_325 = vector.shape_cast %parallel_loop3A_324 : vector<1x1x16xf32> to vector<16xf32>
        %parallel_loop3A_326 = arith.constant 0 : i32
        %parallel_loop3A_327 = arith.constant 0 : i32
        %parallel_loop3A_328 = arith.index_cast %parallel_loop3A_326 : i32 to index
        %parallel_loop3A_329 = arith.index_cast %parallel_loop3A_327 : i32 to index
        %parallel_loop3A_330 = arith.index_cast %parallel_loop3A_318 : i32 to index
        %parallel_loop3A_331 = tpu.vector_load %arg10[%parallel_loop3A_328, %parallel_loop3A_329, %parallel_loop3A_330] {strides = array<i32>} : memref<2x16x1024xf32, #tpu.memory_space<vmem>>, vector<1x1x16xf32>,
        %parallel_loop3A_332 = vector.shape_cast %parallel_loop3A_331 : vector<1x1x16xf32> to vector<16xf32>
        %parallel_loop3A_333 = arith.addf %parallel_loop3A_325, %parallel_loop3A_332 : vector<16xf32>
        %parallel_loop3A_334 = arith.constant 0 : i32
        %parallel_loop3A_335 = arith.constant 0 : i32
        %parallel_loop3A_336 = arith.index_cast %parallel_loop3A_334 : i32 to index
        %parallel_loop3A_337 = arith.index_cast %parallel_loop3A_335 : i32 to index
        %parallel_loop3A_338 = arith.index_cast %parallel_loop3A_318 : i32 to index
        %parallel_loop3A_339 = tpu.vector_load %arg9[%parallel_loop3A_336, %parallel_loop3A_337, %parallel_loop3A_338] {strides = array<i32>} : memref<2x32x1024xf32, #tpu.memory_space<vmem>>, vector<1x1x16xf32>,
        %parallel_loop3A_340 = vector.shape_cast %parallel_loop3A_339 : vector<1x1x16xf32> to vector<16xf32>
        %parallel_loop3A_341 = vector.shape_cast %parallel_loop3A_333 : vector<16xf32> to vector<1x1x16xf32>
        tpu.vector_store %arg9[%parallel_loop3A_336, %parallel_loop3A_337, %parallel_loop3A_338], %parallel_loop3A_341 {strides = array<i32>} : memref<2x32x1024xf32, #tpu.memory_space<vmem>>, vector<1x1x16xf32>,
        %parallel_loop3A_342 = arith.constant 0 : i32
        %parallel_loop3A_343 = arith.constant 1 : i32
        %parallel_loop3A_344 = arith.index_cast %parallel_loop3A_342 : i32 to index
        %parallel_loop3A_345 = arith.index_cast %parallel_loop3A_343 : i32 to index
        %parallel_loop3A_346 = arith.index_cast %parallel_loop3A_318 : i32 to index
        %parallel_loop3A_347 = tpu.vector_load %arg9[%parallel_loop3A_344, %parallel_loop3A_345, %parallel_loop3A_346] {strides = array<i32>} : memref<2x32x1024xf32, #tpu.memory_space<vmem>>, vector<1x1x16xf32>,
        %parallel_loop3A_348 = vector.shape_cast %parallel_loop3A_347 : vector<1x1x16xf32> to vector<16xf32>
        %parallel_loop3A_349 = arith.constant 0 : i32
        %parallel_loop3A_350 = arith.constant 1 : i32
        %parallel_loop3A_351 = arith.index_cast %parallel_loop3A_349 : i32 to index
        %parallel_loop3A_352 = arith.index_cast %parallel_loop3A_350 : i32 to index
        %parallel_loop3A_353 = arith.index_cast %parallel_loop3A_318 : i32 to index
        %parallel_loop3A_354 = tpu.vector_load %arg10[%parallel_loop3A_351, %parallel_loop3A_352, %parallel_loop3A_353] {strides = array<i32>} : memref<2x16x1024xf32, #tpu.memory_space<vmem>>, vector<1x1x16xf32>,
        %parallel_loop3A_355 = vector.shape_cast %parallel_loop3A_354 : vector<1x1x16xf32> to vector<16xf32>
        %parallel_loop3A_356 = arith.addf %parallel_loop3A_348, %parallel_loop3A_355 : vector<16xf32>
        %parallel_loop3A_357 = arith.constant 0 : i32
        %parallel_loop3A_358 = arith.constant 1 : i32
        %parallel_loop3A_359 = arith.index_cast %parallel_loop3A_357 : i32 to index
        %parallel_loop3A_360 = arith.index_cast %parallel_loop3A_358 : i32 to index
        %parallel_loop3A_361 = arith.index_cast %parallel_loop3A_318 : i32 to index
        %parallel_loop3A_362 = tpu.vector_load %arg9[%parallel_loop3A_359, %parallel_loop3A_360, %parallel_loop3A_361] {strides = array<i32>} : memref<2x32x1024xf32, #tpu.memory_space<vmem>>, vector<1x1x16xf32>,
        %parallel_loop3A_363 = vector.shape_cast %parallel_loop3A_362 : vector<1x1x16xf32> to vector<16xf32>
        %parallel_loop3A_364 = vector.shape_cast %parallel_loop3A_356 : vector<16xf32> to vector<1x1x16xf32>
        tpu.vector_store %arg9[%parallel_loop3A_359, %parallel_loop3A_360, %parallel_loop3A_361], %parallel_loop3A_364 {strides = array<i32>} : memref<2x32x1024xf32, #tpu.memory_space<vmem>>, vector<1x1x16xf32>,
        %parallel_loop3A_365 = arith.constant 0 : i32
        %parallel_loop3A_366 = arith.constant 2 : i32
        %parallel_loop3A_367 = arith.index_cast %parallel_loop3A_365 : i32 to index
        %parallel_loop3A_368 = arith.index_cast %parallel_loop3A_366 : i32 to index
        %parallel_loop3A_369 = arith.index_cast %parallel_loop3A_318 : i32 to index
        %parallel_loop3A_370 = tpu.vector_load %arg9[%parallel_loop3A_367, %parallel_loop3A_368, %parallel_loop3A_369] {strides = array<i32>} : memref<2x32x1024xf32, #tpu.memory_space<vmem>>, vector<1x1x16xf32>,
        %parallel_loop3A_371 = vector.shape_cast %parallel_loop3A_370 : vector<1x1x16xf32> to vector<16xf32>
        %parallel_loop3A_372 = arith.constant 0 : i32
        %parallel_loop3A_373 = arith.constant 2 : i32
        %parallel_loop3A_374 = arith.index_cast %parallel_loop3A_372 : i32 to index
        %parallel_loop3A_375 = arith.index_cast %parallel_loop3A_373 : i32 to index
        %parallel_loop3A_376 = arith.index_cast %parallel_loop3A_318 : i32 to index
        %parallel_loop3A_377 = tpu.vector_load %arg10[%parallel_loop3A_374, %parallel_loop3A_375, %parallel_loop3A_376] {strides = array<i32>} : memref<2x16x1024xf32, #tpu.memory_space<vmem>>, vector<1x1x16xf32>,
        %parallel_loop3A_378 = vector.shape_cast %parallel_loop3A_377 : vector<1x1x16xf32> to vector<16xf32>
        %parallel_loop3A_379 = arith.addf %parallel_loop3A_371, %parallel_loop3A_378 : vector<16xf32>
        %parallel_loop3A_380 = arith.constant 0 : i32
        %parallel_loop3A_381 = arith.constant 2 : i32
        %parallel_loop3A_382 = arith.index_cast %parallel_loop3A_380 : i32 to index
        %parallel_loop3A_383 = arith.index_cast %parallel_loop3A_381 : i32 to index
        %parallel_loop3A_384 = arith.index_cast %parallel_loop3A_318 : i32 to index
        %parallel_loop3A_385 = tpu.vector_load %arg9[%parallel_loop3A_382, %parallel_loop3A_383, %parallel_loop3A_384] {strides = array<i32>} : memref<2x32x1024xf32, #tpu.memory_space<vmem>>, vector<1x1x16xf32>,
        %parallel_loop3A_386 = vector.shape_cast %parallel_loop3A_385 : vector<1x1x16xf32> to vector<16xf32>
        %parallel_loop3A_387 = vector.shape_cast %parallel_loop3A_379 : vector<16xf32> to vector<1x1x16xf32>
        tpu.vector_store %arg9[%parallel_loop3A_382, %parallel_loop3A_383, %parallel_loop3A_384], %parallel_loop3A_387 {strides = array<i32>} : memref<2x32x1024xf32, #tpu.memory_space<vmem>>, vector<1x1x16xf32>,
        %parallel_loop3A_388 = arith.constant 0 : i32
        %parallel_loop3A_389 = arith.constant 3 : i32
        %parallel_loop3A_390 = arith.index_cast %parallel_loop3A_388 : i32 to index
        %parallel_loop3A_391 = arith.index_cast %parallel_loop3A_389 : i32 to index
        %parallel_loop3A_392 = arith.index_cast %parallel_loop3A_318 : i32 to index
        %parallel_loop3A_393 = tpu.vector_load %arg9[%parallel_loop3A_390, %parallel_loop3A_391, %parallel_loop3A_392] {strides = array<i32>} : memref<2x32x1024xf32, #tpu.memory_space<vmem>>, vector<1x1x16xf32>,
        %parallel_loop3A_394 = vector.shape_cast %parallel_loop3A_393 : vector<1x1x16xf32> to vector<16xf32>
        %parallel_loop3A_395 = arith.constant 0 : i32
        %parallel_loop3A_396 = arith.constant 3 : i32
        %parallel_loop3A_397 = arith.index_cast %parallel_loop3A_395 : i32 to index
        %parallel_loop3A_398 = arith.index_cast %parallel_loop3A_396 : i32 to index
        %parallel_loop3A_399 = arith.index_cast %parallel_loop3A_318 : i32 to index
        %parallel_loop3A_400 = tpu.vector_load %arg10[%parallel_loop3A_397, %parallel_loop3A_398, %parallel_loop3A_399] {strides = array<i32>} : memref<2x16x1024xf32, #tpu.memory_space<vmem>>, vector<1x1x16xf32>,
        %parallel_loop3A_401 = vector.shape_cast %parallel_loop3A_400 : vector<1x1x16xf32> to vector<16xf32>
        %parallel_loop3A_402 = arith.addf %parallel_loop3A_394, %parallel_loop3A_401 : vector<16xf32>
        %parallel_loop3A_403 = arith.constant 0 : i32
        %parallel_loop3A_404 = arith.constant 3 : i32
        %parallel_loop3A_405 = arith.index_cast %parallel_loop3A_403 : i32 to index
        %parallel_loop3A_406 = arith.index_cast %parallel_loop3A_404 : i32 to index
        %parallel_loop3A_407 = arith.index_cast %parallel_loop3A_318 : i32 to index
        %parallel_loop3A_408 = tpu.vector_load %arg9[%parallel_loop3A_405, %parallel_loop3A_406, %parallel_loop3A_407] {strides = array<i32>} : memref<2x32x1024xf32, #tpu.memory_space<vmem>>, vector<1x1x16xf32>,
        %parallel_loop3A_409 = vector.shape_cast %parallel_loop3A_408 : vector<1x1x16xf32> to vector<16xf32>
        %parallel_loop3A_410 = vector.shape_cast %parallel_loop3A_402 : vector<16xf32> to vector<1x1x16xf32>
        tpu.vector_store %arg9[%parallel_loop3A_405, %parallel_loop3A_406, %parallel_loop3A_407], %parallel_loop3A_410 {strides = array<i32>} : memref<2x32x1024xf32, #tpu.memory_space<vmem>>, vector<1x1x16xf32>,
        %parallel_loop3A_411 = arith.constant 0 : i32
        %parallel_loop3A_412 = arith.constant 4 : i32
        %parallel_loop3A_413 = arith.index_cast %parallel_loop3A_411 : i32 to index
        %parallel_loop3A_414 = arith.index_cast %parallel_loop3A_412 : i32 to index
        %parallel_loop3A_415 = arith.index_cast %parallel_loop3A_318 : i32 to index
        %parallel_loop3A_416 = tpu.vector_load %arg9[%parallel_loop3A_413, %parallel_loop3A_414, %parallel_loop3A_415] {strides = array<i32>} : memref<2x32x1024xf32, #tpu.memory_space<vmem>>, vector<1x1x16xf32>,
        %parallel_loop3A_417 = vector.shape_cast %parallel_loop3A_416 : vector<1x1x16xf32> to vector<16xf32>
        %parallel_loop3A_418 = arith.constant 0 : i32
        %parallel_loop3A_419 = arith.constant 4 : i32
        %parallel_loop3A_420 = arith.index_cast %parallel_loop3A_418 : i32 to index
        %parallel_loop3A_421 = arith.index_cast %parallel_loop3A_419 : i32 to index
        %parallel_loop3A_422 = arith.index_cast %parallel_loop3A_318 : i32 to index
        %parallel_loop3A_423 = tpu.vector_load %arg10[%parallel_loop3A_420, %parallel_loop3A_421, %parallel_loop3A_422] {strides = array<i32>} : memref<2x16x1024xf32, #tpu.memory_space<vmem>>, vector<1x1x16xf32>,
        %parallel_loop3A_424 = vector.shape_cast %parallel_loop3A_423 : vector<1x1x16xf32> to vector<16xf32>
        %parallel_loop3A_425 = arith.addf %parallel_loop3A_417, %parallel_loop3A_424 : vector<16xf32>
        %parallel_loop3A_426 = arith.constant 0 : i32
        %parallel_loop3A_427 = arith.constant 4 : i32
        %parallel_loop3A_428 = arith.index_cast %parallel_loop3A_426 : i32 to index
        %parallel_loop3A_429 = arith.index_cast %parallel_loop3A_427 : i32 to index
        %parallel_loop3A_430 = arith.index_cast %parallel_loop3A_318 : i32 to index
        %parallel_loop3A_431 = tpu.vector_load %arg9[%parallel_loop3A_428, %parallel_loop3A_429, %parallel_loop3A_430] {strides = array<i32>} : memref<2x32x1024xf32, #tpu.memory_space<vmem>>, vector<1x1x16xf32>,
        %parallel_loop3A_432 = vector.shape_cast %parallel_loop3A_431 : vector<1x1x16xf32> to vector<16xf32>
        %parallel_loop3A_433 = vector.shape_cast %parallel_loop3A_425 : vector<16xf32> to vector<1x1x16xf32>
        tpu.vector_store %arg9[%parallel_loop3A_428, %parallel_loop3A_429, %parallel_loop3A_430], %parallel_loop3A_433 {strides = array<i32>} : memref<2x32x1024xf32, #tpu.memory_space<vmem>>, vector<1x1x16xf32>,
        %parallel_loop3A_434 = arith.constant 0 : i32
        %parallel_loop3A_435 = arith.constant 5 : i32
        %parallel_loop3A_436 = arith.index_cast %parallel_loop3A_434 : i32 to index
        %parallel_loop3A_437 = arith.index_cast %parallel_loop3A_435 : i32 to index
        %parallel_loop3A_438 = arith.index_cast %parallel_loop3A_318 : i32 to index
        %parallel_loop3A_439 = tpu.vector_load %arg9[%parallel_loop3A_436, %parallel_loop3A_437, %parallel_loop3A_438] {strides = array<i32>} : memref<2x32x1024xf32, #tpu.memory_space<vmem>>, vector<1x1x16xf32>,
        %parallel_loop3A_440 = vector.shape_cast %parallel_loop3A_439 : vector<1x1x16xf32> to vector<16xf32>
        %parallel_loop3A_441 = arith.constant 0 : i32
        %parallel_loop3A_442 = arith.constant 5 : i32
        %parallel_loop3A_443 = arith.index_cast %parallel_loop3A_441 : i32 to index
        %parallel_loop3A_444 = arith.index_cast %parallel_loop3A_442 : i32 to index
        %parallel_loop3A_445 = arith.index_cast %parallel_loop3A_318 : i32 to index
        %parallel_loop3A_446 = tpu.vector_load %arg10[%parallel_loop3A_443, %parallel_loop3A_444, %parallel_loop3A_445] {strides = array<i32>} : memref<2x16x1024xf32, #tpu.memory_space<vmem>>, vector<1x1x16xf32>,
        %parallel_loop3A_447 = vector.shape_cast %parallel_loop3A_446 : vector<1x1x16xf32> to vector<16xf32>
        %parallel_loop3A_448 = arith.addf %parallel_loop3A_440, %parallel_loop3A_447 : vector<16xf32>
        %parallel_loop3A_449 = arith.constant 0 : i32
        %parallel_loop3A_450 = arith.constant 5 : i32
        %parallel_loop3A_451 = arith.index_cast %parallel_loop3A_449 : i32 to index
        %parallel_loop3A_452 = arith.index_cast %parallel_loop3A_450 : i32 to index
        %parallel_loop3A_453 = arith.index_cast %parallel_loop3A_318 : i32 to index
        %parallel_loop3A_454 = tpu.vector_load %arg9[%parallel_loop3A_451, %parallel_loop3A_452, %parallel_loop3A_453] {strides = array<i32>} : memref<2x32x1024xf32, #tpu.memory_space<vmem>>, vector<1x1x16xf32>,
        %parallel_loop3A_455 = vector.shape_cast %parallel_loop3A_454 : vector<1x1x16xf32> to vector<16xf32>
        %parallel_loop3A_456 = vector.shape_cast %parallel_loop3A_448 : vector<16xf32> to vector<1x1x16xf32>
        tpu.vector_store %arg9[%parallel_loop3A_451, %parallel_loop3A_452, %parallel_loop3A_453], %parallel_loop3A_456 {strides = array<i32>} : memref<2x32x1024xf32, #tpu.memory_space<vmem>>, vector<1x1x16xf32>,
        %parallel_loop3A_457 = arith.constant 0 : i32
        %parallel_loop3A_458 = arith.constant 6 : i32
        %parallel_loop3A_459 = arith.index_cast %parallel_loop3A_457 : i32 to index
        %parallel_loop3A_460 = arith.index_cast %parallel_loop3A_458 : i32 to index
        %parallel_loop3A_461 = arith.index_cast %parallel_loop3A_318 : i32 to index
        %parallel_loop3A_462 = tpu.vector_load %arg9[%parallel_loop3A_459, %parallel_loop3A_460, %parallel_loop3A_461] {strides = array<i32>} : memref<2x32x1024xf32, #tpu.memory_space<vmem>>, vector<1x1x16xf32>,
        %parallel_loop3A_463 = vector.shape_cast %parallel_loop3A_462 : vector<1x1x16xf32> to vector<16xf32>
        %parallel_loop3A_464 = arith.constant 0 : i32
        %parallel_loop3A_465 = arith.constant 6 : i32
        %parallel_loop3A_466 = arith.index_cast %parallel_loop3A_464 : i32 to index
        %parallel_loop3A_467 = arith.index_cast %parallel_loop3A_465 : i32 to index
        %parallel_loop3A_468 = arith.index_cast %parallel_loop3A_318 : i32 to index
        %parallel_loop3A_469 = tpu.vector_load %arg10[%parallel_loop3A_466, %parallel_loop3A_467, %parallel_loop3A_468] {strides = array<i32>} : memref<2x16x1024xf32, #tpu.memory_space<vmem>>, vector<1x1x16xf32>,
        %parallel_loop3A_470 = vector.shape_cast %parallel_loop3A_469 : vector<1x1x16xf32> to vector<16xf32>
        %parallel_loop3A_471 = arith.addf %parallel_loop3A_463, %parallel_loop3A_470 : vector<16xf32>
        %parallel_loop3A_472 = arith.constant 0 : i32
        %parallel_loop3A_473 = arith.constant 6 : i32
        %parallel_loop3A_474 = arith.index_cast %parallel_loop3A_472 : i32 to index
        %parallel_loop3A_475 = arith.index_cast %parallel_loop3A_473 : i32 to index
        %parallel_loop3A_476 = arith.index_cast %parallel_loop3A_318 : i32 to index
        %parallel_loop3A_477 = tpu.vector_load %arg9[%parallel_loop3A_474, %parallel_loop3A_475, %parallel_loop3A_476] {strides = array<i32>} : memref<2x32x1024xf32, #tpu.memory_space<vmem>>, vector<1x1x16xf32>,
        %parallel_loop3A_478 = vector.shape_cast %parallel_loop3A_477 : vector<1x1x16xf32> to vector<16xf32>
        %parallel_loop3A_479 = vector.shape_cast %parallel_loop3A_471 : vector<16xf32> to vector<1x1x16xf32>
        tpu.vector_store %arg9[%parallel_loop3A_474, %parallel_loop3A_475, %parallel_loop3A_476], %parallel_loop3A_479 {strides = array<i32>} : memref<2x32x1024xf32, #tpu.memory_space<vmem>>, vector<1x1x16xf32>,
        %parallel_loop3A_480 = arith.constant 0 : i32
        %parallel_loop3A_481 = arith.constant 7 : i32
        %parallel_loop3A_482 = arith.index_cast %parallel_loop3A_480 : i32 to index
        %parallel_loop3A_483 = arith.index_cast %parallel_loop3A_481 : i32 to index
        %parallel_loop3A_484 = arith.index_cast %parallel_loop3A_318 : i32 to index
        %parallel_loop3A_485 = tpu.vector_load %arg9[%parallel_loop3A_482, %parallel_loop3A_483, %parallel_loop3A_484] {strides = array<i32>} : memref<2x32x1024xf32, #tpu.memory_space<vmem>>, vector<1x1x16xf32>,
        %parallel_loop3A_486 = vector.shape_cast %parallel_loop3A_485 : vector<1x1x16xf32> to vector<16xf32>
        %parallel_loop3A_487 = arith.constant 0 : i32
        %parallel_loop3A_488 = arith.constant 7 : i32
        %parallel_loop3A_489 = arith.index_cast %parallel_loop3A_487 : i32 to index
        %parallel_loop3A_490 = arith.index_cast %parallel_loop3A_488 : i32 to index
        %parallel_loop3A_491 = arith.index_cast %parallel_loop3A_318 : i32 to index
        %parallel_loop3A_492 = tpu.vector_load %arg10[%parallel_loop3A_489, %parallel_loop3A_490, %parallel_loop3A_491] {strides = array<i32>} : memref<2x16x1024xf32, #tpu.memory_space<vmem>>, vector<1x1x16xf32>,
        %parallel_loop3A_493 = vector.shape_cast %parallel_loop3A_492 : vector<1x1x16xf32> to vector<16xf32>
        %parallel_loop3A_494 = arith.addf %parallel_loop3A_486, %parallel_loop3A_493 : vector<16xf32>
        %parallel_loop3A_495 = arith.constant 0 : i32
        %parallel_loop3A_496 = arith.constant 7 : i32
        %parallel_loop3A_497 = arith.index_cast %parallel_loop3A_495 : i32 to index
        %parallel_loop3A_498 = arith.index_cast %parallel_loop3A_496 : i32 to index
        %parallel_loop3A_499 = arith.index_cast %parallel_loop3A_318 : i32 to index
        %parallel_loop3A_500 = tpu.vector_load %arg9[%parallel_loop3A_497, %parallel_loop3A_498, %parallel_loop3A_499] {strides = array<i32>} : memref<2x32x1024xf32, #tpu.memory_space<vmem>>, vector<1x1x16xf32>,
        %parallel_loop3A_501 = vector.shape_cast %parallel_loop3A_500 : vector<1x1x16xf32> to vector<16xf32>
        %parallel_loop3A_502 = vector.shape_cast %parallel_loop3A_494 : vector<16xf32> to vector<1x1x16xf32>
        tpu.vector_store %arg9[%parallel_loop3A_497, %parallel_loop3A_498, %parallel_loop3A_499], %parallel_loop3A_502 {strides = array<i32>} : memref<2x32x1024xf32, #tpu.memory_space<vmem>>, vector<1x1x16xf32>,
        %parallel_loop3A_503 = arith.constant 0 : i32
        %parallel_loop3A_504 = arith.constant 8 : i32
        %parallel_loop3A_505 = arith.index_cast %parallel_loop3A_503 : i32 to index
        %parallel_loop3A_506 = arith.index_cast %parallel_loop3A_504 : i32 to index
        %parallel_loop3A_507 = arith.index_cast %parallel_loop3A_318 : i32 to index
        %parallel_loop3A_508 = tpu.vector_load %arg9[%parallel_loop3A_505, %parallel_loop3A_506, %parallel_loop3A_507] {strides = array<i32>} : memref<2x32x1024xf32, #tpu.memory_space<vmem>>, vector<1x1x16xf32>,
        %parallel_loop3A_509 = vector.shape_cast %parallel_loop3A_508 : vector<1x1x16xf32> to vector<16xf32>
        %parallel_loop3A_510 = arith.constant 0 : i32
        %parallel_loop3A_511 = arith.constant 8 : i32
        %parallel_loop3A_512 = arith.index_cast %parallel_loop3A_510 : i32 to index
        %parallel_loop3A_513 = arith.index_cast %parallel_loop3A_511 : i32 to index
        %parallel_loop3A_514 = arith.index_cast %parallel_loop3A_318 : i32 to index
        %parallel_loop3A_515 = tpu.vector_load %arg10[%parallel_loop3A_512, %parallel_loop3A_513, %parallel_loop3A_514] {strides = array<i32>} : memref<2x16x1024xf32, #tpu.memory_space<vmem>>, vector<1x1x16xf32>,
        %parallel_loop3A_516 = vector.shape_cast %parallel_loop3A_515 : vector<1x1x16xf32> to vector<16xf32>
        %parallel_loop3A_517 = arith.addf %parallel_loop3A_509, %parallel_loop3A_516 : vector<16xf32>
        %parallel_loop3A_518 = arith.constant 0 : i32
        %parallel_loop3A_519 = arith.constant 8 : i32
        %parallel_loop3A_520 = arith.index_cast %parallel_loop3A_518 : i32 to index
        %parallel_loop3A_521 = arith.index_cast %parallel_loop3A_519 : i32 to index
        %parallel_loop3A_522 = arith.index_cast %parallel_loop3A_318 : i32 to index
        %parallel_loop3A_523 = tpu.vector_load %arg9[%parallel_loop3A_520, %parallel_loop3A_521, %parallel_loop3A_522] {strides = array<i32>} : memref<2x32x1024xf32, #tpu.memory_space<vmem>>, vector<1x1x16xf32>,
        %parallel_loop3A_524 = vector.shape_cast %parallel_loop3A_523 : vector<1x1x16xf32> to vector<16xf32>
        %parallel_loop3A_525 = vector.shape_cast %parallel_loop3A_517 : vector<16xf32> to vector<1x1x16xf32>
        tpu.vector_store %arg9[%parallel_loop3A_520, %parallel_loop3A_521, %parallel_loop3A_522], %parallel_loop3A_525 {strides = array<i32>} : memref<2x32x1024xf32, #tpu.memory_space<vmem>>, vector<1x1x16xf32>,
        %parallel_loop3A_526 = arith.constant 0 : i32
        %parallel_loop3A_527 = arith.constant 9 : i32
        %parallel_loop3A_528 = arith.index_cast %parallel_loop3A_526 : i32 to index
        %parallel_loop3A_529 = arith.index_cast %parallel_loop3A_527 : i32 to index
        %parallel_loop3A_530 = arith.index_cast %parallel_loop3A_318 : i32 to index
        %parallel_loop3A_531 = tpu.vector_load %arg9[%parallel_loop3A_528, %parallel_loop3A_529, %parallel_loop3A_530] {strides = array<i32>} : memref<2x32x1024xf32, #tpu.memory_space<vmem>>, vector<1x1x16xf32>,
        %parallel_loop3A_532 = vector.shape_cast %parallel_loop3A_531 : vector<1x1x16xf32> to vector<16xf32>
        %parallel_loop3A_533 = arith.constant 0 : i32
        %parallel_loop3A_534 = arith.constant 9 : i32
        %parallel_loop3A_535 = arith.index_cast %parallel_loop3A_533 : i32 to index
        %parallel_loop3A_536 = arith.index_cast %parallel_loop3A_534 : i32 to index
        %parallel_loop3A_537 = arith.index_cast %parallel_loop3A_318 : i32 to index
        %parallel_loop3A_538 = tpu.vector_load %arg10[%parallel_loop3A_535, %parallel_loop3A_536, %parallel_loop3A_537] {strides = array<i32>} : memref<2x16x1024xf32, #tpu.memory_space<vmem>>, vector<1x1x16xf32>,
        %parallel_loop3A_539 = vector.shape_cast %parallel_loop3A_538 : vector<1x1x16xf32> to vector<16xf32>
        %parallel_loop3A_540 = arith.addf %parallel_loop3A_532, %parallel_loop3A_539 : vector<16xf32>
        %parallel_loop3A_541 = arith.constant 0 : i32
        %parallel_loop3A_542 = arith.constant 9 : i32
        %parallel_loop3A_543 = arith.index_cast %parallel_loop3A_541 : i32 to index
        %parallel_loop3A_544 = arith.index_cast %parallel_loop3A_542 : i32 to index
        %parallel_loop3A_545 = arith.index_cast %parallel_loop3A_318 : i32 to index
        %parallel_loop3A_546 = tpu.vector_load %arg9[%parallel_loop3A_543, %parallel_loop3A_544, %parallel_loop3A_545] {strides = array<i32>} : memref<2x32x1024xf32, #tpu.memory_space<vmem>>, vector<1x1x16xf32>,
        %parallel_loop3A_547 = vector.shape_cast %parallel_loop3A_546 : vector<1x1x16xf32> to vector<16xf32>
        %parallel_loop3A_548 = vector.shape_cast %parallel_loop3A_540 : vector<16xf32> to vector<1x1x16xf32>
        tpu.vector_store %arg9[%parallel_loop3A_543, %parallel_loop3A_544, %parallel_loop3A_545], %parallel_loop3A_548 {strides = array<i32>} : memref<2x32x1024xf32, #tpu.memory_space<vmem>>, vector<1x1x16xf32>,
        %parallel_loop3A_549 = arith.constant 0 : i32
        %parallel_loop3A_550 = arith.constant 10 : i32
        %parallel_loop3A_551 = arith.index_cast %parallel_loop3A_549 : i32 to index
        %parallel_loop3A_552 = arith.index_cast %parallel_loop3A_550 : i32 to index
        %parallel_loop3A_553 = arith.index_cast %parallel_loop3A_318 : i32 to index
        %parallel_loop3A_554 = tpu.vector_load %arg9[%parallel_loop3A_551, %parallel_loop3A_552, %parallel_loop3A_553] {strides = array<i32>} : memref<2x32x1024xf32, #tpu.memory_space<vmem>>, vector<1x1x16xf32>,
        %parallel_loop3A_555 = vector.shape_cast %parallel_loop3A_554 : vector<1x1x16xf32> to vector<16xf32>
        %parallel_loop3A_556 = arith.constant 0 : i32
        %parallel_loop3A_557 = arith.constant 10 : i32
        %parallel_loop3A_558 = arith.index_cast %parallel_loop3A_556 : i32 to index
        %parallel_loop3A_559 = arith.index_cast %parallel_loop3A_557 : i32 to index
        %parallel_loop3A_560 = arith.index_cast %parallel_loop3A_318 : i32 to index
        %parallel_loop3A_561 = tpu.vector_load %arg10[%parallel_loop3A_558, %parallel_loop3A_559, %parallel_loop3A_560] {strides = array<i32>} : memref<2x16x1024xf32, #tpu.memory_space<vmem>>, vector<1x1x16xf32>,
        %parallel_loop3A_562 = vector.shape_cast %parallel_loop3A_561 : vector<1x1x16xf32> to vector<16xf32>
        %parallel_loop3A_563 = arith.addf %parallel_loop3A_555, %parallel_loop3A_562 : vector<16xf32>
        %parallel_loop3A_564 = arith.constant 0 : i32
        %parallel_loop3A_565 = arith.constant 10 : i32
        %parallel_loop3A_566 = arith.index_cast %parallel_loop3A_564 : i32 to index
        %parallel_loop3A_567 = arith.index_cast %parallel_loop3A_565 : i32 to index
        %parallel_loop3A_568 = arith.index_cast %parallel_loop3A_318 : i32 to index
        %parallel_loop3A_569 = tpu.vector_load %arg9[%parallel_loop3A_566, %parallel_loop3A_567, %parallel_loop3A_568] {strides = array<i32>} : memref<2x32x1024xf32, #tpu.memory_space<vmem>>, vector<1x1x16xf32>,
        %parallel_loop3A_570 = vector.shape_cast %parallel_loop3A_569 : vector<1x1x16xf32> to vector<16xf32>
        %parallel_loop3A_571 = vector.shape_cast %parallel_loop3A_563 : vector<16xf32> to vector<1x1x16xf32>
        tpu.vector_store %arg9[%parallel_loop3A_566, %parallel_loop3A_567, %parallel_loop3A_568], %parallel_loop3A_571 {strides = array<i32>} : memref<2x32x1024xf32, #tpu.memory_space<vmem>>, vector<1x1x16xf32>,
        %parallel_loop3A_572 = arith.constant 0 : i32
        %parallel_loop3A_573 = arith.constant 11 : i32
        %parallel_loop3A_574 = arith.index_cast %parallel_loop3A_572 : i32 to index
        %parallel_loop3A_575 = arith.index_cast %parallel_loop3A_573 : i32 to index
        %parallel_loop3A_576 = arith.index_cast %parallel_loop3A_318 : i32 to index
        %parallel_loop3A_577 = tpu.vector_load %arg9[%parallel_loop3A_574, %parallel_loop3A_575, %parallel_loop3A_576] {strides = array<i32>} : memref<2x32x1024xf32, #tpu.memory_space<vmem>>, vector<1x1x16xf32>,
        %parallel_loop3A_578 = vector.shape_cast %parallel_loop3A_577 : vector<1x1x16xf32> to vector<16xf32>
        %parallel_loop3A_579 = arith.constant 0 : i32
        %parallel_loop3A_580 = arith.constant 11 : i32
        %parallel_loop3A_581 = arith.index_cast %parallel_loop3A_579 : i32 to index
        %parallel_loop3A_582 = arith.index_cast %parallel_loop3A_580 : i32 to index
        %parallel_loop3A_583 = arith.index_cast %parallel_loop3A_318 : i32 to index
        %parallel_loop3A_584 = tpu.vector_load %arg10[%parallel_loop3A_581, %parallel_loop3A_582, %parallel_loop3A_583] {strides = array<i32>} : memref<2x16x1024xf32, #tpu.memory_space<vmem>>, vector<1x1x16xf32>,
        %parallel_loop3A_585 = vector.shape_cast %parallel_loop3A_584 : vector<1x1x16xf32> to vector<16xf32>
        %parallel_loop3A_586 = arith.addf %parallel_loop3A_578, %parallel_loop3A_585 : vector<16xf32>
        %parallel_loop3A_587 = arith.constant 0 : i32
        %parallel_loop3A_588 = arith.constant 11 : i32
        %parallel_loop3A_589 = arith.index_cast %parallel_loop3A_587 : i32 to index
        %parallel_loop3A_590 = arith.index_cast %parallel_loop3A_588 : i32 to index
        %parallel_loop3A_591 = arith.index_cast %parallel_loop3A_318 : i32 to index
        %parallel_loop3A_592 = tpu.vector_load %arg9[%parallel_loop3A_589, %parallel_loop3A_590, %parallel_loop3A_591] {strides = array<i32>} : memref<2x32x1024xf32, #tpu.memory_space<vmem>>, vector<1x1x16xf32>,
        %parallel_loop3A_593 = vector.shape_cast %parallel_loop3A_592 : vector<1x1x16xf32> to vector<16xf32>
        %parallel_loop3A_594 = vector.shape_cast %parallel_loop3A_586 : vector<16xf32> to vector<1x1x16xf32>
        tpu.vector_store %arg9[%parallel_loop3A_589, %parallel_loop3A_590, %parallel_loop3A_591], %parallel_loop3A_594 {strides = array<i32>} : memref<2x32x1024xf32, #tpu.memory_space<vmem>>, vector<1x1x16xf32>,
        %parallel_loop3A_595 = arith.constant 0 : i32
        %parallel_loop3A_596 = arith.constant 12 : i32
        %parallel_loop3A_597 = arith.index_cast %parallel_loop3A_595 : i32 to index
        %parallel_loop3A_598 = arith.index_cast %parallel_loop3A_596 : i32 to index
        %parallel_loop3A_599 = arith.index_cast %parallel_loop3A_318 : i32 to index
        %parallel_loop3A_600 = tpu.vector_load %arg9[%parallel_loop3A_597, %parallel_loop3A_598, %parallel_loop3A_599] {strides = array<i32>} : memref<2x32x1024xf32, #tpu.memory_space<vmem>>, vector<1x1x16xf32>,
        %parallel_loop3A_601 = vector.shape_cast %parallel_loop3A_600 : vector<1x1x16xf32> to vector<16xf32>
        %parallel_loop3A_602 = arith.constant 0 : i32
        %parallel_loop3A_603 = arith.constant 12 : i32
        %parallel_loop3A_604 = arith.index_cast %parallel_loop3A_602 : i32 to index
        %parallel_loop3A_605 = arith.index_cast %parallel_loop3A_603 : i32 to index
        %parallel_loop3A_606 = arith.index_cast %parallel_loop3A_318 : i32 to index
        %parallel_loop3A_607 = tpu.vector_load %arg10[%parallel_loop3A_604, %parallel_loop3A_605, %parallel_loop3A_606] {strides = array<i32>} : memref<2x16x1024xf32, #tpu.memory_space<vmem>>, vector<1x1x16xf32>,
        %parallel_loop3A_608 = vector.shape_cast %parallel_loop3A_607 : vector<1x1x16xf32> to vector<16xf32>
        %parallel_loop3A_609 = arith.addf %parallel_loop3A_601, %parallel_loop3A_608 : vector<16xf32>
        %parallel_loop3A_610 = arith.constant 0 : i32
        %parallel_loop3A_611 = arith.constant 12 : i32
        %parallel_loop3A_612 = arith.index_cast %parallel_loop3A_610 : i32 to index
        %parallel_loop3A_613 = arith.index_cast %parallel_loop3A_611 : i32 to index
        %parallel_loop3A_614 = arith.index_cast %parallel_loop3A_318 : i32 to index
        %parallel_loop3A_615 = tpu.vector_load %arg9[%parallel_loop3A_612, %parallel_loop3A_613, %parallel_loop3A_614] {strides = array<i32>} : memref<2x32x1024xf32, #tpu.memory_space<vmem>>, vector<1x1x16xf32>,
        %parallel_loop3A_616 = vector.shape_cast %parallel_loop3A_615 : vector<1x1x16xf32> to vector<16xf32>
        %parallel_loop3A_617 = vector.shape_cast %parallel_loop3A_609 : vector<16xf32> to vector<1x1x16xf32>
        tpu.vector_store %arg9[%parallel_loop3A_612, %parallel_loop3A_613, %parallel_loop3A_614], %parallel_loop3A_617 {strides = array<i32>} : memref<2x32x1024xf32, #tpu.memory_space<vmem>>, vector<1x1x16xf32>,
        %parallel_loop3A_618 = arith.constant 0 : i32
        %parallel_loop3A_619 = arith.constant 13 : i32
        %parallel_loop3A_620 = arith.index_cast %parallel_loop3A_618 : i32 to index
        %parallel_loop3A_621 = arith.index_cast %parallel_loop3A_619 : i32 to index
        %parallel_loop3A_622 = arith.index_cast %parallel_loop3A_318 : i32 to index
        %parallel_loop3A_623 = tpu.vector_load %arg9[%parallel_loop3A_620, %parallel_loop3A_621, %parallel_loop3A_622] {strides = array<i32>} : memref<2x32x1024xf32, #tpu.memory_space<vmem>>, vector<1x1x16xf32>,
        %parallel_loop3A_624 = vector.shape_cast %parallel_loop3A_623 : vector<1x1x16xf32> to vector<16xf32>
        %parallel_loop3A_625 = arith.constant 0 : i32
        %parallel_loop3A_626 = arith.constant 13 : i32
        %parallel_loop3A_627 = arith.index_cast %parallel_loop3A_625 : i32 to index
        %parallel_loop3A_628 = arith.index_cast %parallel_loop3A_626 : i32 to index
        %parallel_loop3A_629 = arith.index_cast %parallel_loop3A_318 : i32 to index
        %parallel_loop3A_630 = tpu.vector_load %arg10[%parallel_loop3A_627, %parallel_loop3A_628, %parallel_loop3A_629] {strides = array<i32>} : memref<2x16x1024xf32, #tpu.memory_space<vmem>>, vector<1x1x16xf32>,
        %parallel_loop3A_631 = vector.shape_cast %parallel_loop3A_630 : vector<1x1x16xf32> to vector<16xf32>
        %parallel_loop3A_632 = arith.addf %parallel_loop3A_624, %parallel_loop3A_631 : vector<16xf32>
        %parallel_loop3A_633 = arith.constant 0 : i32
        %parallel_loop3A_634 = arith.constant 13 : i32
        %parallel_loop3A_635 = arith.index_cast %parallel_loop3A_633 : i32 to index
        %parallel_loop3A_636 = arith.index_cast %parallel_loop3A_634 : i32 to index
        %parallel_loop3A_637 = arith.index_cast %parallel_loop3A_318 : i32 to index
        %parallel_loop3A_638 = tpu.vector_load %arg9[%parallel_loop3A_635, %parallel_loop3A_636, %parallel_loop3A_637] {strides = array<i32>} : memref<2x32x1024xf32, #tpu.memory_space<vmem>>, vector<1x1x16xf32>,
        %parallel_loop3A_639 = vector.shape_cast %parallel_loop3A_638 : vector<1x1x16xf32> to vector<16xf32>
        %parallel_loop3A_640 = vector.shape_cast %parallel_loop3A_632 : vector<16xf32> to vector<1x1x16xf32>
        tpu.vector_store %arg9[%parallel_loop3A_635, %parallel_loop3A_636, %parallel_loop3A_637], %parallel_loop3A_640 {strides = array<i32>} : memref<2x32x1024xf32, #tpu.memory_space<vmem>>, vector<1x1x16xf32>,
        %parallel_loop3A_641 = arith.constant 0 : i32
        %parallel_loop3A_642 = arith.constant 14 : i32
        %parallel_loop3A_643 = arith.index_cast %parallel_loop3A_641 : i32 to index
        %parallel_loop3A_644 = arith.index_cast %parallel_loop3A_642 : i32 to index
        %parallel_loop3A_645 = arith.index_cast %parallel_loop3A_318 : i32 to index
        %parallel_loop3A_646 = tpu.vector_load %arg9[%parallel_loop3A_643, %parallel_loop3A_644, %parallel_loop3A_645] {strides = array<i32>} : memref<2x32x1024xf32, #tpu.memory_space<vmem>>, vector<1x1x16xf32>,
        %parallel_loop3A_647 = vector.shape_cast %parallel_loop3A_646 : vector<1x1x16xf32> to vector<16xf32>
        %parallel_loop3A_648 = arith.constant 0 : i32
        %parallel_loop3A_649 = arith.constant 14 : i32
        %parallel_loop3A_650 = arith.index_cast %parallel_loop3A_648 : i32 to index
        %parallel_loop3A_651 = arith.index_cast %parallel_loop3A_649 : i32 to index
        %parallel_loop3A_652 = arith.index_cast %parallel_loop3A_318 : i32 to index
        %parallel_loop3A_653 = tpu.vector_load %arg10[%parallel_loop3A_650, %parallel_loop3A_651, %parallel_loop3A_652] {strides = array<i32>} : memref<2x16x1024xf32, #tpu.memory_space<vmem>>, vector<1x1x16xf32>,
        %parallel_loop3A_654 = vector.shape_cast %parallel_loop3A_653 : vector<1x1x16xf32> to vector<16xf32>
        %parallel_loop3A_655 = arith.addf %parallel_loop3A_647, %parallel_loop3A_654 : vector<16xf32>
        %parallel_loop3A_656 = arith.constant 0 : i32
        %parallel_loop3A_657 = arith.constant 14 : i32
        %parallel_loop3A_658 = arith.index_cast %parallel_loop3A_656 : i32 to index
        %parallel_loop3A_659 = arith.index_cast %parallel_loop3A_657 : i32 to index
        %parallel_loop3A_660 = arith.index_cast %parallel_loop3A_318 : i32 to index
        %parallel_loop3A_661 = tpu.vector_load %arg9[%parallel_loop3A_658, %parallel_loop3A_659, %parallel_loop3A_660] {strides = array<i32>} : memref<2x32x1024xf32, #tpu.memory_space<vmem>>, vector<1x1x16xf32>,
        %parallel_loop3A_662 = vector.shape_cast %parallel_loop3A_661 : vector<1x1x16xf32> to vector<16xf32>
        %parallel_loop3A_663 = vector.shape_cast %parallel_loop3A_655 : vector<16xf32> to vector<1x1x16xf32>
        tpu.vector_store %arg9[%parallel_loop3A_658, %parallel_loop3A_659, %parallel_loop3A_660], %parallel_loop3A_663 {strides = array<i32>} : memref<2x32x1024xf32, #tpu.memory_space<vmem>>, vector<1x1x16xf32>,
        %parallel_loop3A_664 = arith.constant 0 : i32
        %parallel_loop3A_665 = arith.constant 15 : i32
        %parallel_loop3A_666 = arith.index_cast %parallel_loop3A_664 : i32 to index
        %parallel_loop3A_667 = arith.index_cast %parallel_loop3A_665 : i32 to index
        %parallel_loop3A_668 = arith.index_cast %parallel_loop3A_318 : i32 to index
        %parallel_loop3A_669 = tpu.vector_load %arg9[%parallel_loop3A_666, %parallel_loop3A_667, %parallel_loop3A_668] {strides = array<i32>} : memref<2x32x1024xf32, #tpu.memory_space<vmem>>, vector<1x1x16xf32>,
        %parallel_loop3A_670 = vector.shape_cast %parallel_loop3A_669 : vector<1x1x16xf32> to vector<16xf32>
        %parallel_loop3A_671 = arith.constant 0 : i32
        %parallel_loop3A_672 = arith.constant 15 : i32
        %parallel_loop3A_673 = arith.index_cast %parallel_loop3A_671 : i32 to index
        %parallel_loop3A_674 = arith.index_cast %parallel_loop3A_672 : i32 to index
        %parallel_loop3A_675 = arith.index_cast %parallel_loop3A_318 : i32 to index
        %parallel_loop3A_676 = tpu.vector_load %arg10[%parallel_loop3A_673, %parallel_loop3A_674, %parallel_loop3A_675] {strides = array<i32>} : memref<2x16x1024xf32, #tpu.memory_space<vmem>>, vector<1x1x16xf32>,
        %parallel_loop3A_677 = vector.shape_cast %parallel_loop3A_676 : vector<1x1x16xf32> to vector<16xf32>
        %parallel_loop3A_678 = arith.addf %parallel_loop3A_670, %parallel_loop3A_677 : vector<16xf32>
        %parallel_loop3A_679 = arith.constant 0 : i32
        %parallel_loop3A_680 = arith.constant 15 : i32
        %parallel_loop3A_681 = arith.index_cast %parallel_loop3A_679 : i32 to index
        %parallel_loop3A_682 = arith.index_cast %parallel_loop3A_680 : i32 to index
        %parallel_loop3A_683 = arith.index_cast %parallel_loop3A_318 : i32 to index
        %parallel_loop3A_684 = tpu.vector_load %arg9[%parallel_loop3A_681, %parallel_loop3A_682, %parallel_loop3A_683] {strides = array<i32>} : memref<2x32x1024xf32, #tpu.memory_space<vmem>>, vector<1x1x16xf32>,
        %parallel_loop3A_685 = vector.shape_cast %parallel_loop3A_684 : vector<1x1x16xf32> to vector<16xf32>
        %parallel_loop3A_686 = vector.shape_cast %parallel_loop3A_678 : vector<16xf32> to vector<1x1x16xf32>
        tpu.vector_store %arg9[%parallel_loop3A_681, %parallel_loop3A_682, %parallel_loop3A_683], %parallel_loop3A_686 {strides = array<i32>} : memref<2x32x1024xf32, #tpu.memory_space<vmem>>, vector<1x1x16xf32>,
      } {sc.loop_unroll_factor = 1 : i64, sc.parallel_access}
      %add3A_159 = arith.constant 2 : i32
      %add3A_160 = arith.addi %add3A_142, %add3A_159 : i32
      %lt3A_161 = arith.constant 32 : i32
      %lt3A_162 = arith.cmpi slt, %add3A_160, %lt3A_161 : i32
      %convert_element_type3A_163 = arith.extui %lt3A_162 : i1 to i32
      %cond3A_164 = arith.constant 0 : i32
      %cond3A_165 = arith.cmpi ne, %convert_element_type3A_163, %cond3A_164 : i32
      scf.if %cond3A_165 {
        %add3A_316 = arith.constant 2 : i32
        %add3A_317 = arith.addi %add3A_142, %add3A_316 : i32
        %dma_start3A_318 = arith.constant 0 : i32
        %dma_start3A_319 = arith.constant 0 : i32
        %dma_start3A_320 = arith.constant 0 : i32
        %dma_start3A_321 = arith.constant 0 : i32
        %dma_start3A_322 = tpu.memref_slice %arg10[%dma_start3A_318, %dma_start3A_320, %dma_start3A_321] : memref<2x16x1024xf32, #tpu.memory_space<vmem>> -> memref<1x16x1024xf32, #tpu.memory_space<vmem>>
        %dma_start3A_323 = tpu.memref_squeeze %dma_start3A_322 : memref<1x16x1024xf32, #tpu.memory_space<vmem>> -> memref<16x1024xf32, #tpu.memory_space<vmem>>
        %dma_start3A_324 = arith.constant 0 : i32
        %dma_start3A_325 = tpu.memref_slice %arg8[%add3A_317, %dma_start3A_324] : memref<32x16xi32, #tpu.memory_space<vmem>> -> memref<1x16xi32, #tpu.memory_space<vmem>>
        %dma_start3A_326 = tpu.memref_squeeze %dma_start3A_325 : memref<1x16xi32, #tpu.memory_space<vmem>> -> memref<16xi32, #tpu.memory_space<vmem>>
        %dma_start3A_327 = arith.constant 0 : i32
        %dma_start3A_328 = arith.constant 0 : i32
        %dma_start3A_329 = tpu.memref_slice %arg5[%dma_start3A_327, %dma_start3A_328] : memref<8192x1024xf32, #tpu.memory_space<hbm>> -> memref<8192x1024xf32, #tpu.memory_space<hbm>>
        %dma_start3A_330 = tpu.memref_slice %arg12[%dma_start3A_319] : memref<2x!tpu.dma_semaphore, #tpu.memory_space<semaphore_mem>> -> memref<1x!tpu.dma_semaphore, #tpu.memory_space<semaphore_mem>>
        %dma_start3A_331 = tpu.memref_squeeze %dma_start3A_330 : memref<1x!tpu.dma_semaphore, #tpu.memory_space<semaphore_mem>> -> memref<!tpu.dma_semaphore, #tpu.memory_space<semaphore_mem>>
        tpu.enqueue_indirect_dma source(%dma_start3A_329 : memref<8192x1024xf32, #tpu.memory_space<hbm>>) target(%dma_start3A_323 : memref<16x1024xf32, #tpu.memory_space<vmem>>) offsets(%dma_start3A_326 : memref<16xi32, #tpu.memory_space<vmem>>) semaphore(%dma_start3A_331 : memref<!tpu.dma_semaphore, #tpu.memory_space<semaphore_mem>>)
      } else {
      }
      %mul3A_166 = arith.constant 2 : i32
      %mul3A_167 = arith.muli %mul3A_166, %add3A_116 : i32
      %add3A_168 = arith.constant 1 : i32
      %add3A_169 = arith.addi %mul3A_167, %add3A_168 : i32
      %dma_wait3A_170 = arith.constant 1 : i32
      %dma_wait3A_171 = arith.constant 1 : i32
      %dma_wait3A_172 = arith.constant 0 : i32
      %dma_wait3A_173 = arith.constant 0 : i32
      %dma_wait3A_174 = tpu.memref_slice %arg10[%dma_wait3A_170, %dma_wait3A_172, %dma_wait3A_173] : memref<2x16x1024xf32, #tpu.memory_space<vmem>> -> memref<1x16x1024xf32, #tpu.memory_space<vmem>>
      %dma_wait3A_175 = tpu.memref_squeeze %dma_wait3A_174 : memref<1x16x1024xf32, #tpu.memory_space<vmem>> -> memref<16x1024xf32, #tpu.memory_space<vmem>>
      %dma_wait3A_176 = arith.constant 0 : i32
      %dma_wait3A_177 = tpu.memref_slice %arg8[%add3A_169, %dma_wait3A_176] : memref<32x16xi32, #tpu.memory_space<vmem>> -> memref<1x16xi32, #tpu.memory_space<vmem>>
      %dma_wait3A_178 = tpu.memref_squeeze %dma_wait3A_177 : memref<1x16xi32, #tpu.memory_space<vmem>> -> memref<16xi32, #tpu.memory_space<vmem>>
      %dma_wait3A_179 = arith.constant 0 : i32
      %dma_wait3A_180 = arith.constant 0 : i32
      %dma_wait3A_181 = tpu.memref_slice %arg5[%dma_wait3A_179, %dma_wait3A_180] : memref<8192x1024xf32, #tpu.memory_space<hbm>> -> memref<8192x1024xf32, #tpu.memory_space<hbm>>
      %dma_wait3A_182 = tpu.memref_slice %arg12[%dma_wait3A_171] : memref<2x!tpu.dma_semaphore, #tpu.memory_space<semaphore_mem>> -> memref<1x!tpu.dma_semaphore, #tpu.memory_space<semaphore_mem>>
      %dma_wait3A_183 = tpu.memref_squeeze %dma_wait3A_182 : memref<1x!tpu.dma_semaphore, #tpu.memory_space<semaphore_mem>> -> memref<!tpu.dma_semaphore, #tpu.memory_space<semaphore_mem>>
      tpu.wait_indirect_dma semaphore(%dma_wait3A_183 : memref<!tpu.dma_semaphore, #tpu.memory_space<semaphore_mem>>) src(%dma_wait3A_181 : memref<8192x1024xf32, #tpu.memory_space<hbm>>) dst(%dma_wait3A_175 : memref<16x1024xf32, #tpu.memory_space<vmem>>)
      %parallel_loop3A_184 = arith.constant 0 : i32
      %parallel_loop3A_185 = arith.constant 64 : i32
      %parallel_loop3A_186 = arith.constant 1 : i32
      scf.for %parallel_loop3A_316 = %parallel_loop3A_184 to %parallel_loop3A_185 step %parallel_loop3A_186  : i32 {
        %parallel_loop3A_317 = arith.constant 16 : i32
        %parallel_loop3A_318 = arith.muli %parallel_loop3A_316, %parallel_loop3A_317 : i32
        %parallel_loop3A_319 = arith.constant 0 : i32
        %parallel_loop3A_320 = arith.constant 16 : i32
        %parallel_loop3A_321 = arith.index_cast %parallel_loop3A_319 : i32 to index
        %parallel_loop3A_322 = arith.index_cast %parallel_loop3A_320 : i32 to index
        %parallel_loop3A_323 = arith.index_cast %parallel_loop3A_318 : i32 to index
        %parallel_loop3A_324 = tpu.vector_load %arg9[%parallel_loop3A_321, %parallel_loop3A_322, %parallel_loop3A_323] {strides = array<i32>} : memref<2x32x1024xf32, #tpu.memory_space<vmem>>, vector<1x1x16xf32>,
        %parallel_loop3A_325 = vector.shape_cast %parallel_loop3A_324 : vector<1x1x16xf32> to vector<16xf32>
        %parallel_loop3A_326 = arith.constant 1 : i32
        %parallel_loop3A_327 = arith.constant 0 : i32
        %parallel_loop3A_328 = arith.index_cast %parallel_loop3A_326 : i32 to index
        %parallel_loop3A_329 = arith.index_cast %parallel_loop3A_327 : i32 to index
        %parallel_loop3A_330 = arith.index_cast %parallel_loop3A_318 : i32 to index
        %parallel_loop3A_331 = tpu.vector_load %arg10[%parallel_loop3A_328, %parallel_loop3A_329, %parallel_loop3A_330] {strides = array<i32>} : memref<2x16x1024xf32, #tpu.memory_space<vmem>>, vector<1x1x16xf32>,
        %parallel_loop3A_332 = vector.shape_cast %parallel_loop3A_331 : vector<1x1x16xf32> to vector<16xf32>
        %parallel_loop3A_333 = arith.addf %parallel_loop3A_325, %parallel_loop3A_332 : vector<16xf32>
        %parallel_loop3A_334 = arith.constant 0 : i32
        %parallel_loop3A_335 = arith.constant 16 : i32
        %parallel_loop3A_336 = arith.index_cast %parallel_loop3A_334 : i32 to index
        %parallel_loop3A_337 = arith.index_cast %parallel_loop3A_335 : i32 to index
        %parallel_loop3A_338 = arith.index_cast %parallel_loop3A_318 : i32 to index
        %parallel_loop3A_339 = tpu.vector_load %arg9[%parallel_loop3A_336, %parallel_loop3A_337, %parallel_loop3A_338] {strides = array<i32>} : memref<2x32x1024xf32, #tpu.memory_space<vmem>>, vector<1x1x16xf32>,
        %parallel_loop3A_340 = vector.shape_cast %parallel_loop3A_339 : vector<1x1x16xf32> to vector<16xf32>
        %parallel_loop3A_341 = vector.shape_cast %parallel_loop3A_333 : vector<16xf32> to vector<1x1x16xf32>
        tpu.vector_store %arg9[%parallel_loop3A_336, %parallel_loop3A_337, %parallel_loop3A_338], %parallel_loop3A_341 {strides = array<i32>} : memref<2x32x1024xf32, #tpu.memory_space<vmem>>, vector<1x1x16xf32>,
        %parallel_loop3A_342 = arith.constant 0 : i32
        %parallel_loop3A_343 = arith.constant 17 : i32
        %parallel_loop3A_344 = arith.index_cast %parallel_loop3A_342 : i32 to index
        %parallel_loop3A_345 = arith.index_cast %parallel_loop3A_343 : i32 to index
        %parallel_loop3A_346 = arith.index_cast %parallel_loop3A_318 : i32 to index
        %parallel_loop3A_347 = tpu.vector_load %arg9[%parallel_loop3A_344, %parallel_loop3A_345, %parallel_loop3A_346] {strides = array<i32>} : memref<2x32x1024xf32, #tpu.memory_space<vmem>>, vector<1x1x16xf32>,
        %parallel_loop3A_348 = vector.shape_cast %parallel_loop3A_347 : vector<1x1x16xf32> to vector<16xf32>
        %parallel_loop3A_349 = arith.constant 1 : i32
        %parallel_loop3A_350 = arith.constant 1 : i32
        %parallel_loop3A_351 = arith.index_cast %parallel_loop3A_349 : i32 to index
        %parallel_loop3A_352 = arith.index_cast %parallel_loop3A_350 : i32 to index
        %parallel_loop3A_353 = arith.index_cast %parallel_loop3A_318 : i32 to index
        %parallel_loop3A_354 = tpu.vector_load %arg10[%parallel_loop3A_351, %parallel_loop3A_352, %parallel_loop3A_353] {strides = array<i32>} : memref<2x16x1024xf32, #tpu.memory_space<vmem>>, vector<1x1x16xf32>,
        %parallel_loop3A_355 = vector.shape_cast %parallel_loop3A_354 : vector<1x1x16xf32> to vector<16xf32>
        %parallel_loop3A_356 = arith.addf %parallel_loop3A_348, %parallel_loop3A_355 : vector<16xf32>
        %parallel_loop3A_357 = arith.constant 0 : i32
        %parallel_loop3A_358 = arith.constant 17 : i32
        %parallel_loop3A_359 = arith.index_cast %parallel_loop3A_357 : i32 to index
        %parallel_loop3A_360 = arith.index_cast %parallel_loop3A_358 : i32 to index
        %parallel_loop3A_361 = arith.index_cast %parallel_loop3A_318 : i32 to index
        %parallel_loop3A_362 = tpu.vector_load %arg9[%parallel_loop3A_359, %parallel_loop3A_360, %parallel_loop3A_361] {strides = array<i32>} : memref<2x32x1024xf32, #tpu.memory_space<vmem>>, vector<1x1x16xf32>,
        %parallel_loop3A_363 = vector.shape_cast %parallel_loop3A_362 : vector<1x1x16xf32> to vector<16xf32>
        %parallel_loop3A_364 = vector.shape_cast %parallel_loop3A_356 : vector<16xf32> to vector<1x1x16xf32>
        tpu.vector_store %arg9[%parallel_loop3A_359, %parallel_loop3A_360, %parallel_loop3A_361], %parallel_loop3A_364 {strides = array<i32>} : memref<2x32x1024xf32, #tpu.memory_space<vmem>>, vector<1x1x16xf32>,
        %parallel_loop3A_365 = arith.constant 0 : i32
        %parallel_loop3A_366 = arith.constant 18 : i32
        %parallel_loop3A_367 = arith.index_cast %parallel_loop3A_365 : i32 to index
        %parallel_loop3A_368 = arith.index_cast %parallel_loop3A_366 : i32 to index
        %parallel_loop3A_369 = arith.index_cast %parallel_loop3A_318 : i32 to index
        %parallel_loop3A_370 = tpu.vector_load %arg9[%parallel_loop3A_367, %parallel_loop3A_368, %parallel_loop3A_369] {strides = array<i32>} : memref<2x32x1024xf32, #tpu.memory_space<vmem>>, vector<1x1x16xf32>,
        %parallel_loop3A_371 = vector.shape_cast %parallel_loop3A_370 : vector<1x1x16xf32> to vector<16xf32>
        %parallel_loop3A_372 = arith.constant 1 : i32
        %parallel_loop3A_373 = arith.constant 2 : i32
        %parallel_loop3A_374 = arith.index_cast %parallel_loop3A_372 : i32 to index
        %parallel_loop3A_375 = arith.index_cast %parallel_loop3A_373 : i32 to index
        %parallel_loop3A_376 = arith.index_cast %parallel_loop3A_318 : i32 to index
        %parallel_loop3A_377 = tpu.vector_load %arg10[%parallel_loop3A_374, %parallel_loop3A_375, %parallel_loop3A_376] {strides = array<i32>} : memref<2x16x1024xf32, #tpu.memory_space<vmem>>, vector<1x1x16xf32>,
        %parallel_loop3A_378 = vector.shape_cast %parallel_loop3A_377 : vector<1x1x16xf32> to vector<16xf32>
        %parallel_loop3A_379 = arith.addf %parallel_loop3A_371, %parallel_loop3A_378 : vector<16xf32>
        %parallel_loop3A_380 = arith.constant 0 : i32
        %parallel_loop3A_381 = arith.constant 18 : i32
        %parallel_loop3A_382 = arith.index_cast %parallel_loop3A_380 : i32 to index
        %parallel_loop3A_383 = arith.index_cast %parallel_loop3A_381 : i32 to index
        %parallel_loop3A_384 = arith.index_cast %parallel_loop3A_318 : i32 to index
        %parallel_loop3A_385 = tpu.vector_load %arg9[%parallel_loop3A_382, %parallel_loop3A_383, %parallel_loop3A_384] {strides = array<i32>} : memref<2x32x1024xf32, #tpu.memory_space<vmem>>, vector<1x1x16xf32>,
        %parallel_loop3A_386 = vector.shape_cast %parallel_loop3A_385 : vector<1x1x16xf32> to vector<16xf32>
        %parallel_loop3A_387 = vector.shape_cast %parallel_loop3A_379 : vector<16xf32> to vector<1x1x16xf32>
        tpu.vector_store %arg9[%parallel_loop3A_382, %parallel_loop3A_383, %parallel_loop3A_384], %parallel_loop3A_387 {strides = array<i32>} : memref<2x32x1024xf32, #tpu.memory_space<vmem>>, vector<1x1x16xf32>,
        %parallel_loop3A_388 = arith.constant 0 : i32
        %parallel_loop3A_389 = arith.constant 19 : i32
        %parallel_loop3A_390 = arith.index_cast %parallel_loop3A_388 : i32 to index
        %parallel_loop3A_391 = arith.index_cast %parallel_loop3A_389 : i32 to index
        %parallel_loop3A_392 = arith.index_cast %parallel_loop3A_318 : i32 to index
        %parallel_loop3A_393 = tpu.vector_load %arg9[%parallel_loop3A_390, %parallel_loop3A_391, %parallel_loop3A_392] {strides = array<i32>} : memref<2x32x1024xf32, #tpu.memory_space<vmem>>, vector<1x1x16xf32>,
        %parallel_loop3A_394 = vector.shape_cast %parallel_loop3A_393 : vector<1x1x16xf32> to vector<16xf32>
        %parallel_loop3A_395 = arith.constant 1 : i32
        %parallel_loop3A_396 = arith.constant 3 : i32
        %parallel_loop3A_397 = arith.index_cast %parallel_loop3A_395 : i32 to index
        %parallel_loop3A_398 = arith.index_cast %parallel_loop3A_396 : i32 to index
        %parallel_loop3A_399 = arith.index_cast %parallel_loop3A_318 : i32 to index
        %parallel_loop3A_400 = tpu.vector_load %arg10[%parallel_loop3A_397, %parallel_loop3A_398, %parallel_loop3A_399] {strides = array<i32>} : memref<2x16x1024xf32, #tpu.memory_space<vmem>>, vector<1x1x16xf32>,
        %parallel_loop3A_401 = vector.shape_cast %parallel_loop3A_400 : vector<1x1x16xf32> to vector<16xf32>
        %parallel_loop3A_402 = arith.addf %parallel_loop3A_394, %parallel_loop3A_401 : vector<16xf32>
        %parallel_loop3A_403 = arith.constant 0 : i32
        %parallel_loop3A_404 = arith.constant 19 : i32
        %parallel_loop3A_405 = arith.index_cast %parallel_loop3A_403 : i32 to index
        %parallel_loop3A_406 = arith.index_cast %parallel_loop3A_404 : i32 to index
        %parallel_loop3A_407 = arith.index_cast %parallel_loop3A_318 : i32 to index
        %parallel_loop3A_408 = tpu.vector_load %arg9[%parallel_loop3A_405, %parallel_loop3A_406, %parallel_loop3A_407] {strides = array<i32>} : memref<2x32x1024xf32, #tpu.memory_space<vmem>>, vector<1x1x16xf32>,
        %parallel_loop3A_409 = vector.shape_cast %parallel_loop3A_408 : vector<1x1x16xf32> to vector<16xf32>
        %parallel_loop3A_410 = vector.shape_cast %parallel_loop3A_402 : vector<16xf32> to vector<1x1x16xf32>
        tpu.vector_store %arg9[%parallel_loop3A_405, %parallel_loop3A_406, %parallel_loop3A_407], %parallel_loop3A_410 {strides = array<i32>} : memref<2x32x1024xf32, #tpu.memory_space<vmem>>, vector<1x1x16xf32>,
        %parallel_loop3A_411 = arith.constant 0 : i32
        %parallel_loop3A_412 = arith.constant 20 : i32
        %parallel_loop3A_413 = arith.index_cast %parallel_loop3A_411 : i32 to index
        %parallel_loop3A_414 = arith.index_cast %parallel_loop3A_412 : i32 to index
        %parallel_loop3A_415 = arith.index_cast %parallel_loop3A_318 : i32 to index
        %parallel_loop3A_416 = tpu.vector_load %arg9[%parallel_loop3A_413, %parallel_loop3A_414, %parallel_loop3A_415] {strides = array<i32>} : memref<2x32x1024xf32, #tpu.memory_space<vmem>>, vector<1x1x16xf32>,
        %parallel_loop3A_417 = vector.shape_cast %parallel_loop3A_416 : vector<1x1x16xf32> to vector<16xf32>
        %parallel_loop3A_418 = arith.constant 1 : i32
        %parallel_loop3A_419 = arith.constant 4 : i32
        %parallel_loop3A_420 = arith.index_cast %parallel_loop3A_418 : i32 to index
        %parallel_loop3A_421 = arith.index_cast %parallel_loop3A_419 : i32 to index
        %parallel_loop3A_422 = arith.index_cast %parallel_loop3A_318 : i32 to index
        %parallel_loop3A_423 = tpu.vector_load %arg10[%parallel_loop3A_420, %parallel_loop3A_421, %parallel_loop3A_422] {strides = array<i32>} : memref<2x16x1024xf32, #tpu.memory_space<vmem>>, vector<1x1x16xf32>,
        %parallel_loop3A_424 = vector.shape_cast %parallel_loop3A_423 : vector<1x1x16xf32> to vector<16xf32>
        %parallel_loop3A_425 = arith.addf %parallel_loop3A_417, %parallel_loop3A_424 : vector<16xf32>
        %parallel_loop3A_426 = arith.constant 0 : i32
        %parallel_loop3A_427 = arith.constant 20 : i32
        %parallel_loop3A_428 = arith.index_cast %parallel_loop3A_426 : i32 to index
        %parallel_loop3A_429 = arith.index_cast %parallel_loop3A_427 : i32 to index
        %parallel_loop3A_430 = arith.index_cast %parallel_loop3A_318 : i32 to index
        %parallel_loop3A_431 = tpu.vector_load %arg9[%parallel_loop3A_428, %parallel_loop3A_429, %parallel_loop3A_430] {strides = array<i32>} : memref<2x32x1024xf32, #tpu.memory_space<vmem>>, vector<1x1x16xf32>,
        %parallel_loop3A_432 = vector.shape_cast %parallel_loop3A_431 : vector<1x1x16xf32> to vector<16xf32>
        %parallel_loop3A_433 = vector.shape_cast %parallel_loop3A_425 : vector<16xf32> to vector<1x1x16xf32>
        tpu.vector_store %arg9[%parallel_loop3A_428, %parallel_loop3A_429, %parallel_loop3A_430], %parallel_loop3A_433 {strides = array<i32>} : memref<2x32x1024xf32, #tpu.memory_space<vmem>>, vector<1x1x16xf32>,
        %parallel_loop3A_434 = arith.constant 0 : i32
        %parallel_loop3A_435 = arith.constant 21 : i32
        %parallel_loop3A_436 = arith.index_cast %parallel_loop3A_434 : i32 to index
        %parallel_loop3A_437 = arith.index_cast %parallel_loop3A_435 : i32 to index
        %parallel_loop3A_438 = arith.index_cast %parallel_loop3A_318 : i32 to index
        %parallel_loop3A_439 = tpu.vector_load %arg9[%parallel_loop3A_436, %parallel_loop3A_437, %parallel_loop3A_438] {strides = array<i32>} : memref<2x32x1024xf32, #tpu.memory_space<vmem>>, vector<1x1x16xf32>,
        %parallel_loop3A_440 = vector.shape_cast %parallel_loop3A_439 : vector<1x1x16xf32> to vector<16xf32>
        %parallel_loop3A_441 = arith.constant 1 : i32
        %parallel_loop3A_442 = arith.constant 5 : i32
        %parallel_loop3A_443 = arith.index_cast %parallel_loop3A_441 : i32 to index
        %parallel_loop3A_444 = arith.index_cast %parallel_loop3A_442 : i32 to index
        %parallel_loop3A_445 = arith.index_cast %parallel_loop3A_318 : i32 to index
        %parallel_loop3A_446 = tpu.vector_load %arg10[%parallel_loop3A_443, %parallel_loop3A_444, %parallel_loop3A_445] {strides = array<i32>} : memref<2x16x1024xf32, #tpu.memory_space<vmem>>, vector<1x1x16xf32>,
        %parallel_loop3A_447 = vector.shape_cast %parallel_loop3A_446 : vector<1x1x16xf32> to vector<16xf32>
        %parallel_loop3A_448 = arith.addf %parallel_loop3A_440, %parallel_loop3A_447 : vector<16xf32>
        %parallel_loop3A_449 = arith.constant 0 : i32
        %parallel_loop3A_450 = arith.constant 21 : i32
        %parallel_loop3A_451 = arith.index_cast %parallel_loop3A_449 : i32 to index
        %parallel_loop3A_452 = arith.index_cast %parallel_loop3A_450 : i32 to index
        %parallel_loop3A_453 = arith.index_cast %parallel_loop3A_318 : i32 to index
        %parallel_loop3A_454 = tpu.vector_load %arg9[%parallel_loop3A_451, %parallel_loop3A_452, %parallel_loop3A_453] {strides = array<i32>} : memref<2x32x1024xf32, #tpu.memory_space<vmem>>, vector<1x1x16xf32>,
        %parallel_loop3A_455 = vector.shape_cast %parallel_loop3A_454 : vector<1x1x16xf32> to vector<16xf32>
        %parallel_loop3A_456 = vector.shape_cast %parallel_loop3A_448 : vector<16xf32> to vector<1x1x16xf32>
        tpu.vector_store %arg9[%parallel_loop3A_451, %parallel_loop3A_452, %parallel_loop3A_453], %parallel_loop3A_456 {strides = array<i32>} : memref<2x32x1024xf32, #tpu.memory_space<vmem>>, vector<1x1x16xf32>,
        %parallel_loop3A_457 = arith.constant 0 : i32
        %parallel_loop3A_458 = arith.constant 22 : i32
        %parallel_loop3A_459 = arith.index_cast %parallel_loop3A_457 : i32 to index
        %parallel_loop3A_460 = arith.index_cast %parallel_loop3A_458 : i32 to index
        %parallel_loop3A_461 = arith.index_cast %parallel_loop3A_318 : i32 to index
        %parallel_loop3A_462 = tpu.vector_load %arg9[%parallel_loop3A_459, %parallel_loop3A_460, %parallel_loop3A_461] {strides = array<i32>} : memref<2x32x1024xf32, #tpu.memory_space<vmem>>, vector<1x1x16xf32>,
        %parallel_loop3A_463 = vector.shape_cast %parallel_loop3A_462 : vector<1x1x16xf32> to vector<16xf32>
        %parallel_loop3A_464 = arith.constant 1 : i32
        %parallel_loop3A_465 = arith.constant 6 : i32
        %parallel_loop3A_466 = arith.index_cast %parallel_loop3A_464 : i32 to index
        %parallel_loop3A_467 = arith.index_cast %parallel_loop3A_465 : i32 to index
        %parallel_loop3A_468 = arith.index_cast %parallel_loop3A_318 : i32 to index
        %parallel_loop3A_469 = tpu.vector_load %arg10[%parallel_loop3A_466, %parallel_loop3A_467, %parallel_loop3A_468] {strides = array<i32>} : memref<2x16x1024xf32, #tpu.memory_space<vmem>>, vector<1x1x16xf32>,
        %parallel_loop3A_470 = vector.shape_cast %parallel_loop3A_469 : vector<1x1x16xf32> to vector<16xf32>
        %parallel_loop3A_471 = arith.addf %parallel_loop3A_463, %parallel_loop3A_470 : vector<16xf32>
        %parallel_loop3A_472 = arith.constant 0 : i32
        %parallel_loop3A_473 = arith.constant 22 : i32
        %parallel_loop3A_474 = arith.index_cast %parallel_loop3A_472 : i32 to index
        %parallel_loop3A_475 = arith.index_cast %parallel_loop3A_473 : i32 to index
        %parallel_loop3A_476 = arith.index_cast %parallel_loop3A_318 : i32 to index
        %parallel_loop3A_477 = tpu.vector_load %arg9[%parallel_loop3A_474, %parallel_loop3A_475, %parallel_loop3A_476] {strides = array<i32>} : memref<2x32x1024xf32, #tpu.memory_space<vmem>>, vector<1x1x16xf32>,
        %parallel_loop3A_478 = vector.shape_cast %parallel_loop3A_477 : vector<1x1x16xf32> to vector<16xf32>
        %parallel_loop3A_479 = vector.shape_cast %parallel_loop3A_471 : vector<16xf32> to vector<1x1x16xf32>
        tpu.vector_store %arg9[%parallel_loop3A_474, %parallel_loop3A_475, %parallel_loop3A_476], %parallel_loop3A_479 {strides = array<i32>} : memref<2x32x1024xf32, #tpu.memory_space<vmem>>, vector<1x1x16xf32>,
        %parallel_loop3A_480 = arith.constant 0 : i32
        %parallel_loop3A_481 = arith.constant 23 : i32
        %parallel_loop3A_482 = arith.index_cast %parallel_loop3A_480 : i32 to index
        %parallel_loop3A_483 = arith.index_cast %parallel_loop3A_481 : i32 to index
        %parallel_loop3A_484 = arith.index_cast %parallel_loop3A_318 : i32 to index
        %parallel_loop3A_485 = tpu.vector_load %arg9[%parallel_loop3A_482, %parallel_loop3A_483, %parallel_loop3A_484] {strides = array<i32>} : memref<2x32x1024xf32, #tpu.memory_space<vmem>>, vector<1x1x16xf32>,
        %parallel_loop3A_486 = vector.shape_cast %parallel_loop3A_485 : vector<1x1x16xf32> to vector<16xf32>
        %parallel_loop3A_487 = arith.constant 1 : i32
        %parallel_loop3A_488 = arith.constant 7 : i32
        %parallel_loop3A_489 = arith.index_cast %parallel_loop3A_487 : i32 to index
        %parallel_loop3A_490 = arith.index_cast %parallel_loop3A_488 : i32 to index
        %parallel_loop3A_491 = arith.index_cast %parallel_loop3A_318 : i32 to index
        %parallel_loop3A_492 = tpu.vector_load %arg10[%parallel_loop3A_489, %parallel_loop3A_490, %parallel_loop3A_491] {strides = array<i32>} : memref<2x16x1024xf32, #tpu.memory_space<vmem>>, vector<1x1x16xf32>,
        %parallel_loop3A_493 = vector.shape_cast %parallel_loop3A_492 : vector<1x1x16xf32> to vector<16xf32>
        %parallel_loop3A_494 = arith.addf %parallel_loop3A_486, %parallel_loop3A_493 : vector<16xf32>
        %parallel_loop3A_495 = arith.constant 0 : i32
        %parallel_loop3A_496 = arith.constant 23 : i32
        %parallel_loop3A_497 = arith.index_cast %parallel_loop3A_495 : i32 to index
        %parallel_loop3A_498 = arith.index_cast %parallel_loop3A_496 : i32 to index
        %parallel_loop3A_499 = arith.index_cast %parallel_loop3A_318 : i32 to index
        %parallel_loop3A_500 = tpu.vector_load %arg9[%parallel_loop3A_497, %parallel_loop3A_498, %parallel_loop3A_499] {strides = array<i32>} : memref<2x32x1024xf32, #tpu.memory_space<vmem>>, vector<1x1x16xf32>,
        %parallel_loop3A_501 = vector.shape_cast %parallel_loop3A_500 : vector<1x1x16xf32> to vector<16xf32>
        %parallel_loop3A_502 = vector.shape_cast %parallel_loop3A_494 : vector<16xf32> to vector<1x1x16xf32>
        tpu.vector_store %arg9[%parallel_loop3A_497, %parallel_loop3A_498, %parallel_loop3A_499], %parallel_loop3A_502 {strides = array<i32>} : memref<2x32x1024xf32, #tpu.memory_space<vmem>>, vector<1x1x16xf32>,
        %parallel_loop3A_503 = arith.constant 0 : i32
        %parallel_loop3A_504 = arith.constant 24 : i32
        %parallel_loop3A_505 = arith.index_cast %parallel_loop3A_503 : i32 to index
        %parallel_loop3A_506 = arith.index_cast %parallel_loop3A_504 : i32 to index
        %parallel_loop3A_507 = arith.index_cast %parallel_loop3A_318 : i32 to index
        %parallel_loop3A_508 = tpu.vector_load %arg9[%parallel_loop3A_505, %parallel_loop3A_506, %parallel_loop3A_507] {strides = array<i32>} : memref<2x32x1024xf32, #tpu.memory_space<vmem>>, vector<1x1x16xf32>,
        %parallel_loop3A_509 = vector.shape_cast %parallel_loop3A_508 : vector<1x1x16xf32> to vector<16xf32>
        %parallel_loop3A_510 = arith.constant 1 : i32
        %parallel_loop3A_511 = arith.constant 8 : i32
        %parallel_loop3A_512 = arith.index_cast %parallel_loop3A_510 : i32 to index
        %parallel_loop3A_513 = arith.index_cast %parallel_loop3A_511 : i32 to index
        %parallel_loop3A_514 = arith.index_cast %parallel_loop3A_318 : i32 to index
        %parallel_loop3A_515 = tpu.vector_load %arg10[%parallel_loop3A_512, %parallel_loop3A_513, %parallel_loop3A_514] {strides = array<i32>} : memref<2x16x1024xf32, #tpu.memory_space<vmem>>, vector<1x1x16xf32>,
        %parallel_loop3A_516 = vector.shape_cast %parallel_loop3A_515 : vector<1x1x16xf32> to vector<16xf32>
        %parallel_loop3A_517 = arith.addf %parallel_loop3A_509, %parallel_loop3A_516 : vector<16xf32>
        %parallel_loop3A_518 = arith.constant 0 : i32
        %parallel_loop3A_519 = arith.constant 24 : i32
        %parallel_loop3A_520 = arith.index_cast %parallel_loop3A_518 : i32 to index
        %parallel_loop3A_521 = arith.index_cast %parallel_loop3A_519 : i32 to index
        %parallel_loop3A_522 = arith.index_cast %parallel_loop3A_318 : i32 to index
        %parallel_loop3A_523 = tpu.vector_load %arg9[%parallel_loop3A_520, %parallel_loop3A_521, %parallel_loop3A_522] {strides = array<i32>} : memref<2x32x1024xf32, #tpu.memory_space<vmem>>, vector<1x1x16xf32>,
        %parallel_loop3A_524 = vector.shape_cast %parallel_loop3A_523 : vector<1x1x16xf32> to vector<16xf32>
        %parallel_loop3A_525 = vector.shape_cast %parallel_loop3A_517 : vector<16xf32> to vector<1x1x16xf32>
        tpu.vector_store %arg9[%parallel_loop3A_520, %parallel_loop3A_521, %parallel_loop3A_522], %parallel_loop3A_525 {strides = array<i32>} : memref<2x32x1024xf32, #tpu.memory_space<vmem>>, vector<1x1x16xf32>,
        %parallel_loop3A_526 = arith.constant 0 : i32
        %parallel_loop3A_527 = arith.constant 25 : i32
        %parallel_loop3A_528 = arith.index_cast %parallel_loop3A_526 : i32 to index
        %parallel_loop3A_529 = arith.index_cast %parallel_loop3A_527 : i32 to index
        %parallel_loop3A_530 = arith.index_cast %parallel_loop3A_318 : i32 to index
        %parallel_loop3A_531 = tpu.vector_load %arg9[%parallel_loop3A_528, %parallel_loop3A_529, %parallel_loop3A_530] {strides = array<i32>} : memref<2x32x1024xf32, #tpu.memory_space<vmem>>, vector<1x1x16xf32>,
        %parallel_loop3A_532 = vector.shape_cast %parallel_loop3A_531 : vector<1x1x16xf32> to vector<16xf32>
        %parallel_loop3A_533 = arith.constant 1 : i32
        %parallel_loop3A_534 = arith.constant 9 : i32
        %parallel_loop3A_535 = arith.index_cast %parallel_loop3A_533 : i32 to index
        %parallel_loop3A_536 = arith.index_cast %parallel_loop3A_534 : i32 to index
        %parallel_loop3A_537 = arith.index_cast %parallel_loop3A_318 : i32 to index
        %parallel_loop3A_538 = tpu.vector_load %arg10[%parallel_loop3A_535, %parallel_loop3A_536, %parallel_loop3A_537] {strides = array<i32>} : memref<2x16x1024xf32, #tpu.memory_space<vmem>>, vector<1x1x16xf32>,
        %parallel_loop3A_539 = vector.shape_cast %parallel_loop3A_538 : vector<1x1x16xf32> to vector<16xf32>
        %parallel_loop3A_540 = arith.addf %parallel_loop3A_532, %parallel_loop3A_539 : vector<16xf32>
        %parallel_loop3A_541 = arith.constant 0 : i32
        %parallel_loop3A_542 = arith.constant 25 : i32
        %parallel_loop3A_543 = arith.index_cast %parallel_loop3A_541 : i32 to index
        %parallel_loop3A_544 = arith.index_cast %parallel_loop3A_542 : i32 to index
        %parallel_loop3A_545 = arith.index_cast %parallel_loop3A_318 : i32 to index
        %parallel_loop3A_546 = tpu.vector_load %arg9[%parallel_loop3A_543, %parallel_loop3A_544, %parallel_loop3A_545] {strides = array<i32>} : memref<2x32x1024xf32, #tpu.memory_space<vmem>>, vector<1x1x16xf32>,
        %parallel_loop3A_547 = vector.shape_cast %parallel_loop3A_546 : vector<1x1x16xf32> to vector<16xf32>
        %parallel_loop3A_548 = vector.shape_cast %parallel_loop3A_540 : vector<16xf32> to vector<1x1x16xf32>
        tpu.vector_store %arg9[%parallel_loop3A_543, %parallel_loop3A_544, %parallel_loop3A_545], %parallel_loop3A_548 {strides = array<i32>} : memref<2x32x1024xf32, #tpu.memory_space<vmem>>, vector<1x1x16xf32>,
        %parallel_loop3A_549 = arith.constant 0 : i32
        %parallel_loop3A_550 = arith.constant 26 : i32
        %parallel_loop3A_551 = arith.index_cast %parallel_loop3A_549 : i32 to index
        %parallel_loop3A_552 = arith.index_cast %parallel_loop3A_550 : i32 to index
        %parallel_loop3A_553 = arith.index_cast %parallel_loop3A_318 : i32 to index
        %parallel_loop3A_554 = tpu.vector_load %arg9[%parallel_loop3A_551, %parallel_loop3A_552, %parallel_loop3A_553] {strides = array<i32>} : memref<2x32x1024xf32, #tpu.memory_space<vmem>>, vector<1x1x16xf32>,
        %parallel_loop3A_555 = vector.shape_cast %parallel_loop3A_554 : vector<1x1x16xf32> to vector<16xf32>
        %parallel_loop3A_556 = arith.constant 1 : i32
        %parallel_loop3A_557 = arith.constant 10 : i32
        %parallel_loop3A_558 = arith.index_cast %parallel_loop3A_556 : i32 to index
        %parallel_loop3A_559 = arith.index_cast %parallel_loop3A_557 : i32 to index
        %parallel_loop3A_560 = arith.index_cast %parallel_loop3A_318 : i32 to index
        %parallel_loop3A_561 = tpu.vector_load %arg10[%parallel_loop3A_558, %parallel_loop3A_559, %parallel_loop3A_560] {strides = array<i32>} : memref<2x16x1024xf32, #tpu.memory_space<vmem>>, vector<1x1x16xf32>,
        %parallel_loop3A_562 = vector.shape_cast %parallel_loop3A_561 : vector<1x1x16xf32> to vector<16xf32>
        %parallel_loop3A_563 = arith.addf %parallel_loop3A_555, %parallel_loop3A_562 : vector<16xf32>
        %parallel_loop3A_564 = arith.constant 0 : i32
        %parallel_loop3A_565 = arith.constant 26 : i32
        %parallel_loop3A_566 = arith.index_cast %parallel_loop3A_564 : i32 to index
        %parallel_loop3A_567 = arith.index_cast %parallel_loop3A_565 : i32 to index
        %parallel_loop3A_568 = arith.index_cast %parallel_loop3A_318 : i32 to index
        %parallel_loop3A_569 = tpu.vector_load %arg9[%parallel_loop3A_566, %parallel_loop3A_567, %parallel_loop3A_568] {strides = array<i32>} : memref<2x32x1024xf32, #tpu.memory_space<vmem>>, vector<1x1x16xf32>,
        %parallel_loop3A_570 = vector.shape_cast %parallel_loop3A_569 : vector<1x1x16xf32> to vector<16xf32>
        %parallel_loop3A_571 = vector.shape_cast %parallel_loop3A_563 : vector<16xf32> to vector<1x1x16xf32>
        tpu.vector_store %arg9[%parallel_loop3A_566, %parallel_loop3A_567, %parallel_loop3A_568], %parallel_loop3A_571 {strides = array<i32>} : memref<2x32x1024xf32, #tpu.memory_space<vmem>>, vector<1x1x16xf32>,
        %parallel_loop3A_572 = arith.constant 0 : i32
        %parallel_loop3A_573 = arith.constant 27 : i32
        %parallel_loop3A_574 = arith.index_cast %parallel_loop3A_572 : i32 to index
        %parallel_loop3A_575 = arith.index_cast %parallel_loop3A_573 : i32 to index
        %parallel_loop3A_576 = arith.index_cast %parallel_loop3A_318 : i32 to index
        %parallel_loop3A_577 = tpu.vector_load %arg9[%parallel_loop3A_574, %parallel_loop3A_575, %parallel_loop3A_576] {strides = array<i32>} : memref<2x32x1024xf32, #tpu.memory_space<vmem>>, vector<1x1x16xf32>,
        %parallel_loop3A_578 = vector.shape_cast %parallel_loop3A_577 : vector<1x1x16xf32> to vector<16xf32>
        %parallel_loop3A_579 = arith.constant 1 : i32
        %parallel_loop3A_580 = arith.constant 11 : i32
        %parallel_loop3A_581 = arith.index_cast %parallel_loop3A_579 : i32 to index
        %parallel_loop3A_582 = arith.index_cast %parallel_loop3A_580 : i32 to index
        %parallel_loop3A_583 = arith.index_cast %parallel_loop3A_318 : i32 to index
        %parallel_loop3A_584 = tpu.vector_load %arg10[%parallel_loop3A_581, %parallel_loop3A_582, %parallel_loop3A_583] {strides = array<i32>} : memref<2x16x1024xf32, #tpu.memory_space<vmem>>, vector<1x1x16xf32>,
        %parallel_loop3A_585 = vector.shape_cast %parallel_loop3A_584 : vector<1x1x16xf32> to vector<16xf32>
        %parallel_loop3A_586 = arith.addf %parallel_loop3A_578, %parallel_loop3A_585 : vector<16xf32>
        %parallel_loop3A_587 = arith.constant 0 : i32
        %parallel_loop3A_588 = arith.constant 27 : i32
        %parallel_loop3A_589 = arith.index_cast %parallel_loop3A_587 : i32 to index
        %parallel_loop3A_590 = arith.index_cast %parallel_loop3A_588 : i32 to index
        %parallel_loop3A_591 = arith.index_cast %parallel_loop3A_318 : i32 to index
        %parallel_loop3A_592 = tpu.vector_load %arg9[%parallel_loop3A_589, %parallel_loop3A_590, %parallel_loop3A_591] {strides = array<i32>} : memref<2x32x1024xf32, #tpu.memory_space<vmem>>, vector<1x1x16xf32>,
        %parallel_loop3A_593 = vector.shape_cast %parallel_loop3A_592 : vector<1x1x16xf32> to vector<16xf32>
        %parallel_loop3A_594 = vector.shape_cast %parallel_loop3A_586 : vector<16xf32> to vector<1x1x16xf32>
        tpu.vector_store %arg9[%parallel_loop3A_589, %parallel_loop3A_590, %parallel_loop3A_591], %parallel_loop3A_594 {strides = array<i32>} : memref<2x32x1024xf32, #tpu.memory_space<vmem>>, vector<1x1x16xf32>,
        %parallel_loop3A_595 = arith.constant 0 : i32
        %parallel_loop3A_596 = arith.constant 28 : i32
        %parallel_loop3A_597 = arith.index_cast %parallel_loop3A_595 : i32 to index
        %parallel_loop3A_598 = arith.index_cast %parallel_loop3A_596 : i32 to index
        %parallel_loop3A_599 = arith.index_cast %parallel_loop3A_318 : i32 to index
        %parallel_loop3A_600 = tpu.vector_load %arg9[%parallel_loop3A_597, %parallel_loop3A_598, %parallel_loop3A_599] {strides = array<i32>} : memref<2x32x1024xf32, #tpu.memory_space<vmem>>, vector<1x1x16xf32>,
        %parallel_loop3A_601 = vector.shape_cast %parallel_loop3A_600 : vector<1x1x16xf32> to vector<16xf32>
        %parallel_loop3A_602 = arith.constant 1 : i32
        %parallel_loop3A_603 = arith.constant 12 : i32
        %parallel_loop3A_604 = arith.index_cast %parallel_loop3A_602 : i32 to index
        %parallel_loop3A_605 = arith.index_cast %parallel_loop3A_603 : i32 to index
        %parallel_loop3A_606 = arith.index_cast %parallel_loop3A_318 : i32 to index
        %parallel_loop3A_607 = tpu.vector_load %arg10[%parallel_loop3A_604, %parallel_loop3A_605, %parallel_loop3A_606] {strides = array<i32>} : memref<2x16x1024xf32, #tpu.memory_space<vmem>>, vector<1x1x16xf32>,
        %parallel_loop3A_608 = vector.shape_cast %parallel_loop3A_607 : vector<1x1x16xf32> to vector<16xf32>
        %parallel_loop3A_609 = arith.addf %parallel_loop3A_601, %parallel_loop3A_608 : vector<16xf32>
        %parallel_loop3A_610 = arith.constant 0 : i32
        %parallel_loop3A_611 = arith.constant 28 : i32
        %parallel_loop3A_612 = arith.index_cast %parallel_loop3A_610 : i32 to index
        %parallel_loop3A_613 = arith.index_cast %parallel_loop3A_611 : i32 to index
        %parallel_loop3A_614 = arith.index_cast %parallel_loop3A_318 : i32 to index
        %parallel_loop3A_615 = tpu.vector_load %arg9[%parallel_loop3A_612, %parallel_loop3A_613, %parallel_loop3A_614] {strides = array<i32>} : memref<2x32x1024xf32, #tpu.memory_space<vmem>>, vector<1x1x16xf32>,
        %parallel_loop3A_616 = vector.shape_cast %parallel_loop3A_615 : vector<1x1x16xf32> to vector<16xf32>
        %parallel_loop3A_617 = vector.shape_cast %parallel_loop3A_609 : vector<16xf32> to vector<1x1x16xf32>
        tpu.vector_store %arg9[%parallel_loop3A_612, %parallel_loop3A_613, %parallel_loop3A_614], %parallel_loop3A_617 {strides = array<i32>} : memref<2x32x1024xf32, #tpu.memory_space<vmem>>, vector<1x1x16xf32>,
        %parallel_loop3A_618 = arith.constant 0 : i32
        %parallel_loop3A_619 = arith.constant 29 : i32
        %parallel_loop3A_620 = arith.index_cast %parallel_loop3A_618 : i32 to index
        %parallel_loop3A_621 = arith.index_cast %parallel_loop3A_619 : i32 to index
        %parallel_loop3A_622 = arith.index_cast %parallel_loop3A_318 : i32 to index
        %parallel_loop3A_623 = tpu.vector_load %arg9[%parallel_loop3A_620, %parallel_loop3A_621, %parallel_loop3A_622] {strides = array<i32>} : memref<2x32x1024xf32, #tpu.memory_space<vmem>>, vector<1x1x16xf32>,
        %parallel_loop3A_624 = vector.shape_cast %parallel_loop3A_623 : vector<1x1x16xf32> to vector<16xf32>
        %parallel_loop3A_625 = arith.constant 1 : i32
        %parallel_loop3A_626 = arith.constant 13 : i32
        %parallel_loop3A_627 = arith.index_cast %parallel_loop3A_625 : i32 to index
        %parallel_loop3A_628 = arith.index_cast %parallel_loop3A_626 : i32 to index
        %parallel_loop3A_629 = arith.index_cast %parallel_loop3A_318 : i32 to index
        %parallel_loop3A_630 = tpu.vector_load %arg10[%parallel_loop3A_627, %parallel_loop3A_628, %parallel_loop3A_629] {strides = array<i32>} : memref<2x16x1024xf32, #tpu.memory_space<vmem>>, vector<1x1x16xf32>,
        %parallel_loop3A_631 = vector.shape_cast %parallel_loop3A_630 : vector<1x1x16xf32> to vector<16xf32>
        %parallel_loop3A_632 = arith.addf %parallel_loop3A_624, %parallel_loop3A_631 : vector<16xf32>
        %parallel_loop3A_633 = arith.constant 0 : i32
        %parallel_loop3A_634 = arith.constant 29 : i32
        %parallel_loop3A_635 = arith.index_cast %parallel_loop3A_633 : i32 to index
        %parallel_loop3A_636 = arith.index_cast %parallel_loop3A_634 : i32 to index
        %parallel_loop3A_637 = arith.index_cast %parallel_loop3A_318 : i32 to index
        %parallel_loop3A_638 = tpu.vector_load %arg9[%parallel_loop3A_635, %parallel_loop3A_636, %parallel_loop3A_637] {strides = array<i32>} : memref<2x32x1024xf32, #tpu.memory_space<vmem>>, vector<1x1x16xf32>,
        %parallel_loop3A_639 = vector.shape_cast %parallel_loop3A_638 : vector<1x1x16xf32> to vector<16xf32>
        %parallel_loop3A_640 = vector.shape_cast %parallel_loop3A_632 : vector<16xf32> to vector<1x1x16xf32>
        tpu.vector_store %arg9[%parallel_loop3A_635, %parallel_loop3A_636, %parallel_loop3A_637], %parallel_loop3A_640 {strides = array<i32>} : memref<2x32x1024xf32, #tpu.memory_space<vmem>>, vector<1x1x16xf32>,
        %parallel_loop3A_641 = arith.constant 0 : i32
        %parallel_loop3A_642 = arith.constant 30 : i32
        %parallel_loop3A_643 = arith.index_cast %parallel_loop3A_641 : i32 to index
        %parallel_loop3A_644 = arith.index_cast %parallel_loop3A_642 : i32 to index
        %parallel_loop3A_645 = arith.index_cast %parallel_loop3A_318 : i32 to index
        %parallel_loop3A_646 = tpu.vector_load %arg9[%parallel_loop3A_643, %parallel_loop3A_644, %parallel_loop3A_645] {strides = array<i32>} : memref<2x32x1024xf32, #tpu.memory_space<vmem>>, vector<1x1x16xf32>,
        %parallel_loop3A_647 = vector.shape_cast %parallel_loop3A_646 : vector<1x1x16xf32> to vector<16xf32>
        %parallel_loop3A_648 = arith.constant 1 : i32
        %parallel_loop3A_649 = arith.constant 14 : i32
        %parallel_loop3A_650 = arith.index_cast %parallel_loop3A_648 : i32 to index
        %parallel_loop3A_651 = arith.index_cast %parallel_loop3A_649 : i32 to index
        %parallel_loop3A_652 = arith.index_cast %parallel_loop3A_318 : i32 to index
        %parallel_loop3A_653 = tpu.vector_load %arg10[%parallel_loop3A_650, %parallel_loop3A_651, %parallel_loop3A_652] {strides = array<i32>} : memref<2x16x1024xf32, #tpu.memory_space<vmem>>, vector<1x1x16xf32>,
        %parallel_loop3A_654 = vector.shape_cast %parallel_loop3A_653 : vector<1x1x16xf32> to vector<16xf32>
        %parallel_loop3A_655 = arith.addf %parallel_loop3A_647, %parallel_loop3A_654 : vector<16xf32>
        %parallel_loop3A_656 = arith.constant 0 : i32
        %parallel_loop3A_657 = arith.constant 30 : i32
        %parallel_loop3A_658 = arith.index_cast %parallel_loop3A_656 : i32 to index
        %parallel_loop3A_659 = arith.index_cast %parallel_loop3A_657 : i32 to index
        %parallel_loop3A_660 = arith.index_cast %parallel_loop3A_318 : i32 to index
        %parallel_loop3A_661 = tpu.vector_load %arg9[%parallel_loop3A_658, %parallel_loop3A_659, %parallel_loop3A_660] {strides = array<i32>} : memref<2x32x1024xf32, #tpu.memory_space<vmem>>, vector<1x1x16xf32>,
        %parallel_loop3A_662 = vector.shape_cast %parallel_loop3A_661 : vector<1x1x16xf32> to vector<16xf32>
        %parallel_loop3A_663 = vector.shape_cast %parallel_loop3A_655 : vector<16xf32> to vector<1x1x16xf32>
        tpu.vector_store %arg9[%parallel_loop3A_658, %parallel_loop3A_659, %parallel_loop3A_660], %parallel_loop3A_663 {strides = array<i32>} : memref<2x32x1024xf32, #tpu.memory_space<vmem>>, vector<1x1x16xf32>,
        %parallel_loop3A_664 = arith.constant 0 : i32
        %parallel_loop3A_665 = arith.constant 31 : i32
        %parallel_loop3A_666 = arith.index_cast %parallel_loop3A_664 : i32 to index
        %parallel_loop3A_667 = arith.index_cast %parallel_loop3A_665 : i32 to index
        %parallel_loop3A_668 = arith.index_cast %parallel_loop3A_318 : i32 to index
        %parallel_loop3A_669 = tpu.vector_load %arg9[%parallel_loop3A_666, %parallel_loop3A_667, %parallel_loop3A_668] {strides = array<i32>} : memref<2x32x1024xf32, #tpu.memory_space<vmem>>, vector<1x1x16xf32>,
        %parallel_loop3A_670 = vector.shape_cast %parallel_loop3A_669 : vector<1x1x16xf32> to vector<16xf32>
        %parallel_loop3A_671 = arith.constant 1 : i32
        %parallel_loop3A_672 = arith.constant 15 : i32
        %parallel_loop3A_673 = arith.index_cast %parallel_loop3A_671 : i32 to index
        %parallel_loop3A_674 = arith.index_cast %parallel_loop3A_672 : i32 to index
        %parallel_loop3A_675 = arith.index_cast %parallel_loop3A_318 : i32 to index
        %parallel_loop3A_676 = tpu.vector_load %arg10[%parallel_loop3A_673, %parallel_loop3A_674, %parallel_loop3A_675] {strides = array<i32>} : memref<2x16x1024xf32, #tpu.memory_space<vmem>>, vector<1x1x16xf32>,
        %parallel_loop3A_677 = vector.shape_cast %parallel_loop3A_676 : vector<1x1x16xf32> to vector<16xf32>
        %parallel_loop3A_678 = arith.addf %parallel_loop3A_670, %parallel_loop3A_677 : vector<16xf32>
        %parallel_loop3A_679 = arith.constant 0 : i32
        %parallel_loop3A_680 = arith.constant 31 : i32
        %parallel_loop3A_681 = arith.index_cast %parallel_loop3A_679 : i32 to index
        %parallel_loop3A_682 = arith.index_cast %parallel_loop3A_680 : i32 to index
        %parallel_loop3A_683 = arith.index_cast %parallel_loop3A_318 : i32 to index
        %parallel_loop3A_684 = tpu.vector_load %arg9[%parallel_loop3A_681, %parallel_loop3A_682, %parallel_loop3A_683] {strides = array<i32>} : memref<2x32x1024xf32, #tpu.memory_space<vmem>>, vector<1x1x16xf32>,
        %parallel_loop3A_685 = vector.shape_cast %parallel_loop3A_684 : vector<1x1x16xf32> to vector<16xf32>
        %parallel_loop3A_686 = vector.shape_cast %parallel_loop3A_678 : vector<16xf32> to vector<1x1x16xf32>
        tpu.vector_store %arg9[%parallel_loop3A_681, %parallel_loop3A_682, %parallel_loop3A_683], %parallel_loop3A_686 {strides = array<i32>} : memref<2x32x1024xf32, #tpu.memory_space<vmem>>, vector<1x1x16xf32>,
      } {sc.loop_unroll_factor = 1 : i64, sc.parallel_access}
      %add3A_187 = arith.constant 2 : i32
      %add3A_188 = arith.addi %add3A_169, %add3A_187 : i32
      %lt3A_189 = arith.constant 32 : i32
      %lt3A_190 = arith.cmpi slt, %add3A_188, %lt3A_189 : i32
      %convert_element_type3A_191 = arith.extui %lt3A_190 : i1 to i32
      %cond3A_192 = arith.constant 0 : i32
      %cond3A_193 = arith.cmpi ne, %convert_element_type3A_191, %cond3A_192 : i32
      scf.if %cond3A_193 {
        %add3A_316 = arith.constant 2 : i32
        %add3A_317 = arith.addi %add3A_169, %add3A_316 : i32
        %dma_start3A_318 = arith.constant 1 : i32
        %dma_start3A_319 = arith.constant 1 : i32
        %dma_start3A_320 = arith.constant 0 : i32
        %dma_start3A_321 = arith.constant 0 : i32
        %dma_start3A_322 = tpu.memref_slice %arg10[%dma_start3A_318, %dma_start3A_320, %dma_start3A_321] : memref<2x16x1024xf32, #tpu.memory_space<vmem>> -> memref<1x16x1024xf32, #tpu.memory_space<vmem>>
        %dma_start3A_323 = tpu.memref_squeeze %dma_start3A_322 : memref<1x16x1024xf32, #tpu.memory_space<vmem>> -> memref<16x1024xf32, #tpu.memory_space<vmem>>
        %dma_start3A_324 = arith.constant 0 : i32
        %dma_start3A_325 = tpu.memref_slice %arg8[%add3A_317, %dma_start3A_324] : memref<32x16xi32, #tpu.memory_space<vmem>> -> memref<1x16xi32, #tpu.memory_space<vmem>>
        %dma_start3A_326 = tpu.memref_squeeze %dma_start3A_325 : memref<1x16xi32, #tpu.memory_space<vmem>> -> memref<16xi32, #tpu.memory_space<vmem>>
        %dma_start3A_327 = arith.constant 0 : i32
        %dma_start3A_328 = arith.constant 0 : i32
        %dma_start3A_329 = tpu.memref_slice %arg5[%dma_start3A_327, %dma_start3A_328] : memref<8192x1024xf32, #tpu.memory_space<hbm>> -> memref<8192x1024xf32, #tpu.memory_space<hbm>>
        %dma_start3A_330 = tpu.memref_slice %arg12[%dma_start3A_319] : memref<2x!tpu.dma_semaphore, #tpu.memory_space<semaphore_mem>> -> memref<1x!tpu.dma_semaphore, #tpu.memory_space<semaphore_mem>>
        %dma_start3A_331 = tpu.memref_squeeze %dma_start3A_330 : memref<1x!tpu.dma_semaphore, #tpu.memory_space<semaphore_mem>> -> memref<!tpu.dma_semaphore, #tpu.memory_space<semaphore_mem>>
        tpu.enqueue_indirect_dma source(%dma_start3A_329 : memref<8192x1024xf32, #tpu.memory_space<hbm>>) target(%dma_start3A_323 : memref<16x1024xf32, #tpu.memory_space<vmem>>) offsets(%dma_start3A_326 : memref<16xi32, #tpu.memory_space<vmem>>) semaphore(%dma_start3A_331 : memref<!tpu.dma_semaphore, #tpu.memory_space<semaphore_mem>>)
      } else {
      }
      %mul3A_194 = arith.constant 32 : i32
      %mul3A_195 = arith.muli %add3A_116, %mul3A_194 : i32
      %add3A_196 = arith.addi %mul3A_2, %mul3A_195 : i32
      %dma_start3A_197 = arith.constant 0 : i32
      %dma_start3A_198 = arith.constant 0 : i32
      %dma_start3A_199 = arith.constant 0 : i32
      %dma_start3A_200 = arith.constant 0 : i32
      %dma_start3A_201 = tpu.memref_slice %arg9[%dma_start3A_197, %dma_start3A_199, %dma_start3A_200] : memref<2x32x1024xf32, #tpu.memory_space<vmem>> -> memref<1x32x1024xf32, #tpu.memory_space<vmem>>
      %dma_start3A_202 = tpu.memref_squeeze %dma_start3A_201 : memref<1x32x1024xf32, #tpu.memory_space<vmem>> -> memref<32x1024xf32, #tpu.memory_space<vmem>>
      %dma_start3A_203 = arith.constant 0 : i32
      %dma_start3A_204 = tpu.memref_slice %arg6[%add3A_196, %dma_start3A_203] : memref<16384x1024xf32, #tpu.memory_space<hbm>> -> memref<32x1024xf32, #tpu.memory_space<hbm>>
      %dma_start3A_205 = tpu.memref_slice %arg13[%dma_start3A_198] : memref<2x!tpu.dma_semaphore, #tpu.memory_space<semaphore_mem>> -> memref<1x!tpu.dma_semaphore, #tpu.memory_space<semaphore_mem>>
      %dma_start3A_206 = tpu.memref_squeeze %dma_start3A_205 : memref<1x!tpu.dma_semaphore, #tpu.memory_space<semaphore_mem>> -> memref<!tpu.dma_semaphore, #tpu.memory_space<semaphore_mem>>
      %dma_start3A_207 = arith.constant 0 : i32
      %dma_start3A_208 = tpu.memref_slice %arg6[%add3A_196, %dma_start3A_207] : memref<16384x1024xf32, #tpu.memory_space<hbm>> -> memref<32x1024xf32, #tpu.memory_space<hbm>>
      %dma_start3A_209 = arith.constant 0 : i32
      %dma_start3A_210 = arith.constant 0 : i32
      %dma_start3A_211 = tpu.memref_slice %arg9[%dma_start3A_197, %dma_start3A_209, %dma_start3A_210] : memref<2x32x1024xf32, #tpu.memory_space<vmem>> -> memref<1x32x1024xf32, #tpu.memory_space<vmem>>
      %dma_start3A_212 = tpu.memref_squeeze %dma_start3A_211 : memref<1x32x1024xf32, #tpu.memory_space<vmem>> -> memref<32x1024xf32, #tpu.memory_space<vmem>>
      tpu.enqueue_dma source(%dma_start3A_212 : memref<32x1024xf32, #tpu.memory_space<vmem>>) target(%dma_start3A_208 : memref<32x1024xf32, #tpu.memory_space<hbm>>) target_semaphore(%dma_start3A_206 : memref<!tpu.dma_semaphore, #tpu.memory_space<semaphore_mem>>)
      %add3A_213 = arith.constant 1 : i32
      %add3A_214 = arith.addi %add3A_114, %add3A_213 : i32
      %dma_wait3A_215 = arith.constant 1 : i32
      %dma_wait3A_216 = arith.constant 1 : i32
      %dma_wait3A_217 = arith.constant 0 : i32
      %dma_wait3A_218 = arith.constant 0 : i32
      %dma_wait3A_219 = tpu.memref_slice %arg9[%dma_wait3A_215, %dma_wait3A_217, %dma_wait3A_218] : memref<2x32x1024xf32, #tpu.memory_space<vmem>> -> memref<1x32x1024xf32, #tpu.memory_space<vmem>>
      %dma_wait3A_220 = tpu.memref_squeeze %dma_wait3A_219 : memref<1x32x1024xf32, #tpu.memory_space<vmem>> -> memref<32x1024xf32, #tpu.memory_space<vmem>>
      %dma_wait3A_221 = arith.constant 0 : i32
      %dma_wait3A_222 = tpu.memref_slice %arg7[%add3A_214, %dma_wait3A_221] : memref<16x32xi32, #tpu.memory_space<vmem>> -> memref<1x32xi32, #tpu.memory_space<vmem>>
      %dma_wait3A_223 = tpu.memref_squeeze %dma_wait3A_222 : memref<1x32xi32, #tpu.memory_space<vmem>> -> memref<32xi32, #tpu.memory_space<vmem>>
      %dma_wait3A_224 = arith.constant 0 : i32
      %dma_wait3A_225 = arith.constant 0 : i32
      %dma_wait3A_226 = tpu.memref_slice %arg4[%dma_wait3A_224, %dma_wait3A_225] : memref<100000x1024xf32, #tpu.memory_space<hbm>> -> memref<100000x1024xf32, #tpu.memory_space<hbm>>
      %dma_wait3A_227 = tpu.memref_slice %arg11[%dma_wait3A_216] : memref<2x!tpu.dma_semaphore, #tpu.memory_space<semaphore_mem>> -> memref<1x!tpu.dma_semaphore, #tpu.memory_space<semaphore_mem>>
      %dma_wait3A_228 = tpu.memref_squeeze %dma_wait3A_227 : memref<1x!tpu.dma_semaphore, #tpu.memory_space<semaphore_mem>> -> memref<!tpu.dma_semaphore, #tpu.memory_space<semaphore_mem>>
      tpu.wait_indirect_dma semaphore(%dma_wait3A_228 : memref<!tpu.dma_semaphore, #tpu.memory_space<semaphore_mem>>) src(%dma_wait3A_226 : memref<100000x1024xf32, #tpu.memory_space<hbm>>) dst(%dma_wait3A_220 : memref<32x1024xf32, #tpu.memory_space<vmem>>)
      %ge3A_229 = arith.constant 1 : i32
      %ge3A_230 = arith.cmpi sge, %add3A_214, %ge3A_229 : i32
      %convert_element_type3A_231 = arith.extui %ge3A_230 : i1 to i32
      %cond3A_232 = arith.constant 0 : i32
      %cond3A_233 = arith.cmpi ne, %convert_element_type3A_231, %cond3A_232 : i32
      scf.if %cond3A_233 {
        %dma_wait3A_316 = arith.constant 0 : i32
        %dma_wait3A_317 = arith.constant 0 : i32
        %dma_wait3A_318 = arith.constant 0 : i32
        %dma_wait3A_319 = arith.constant 0 : i32
        %dma_wait3A_320 = tpu.memref_slice %arg9[%dma_wait3A_316, %dma_wait3A_318, %dma_wait3A_319] : memref<2x32x1024xf32, #tpu.memory_space<vmem>> -> memref<1x32x1024xf32, #tpu.memory_space<vmem>>
        %dma_wait3A_321 = tpu.memref_squeeze %dma_wait3A_320 : memref<1x32x1024xf32, #tpu.memory_space<vmem>> -> memref<32x1024xf32, #tpu.memory_space<vmem>>
        %dma_wait3A_322 = arith.constant 0 : i32
        %dma_wait3A_323 = tpu.memref_slice %arg6[%mul3A_2, %dma_wait3A_322] : memref<16384x1024xf32, #tpu.memory_space<hbm>> -> memref<32x1024xf32, #tpu.memory_space<hbm>>
        %dma_wait3A_324 = tpu.memref_slice %arg13[%dma_wait3A_317] : memref<2x!tpu.dma_semaphore, #tpu.memory_space<semaphore_mem>> -> memref<1x!tpu.dma_semaphore, #tpu.memory_space<semaphore_mem>>
        %dma_wait3A_325 = tpu.memref_squeeze %dma_wait3A_324 : memref<1x!tpu.dma_semaphore, #tpu.memory_space<semaphore_mem>> -> memref<!tpu.dma_semaphore, #tpu.memory_space<semaphore_mem>>
        %dma_wait3A_326 = arith.constant 0 : i32
        %dma_wait3A_327 = tpu.memref_slice %arg6[%mul3A_2, %dma_wait3A_326] : memref<16384x1024xf32, #tpu.memory_space<hbm>> -> memref<32x1024xf32, #tpu.memory_space<hbm>>
        %dma_wait3A_328 = arith.constant 0 : i32
        %dma_wait3A_329 = arith.constant 0 : i32
        %dma_wait3A_330 = tpu.memref_slice %arg9[%dma_wait3A_316, %dma_wait3A_328, %dma_wait3A_329] : memref<2x32x1024xf32, #tpu.memory_space<vmem>> -> memref<1x32x1024xf32, #tpu.memory_space<vmem>>
        %dma_wait3A_331 = tpu.memref_squeeze %dma_wait3A_330 : memref<1x32x1024xf32, #tpu.memory_space<vmem>> -> memref<32x1024xf32, #tpu.memory_space<vmem>>
        tpu.wait_dma2 semaphore(%dma_wait3A_325 : memref<!tpu.dma_semaphore, #tpu.memory_space<semaphore_mem>>) src(%dma_wait3A_331 : memref<32x1024xf32, #tpu.memory_space<vmem>>) dst(%dma_wait3A_327 : memref<32x1024xf32, #tpu.memory_space<hbm>>)
      } else {
      }
      %add3A_234 = arith.constant 1 : i32
      %add3A_235 = arith.addi %add3A_214, %add3A_234 : i32
      %lt3A_236 = arith.constant 16 : i32
      %lt3A_237 = arith.cmpi slt, %add3A_235, %lt3A_236 : i32
      %convert_element_type3A_238 = arith.extui %lt3A_237 : i1 to i32
      %cond3A_239 = arith.constant 0 : i32
      %cond3A_240 = arith.cmpi ne, %convert_element_type3A_238, %cond3A_239 : i32
      scf.if %cond3A_240 {
        %add3A_316 = arith.constant 1 : i32
        %add3A_317 = arith.addi %add3A_214, %add3A_316 : i32
        %dma_start3A_318 = arith.constant 0 : i32
        %dma_start3A_319 = arith.constant 0 : i32
        %dma_start3A_320 = arith.constant 0 : i32
        %dma_start3A_321 = arith.constant 0 : i32
        %dma_start3A_322 = tpu.memref_slice %arg9[%dma_start3A_318, %dma_start3A_320, %dma_start3A_321] : memref<2x32x1024xf32, #tpu.memory_space<vmem>> -> memref<1x32x1024xf32, #tpu.memory_space<vmem>>
        %dma_start3A_323 = tpu.memref_squeeze %dma_start3A_322 : memref<1x32x1024xf32, #tpu.memory_space<vmem>> -> memref<32x1024xf32, #tpu.memory_space<vmem>>
        %dma_start3A_324 = arith.constant 0 : i32
        %dma_start3A_325 = tpu.memref_slice %arg7[%add3A_317, %dma_start3A_324] : memref<16x32xi32, #tpu.memory_space<vmem>> -> memref<1x32xi32, #tpu.memory_space<vmem>>
        %dma_start3A_326 = tpu.memref_squeeze %dma_start3A_325 : memref<1x32xi32, #tpu.memory_space<vmem>> -> memref<32xi32, #tpu.memory_space<vmem>>
        %dma_start3A_327 = arith.constant 0 : i32
        %dma_start3A_328 = arith.constant 0 : i32
        %dma_start3A_329 = tpu.memref_slice %arg4[%dma_start3A_327, %dma_start3A_328] : memref<100000x1024xf32, #tpu.memory_space<hbm>> -> memref<100000x1024xf32, #tpu.memory_space<hbm>>
        %dma_start3A_330 = tpu.memref_slice %arg11[%dma_start3A_319] : memref<2x!tpu.dma_semaphore, #tpu.memory_space<semaphore_mem>> -> memref<1x!tpu.dma_semaphore, #tpu.memory_space<semaphore_mem>>
        %dma_start3A_331 = tpu.memref_squeeze %dma_start3A_330 : memref<1x!tpu.dma_semaphore, #tpu.memory_space<semaphore_mem>> -> memref<!tpu.dma_semaphore, #tpu.memory_space<semaphore_mem>>
        tpu.enqueue_indirect_dma source(%dma_start3A_329 : memref<100000x1024xf32, #tpu.memory_space<hbm>>) target(%dma_start3A_323 : memref<32x1024xf32, #tpu.memory_space<vmem>>) offsets(%dma_start3A_326 : memref<32xi32, #tpu.memory_space<vmem>>) semaphore(%dma_start3A_331 : memref<!tpu.dma_semaphore, #tpu.memory_space<semaphore_mem>>)
      } else {
      }
      %mul3A_241 = arith.constant 2 : i32
      %mul3A_242 = arith.muli %mul3A_241, %add3A_214 : i32
      %add3A_243 = arith.constant 0 : i32
      %add3A_244 = arith.addi %mul3A_242, %add3A_243 : i32
      %dma_wait3A_245 = arith.constant 0 : i32
      %dma_wait3A_246 = arith.constant 0 : i32
      %dma_wait3A_247 = arith.constant 0 : i32
      %dma_wait3A_248 = arith.constant 0 : i32
      %dma_wait3A_249 = tpu.memref_slice %arg10[%dma_wait3A_245, %dma_wait3A_247, %dma_wait3A_248] : memref<2x16x1024xf32, #tpu.memory_space<vmem>> -> memref<1x16x1024xf32, #tpu.memory_space<vmem>>
      %dma_wait3A_250 = tpu.memref_squeeze %dma_wait3A_249 : memref<1x16x1024xf32, #tpu.memory_space<vmem>> -> memref<16x1024xf32, #tpu.memory_space<vmem>>
      %dma_wait3A_251 = arith.constant 0 : i32
      %dma_wait3A_252 = tpu.memref_slice %arg8[%add3A_244, %dma_wait3A_251] : memref<32x16xi32, #tpu.memory_space<vmem>> -> memref<1x16xi32, #tpu.memory_space<vmem>>
      %dma_wait3A_253 = tpu.memref_squeeze %dma_wait3A_252 : memref<1x16xi32, #tpu.memory_space<vmem>> -> memref<16xi32, #tpu.memory_space<vmem>>
      %dma_wait3A_254 = arith.constant 0 : i32
      %dma_wait3A_255 = arith.constant 0 : i32
      %dma_wait3A_256 = tpu.memref_slice %arg5[%dma_wait3A_254, %dma_wait3A_255] : memref<8192x1024xf32, #tpu.memory_space<hbm>> -> memref<8192x1024xf32, #tpu.memory_space<hbm>>
      %dma_wait3A_257 = tpu.memref_slice %arg12[%dma_wait3A_246] : memref<2x!tpu.dma_semaphore, #tpu.memory_space<semaphore_mem>> -> memref<1x!tpu.dma_semaphore, #tpu.memory_space<semaphore_mem>>
      %dma_wait3A_258 = tpu.memref_squeeze %dma_wait3A_257 : memref<1x!tpu.dma_semaphore, #tpu.memory_space<semaphore_mem>> -> memref<!tpu.dma_semaphore, #tpu.memory_space<semaphore_mem>>
      tpu.wait_indirect_dma semaphore(%dma_wait3A_258 : memref<!tpu.dma_semaphore, #tpu.memory_space<semaphore_mem>>) src(%dma_wait3A_256 : memref<8192x1024xf32, #tpu.memory_space<hbm>>) dst(%dma_wait3A_250 : memref<16x1024xf32, #tpu.memory_space<vmem>>)
      %parallel_loop3A_259 = arith.constant 0 : i32
      %parallel_loop3A_260 = arith.constant 64 : i32
      %parallel_loop3A_261 = arith.constant 1 : i32
      scf.for %parallel_loop3A_316 = %parallel_loop3A_259 to %parallel_loop3A_260 step %parallel_loop3A_261  : i32 {
        %parallel_loop3A_317 = arith.constant 16 : i32
        %parallel_loop3A_318 = arith.muli %parallel_loop3A_316, %parallel_loop3A_317 : i32
        %parallel_loop3A_319 = arith.constant 1 : i32
        %parallel_loop3A_320 = arith.constant 0 : i32
        %parallel_loop3A_321 = arith.index_cast %parallel_loop3A_319 : i32 to index
        %parallel_loop3A_322 = arith.index_cast %parallel_loop3A_320 : i32 to index
        %parallel_loop3A_323 = arith.index_cast %parallel_loop3A_318 : i32 to index
        %parallel_loop3A_324 = tpu.vector_load %arg9[%parallel_loop3A_321, %parallel_loop3A_322, %parallel_loop3A_323] {strides = array<i32>} : memref<2x32x1024xf32, #tpu.memory_space<vmem>>, vector<1x1x16xf32>,
        %parallel_loop3A_325 = vector.shape_cast %parallel_loop3A_324 : vector<1x1x16xf32> to vector<16xf32>
        %parallel_loop3A_326 = arith.constant 0 : i32
        %parallel_loop3A_327 = arith.constant 0 : i32
        %parallel_loop3A_328 = arith.index_cast %parallel_loop3A_326 : i32 to index
        %parallel_loop3A_329 = arith.index_cast %parallel_loop3A_327 : i32 to index
        %parallel_loop3A_330 = arith.index_cast %parallel_loop3A_318 : i32 to index
        %parallel_loop3A_331 = tpu.vector_load %arg10[%parallel_loop3A_328, %parallel_loop3A_329, %parallel_loop3A_330] {strides = array<i32>} : memref<2x16x1024xf32, #tpu.memory_space<vmem>>, vector<1x1x16xf32>,
        %parallel_loop3A_332 = vector.shape_cast %parallel_loop3A_331 : vector<1x1x16xf32> to vector<16xf32>
        %parallel_loop3A_333 = arith.addf %parallel_loop3A_325, %parallel_loop3A_332 : vector<16xf32>
        %parallel_loop3A_334 = arith.constant 1 : i32
        %parallel_loop3A_335 = arith.constant 0 : i32
        %parallel_loop3A_336 = arith.index_cast %parallel_loop3A_334 : i32 to index
        %parallel_loop3A_337 = arith.index_cast %parallel_loop3A_335 : i32 to index
        %parallel_loop3A_338 = arith.index_cast %parallel_loop3A_318 : i32 to index
        %parallel_loop3A_339 = tpu.vector_load %arg9[%parallel_loop3A_336, %parallel_loop3A_337, %parallel_loop3A_338] {strides = array<i32>} : memref<2x32x1024xf32, #tpu.memory_space<vmem>>, vector<1x1x16xf32>,
        %parallel_loop3A_340 = vector.shape_cast %parallel_loop3A_339 : vector<1x1x16xf32> to vector<16xf32>
        %parallel_loop3A_341 = vector.shape_cast %parallel_loop3A_333 : vector<16xf32> to vector<1x1x16xf32>
        tpu.vector_store %arg9[%parallel_loop3A_336, %parallel_loop3A_337, %parallel_loop3A_338], %parallel_loop3A_341 {strides = array<i32>} : memref<2x32x1024xf32, #tpu.memory_space<vmem>>, vector<1x1x16xf32>,
        %parallel_loop3A_342 = arith.constant 1 : i32
        %parallel_loop3A_343 = arith.constant 1 : i32
        %parallel_loop3A_344 = arith.index_cast %parallel_loop3A_342 : i32 to index
        %parallel_loop3A_345 = arith.index_cast %parallel_loop3A_343 : i32 to index
        %parallel_loop3A_346 = arith.index_cast %parallel_loop3A_318 : i32 to index
        %parallel_loop3A_347 = tpu.vector_load %arg9[%parallel_loop3A_344, %parallel_loop3A_345, %parallel_loop3A_346] {strides = array<i32>} : memref<2x32x1024xf32, #tpu.memory_space<vmem>>, vector<1x1x16xf32>,
        %parallel_loop3A_348 = vector.shape_cast %parallel_loop3A_347 : vector<1x1x16xf32> to vector<16xf32>
        %parallel_loop3A_349 = arith.constant 0 : i32
        %parallel_loop3A_350 = arith.constant 1 : i32
        %parallel_loop3A_351 = arith.index_cast %parallel_loop3A_349 : i32 to index
        %parallel_loop3A_352 = arith.index_cast %parallel_loop3A_350 : i32 to index
        %parallel_loop3A_353 = arith.index_cast %parallel_loop3A_318 : i32 to index
        %parallel_loop3A_354 = tpu.vector_load %arg10[%parallel_loop3A_351, %parallel_loop3A_352, %parallel_loop3A_353] {strides = array<i32>} : memref<2x16x1024xf32, #tpu.memory_space<vmem>>, vector<1x1x16xf32>,
        %parallel_loop3A_355 = vector.shape_cast %parallel_loop3A_354 : vector<1x1x16xf32> to vector<16xf32>
        %parallel_loop3A_356 = arith.addf %parallel_loop3A_348, %parallel_loop3A_355 : vector<16xf32>
        %parallel_loop3A_357 = arith.constant 1 : i32
        %parallel_loop3A_358 = arith.constant 1 : i32
        %parallel_loop3A_359 = arith.index_cast %parallel_loop3A_357 : i32 to index
        %parallel_loop3A_360 = arith.index_cast %parallel_loop3A_358 : i32 to index
        %parallel_loop3A_361 = arith.index_cast %parallel_loop3A_318 : i32 to index
        %parallel_loop3A_362 = tpu.vector_load %arg9[%parallel_loop3A_359, %parallel_loop3A_360, %parallel_loop3A_361] {strides = array<i32>} : memref<2x32x1024xf32, #tpu.memory_space<vmem>>, vector<1x1x16xf32>,
        %parallel_loop3A_363 = vector.shape_cast %parallel_loop3A_362 : vector<1x1x16xf32> to vector<16xf32>
        %parallel_loop3A_364 = vector.shape_cast %parallel_loop3A_356 : vector<16xf32> to vector<1x1x16xf32>
        tpu.vector_store %arg9[%parallel_loop3A_359, %parallel_loop3A_360, %parallel_loop3A_361], %parallel_loop3A_364 {strides = array<i32>} : memref<2x32x1024xf32, #tpu.memory_space<vmem>>, vector<1x1x16xf32>,
        %parallel_loop3A_365 = arith.constant 1 : i32
        %parallel_loop3A_366 = arith.constant 2 : i32
        %parallel_loop3A_367 = arith.index_cast %parallel_loop3A_365 : i32 to index
        %parallel_loop3A_368 = arith.index_cast %parallel_loop3A_366 : i32 to index
        %parallel_loop3A_369 = arith.index_cast %parallel_loop3A_318 : i32 to index
        %parallel_loop3A_370 = tpu.vector_load %arg9[%parallel_loop3A_367, %parallel_loop3A_368, %parallel_loop3A_369] {strides = array<i32>} : memref<2x32x1024xf32, #tpu.memory_space<vmem>>, vector<1x1x16xf32>,
        %parallel_loop3A_371 = vector.shape_cast %parallel_loop3A_370 : vector<1x1x16xf32> to vector<16xf32>
        %parallel_loop3A_372 = arith.constant 0 : i32
        %parallel_loop3A_373 = arith.constant 2 : i32
        %parallel_loop3A_374 = arith.index_cast %parallel_loop3A_372 : i32 to index
        %parallel_loop3A_375 = arith.index_cast %parallel_loop3A_373 : i32 to index
        %parallel_loop3A_376 = arith.index_cast %parallel_loop3A_318 : i32 to index
        %parallel_loop3A_377 = tpu.vector_load %arg10[%parallel_loop3A_374, %parallel_loop3A_375, %parallel_loop3A_376] {strides = array<i32>} : memref<2x16x1024xf32, #tpu.memory_space<vmem>>, vector<1x1x16xf32>,
        %parallel_loop3A_378 = vector.shape_cast %parallel_loop3A_377 : vector<1x1x16xf32> to vector<16xf32>
        %parallel_loop3A_379 = arith.addf %parallel_loop3A_371, %parallel_loop3A_378 : vector<16xf32>
        %parallel_loop3A_380 = arith.constant 1 : i32
        %parallel_loop3A_381 = arith.constant 2 : i32
        %parallel_loop3A_382 = arith.index_cast %parallel_loop3A_380 : i32 to index
        %parallel_loop3A_383 = arith.index_cast %parallel_loop3A_381 : i32 to index
        %parallel_loop3A_384 = arith.index_cast %parallel_loop3A_318 : i32 to index
        %parallel_loop3A_385 = tpu.vector_load %arg9[%parallel_loop3A_382, %parallel_loop3A_383, %parallel_loop3A_384] {strides = array<i32>} : memref<2x32x1024xf32, #tpu.memory_space<vmem>>, vector<1x1x16xf32>,
        %parallel_loop3A_386 = vector.shape_cast %parallel_loop3A_385 : vector<1x1x16xf32> to vector<16xf32>
        %parallel_loop3A_387 = vector.shape_cast %parallel_loop3A_379 : vector<16xf32> to vector<1x1x16xf32>
        tpu.vector_store %arg9[%parallel_loop3A_382, %parallel_loop3A_383, %parallel_loop3A_384], %parallel_loop3A_387 {strides = array<i32>} : memref<2x32x1024xf32, #tpu.memory_space<vmem>>, vector<1x1x16xf32>,
        %parallel_loop3A_388 = arith.constant 1 : i32
        %parallel_loop3A_389 = arith.constant 3 : i32
        %parallel_loop3A_390 = arith.index_cast %parallel_loop3A_388 : i32 to index
        %parallel_loop3A_391 = arith.index_cast %parallel_loop3A_389 : i32 to index
        %parallel_loop3A_392 = arith.index_cast %parallel_loop3A_318 : i32 to index
        %parallel_loop3A_393 = tpu.vector_load %arg9[%parallel_loop3A_390, %parallel_loop3A_391, %parallel_loop3A_392] {strides = array<i32>} : memref<2x32x1024xf32, #tpu.memory_space<vmem>>, vector<1x1x16xf32>,
        %parallel_loop3A_394 = vector.shape_cast %parallel_loop3A_393 : vector<1x1x16xf32> to vector<16xf32>
        %parallel_loop3A_395 = arith.constant 0 : i32
        %parallel_loop3A_396 = arith.constant 3 : i32
        %parallel_loop3A_397 = arith.index_cast %parallel_loop3A_395 : i32 to index
        %parallel_loop3A_398 = arith.index_cast %parallel_loop3A_396 : i32 to index
        %parallel_loop3A_399 = arith.index_cast %parallel_loop3A_318 : i32 to index
        %parallel_loop3A_400 = tpu.vector_load %arg10[%parallel_loop3A_397, %parallel_loop3A_398, %parallel_loop3A_399] {strides = array<i32>} : memref<2x16x1024xf32, #tpu.memory_space<vmem>>, vector<1x1x16xf32>,
        %parallel_loop3A_401 = vector.shape_cast %parallel_loop3A_400 : vector<1x1x16xf32> to vector<16xf32>
        %parallel_loop3A_402 = arith.addf %parallel_loop3A_394, %parallel_loop3A_401 : vector<16xf32>
        %parallel_loop3A_403 = arith.constant 1 : i32
        %parallel_loop3A_404 = arith.constant 3 : i32
        %parallel_loop3A_405 = arith.index_cast %parallel_loop3A_403 : i32 to index
        %parallel_loop3A_406 = arith.index_cast %parallel_loop3A_404 : i32 to index
        %parallel_loop3A_407 = arith.index_cast %parallel_loop3A_318 : i32 to index
        %parallel_loop3A_408 = tpu.vector_load %arg9[%parallel_loop3A_405, %parallel_loop3A_406, %parallel_loop3A_407] {strides = array<i32>} : memref<2x32x1024xf32, #tpu.memory_space<vmem>>, vector<1x1x16xf32>,
        %parallel_loop3A_409 = vector.shape_cast %parallel_loop3A_408 : vector<1x1x16xf32> to vector<16xf32>
        %parallel_loop3A_410 = vector.shape_cast %parallel_loop3A_402 : vector<16xf32> to vector<1x1x16xf32>
        tpu.vector_store %arg9[%parallel_loop3A_405, %parallel_loop3A_406, %parallel_loop3A_407], %parallel_loop3A_410 {strides = array<i32>} : memref<2x32x1024xf32, #tpu.memory_space<vmem>>, vector<1x1x16xf32>,
        %parallel_loop3A_411 = arith.constant 1 : i32
        %parallel_loop3A_412 = arith.constant 4 : i32
        %parallel_loop3A_413 = arith.index_cast %parallel_loop3A_411 : i32 to index
        %parallel_loop3A_414 = arith.index_cast %parallel_loop3A_412 : i32 to index
        %parallel_loop3A_415 = arith.index_cast %parallel_loop3A_318 : i32 to index
        %parallel_loop3A_416 = tpu.vector_load %arg9[%parallel_loop3A_413, %parallel_loop3A_414, %parallel_loop3A_415] {strides = array<i32>} : memref<2x32x1024xf32, #tpu.memory_space<vmem>>, vector<1x1x16xf32>,
        %parallel_loop3A_417 = vector.shape_cast %parallel_loop3A_416 : vector<1x1x16xf32> to vector<16xf32>
        %parallel_loop3A_418 = arith.constant 0 : i32
        %parallel_loop3A_419 = arith.constant 4 : i32
        %parallel_loop3A_420 = arith.index_cast %parallel_loop3A_418 : i32 to index
        %parallel_loop3A_421 = arith.index_cast %parallel_loop3A_419 : i32 to index
        %parallel_loop3A_422 = arith.index_cast %parallel_loop3A_318 : i32 to index
        %parallel_loop3A_423 = tpu.vector_load %arg10[%parallel_loop3A_420, %parallel_loop3A_421, %parallel_loop3A_422] {strides = array<i32>} : memref<2x16x1024xf32, #tpu.memory_space<vmem>>, vector<1x1x16xf32>,
        %parallel_loop3A_424 = vector.shape_cast %parallel_loop3A_423 : vector<1x1x16xf32> to vector<16xf32>
        %parallel_loop3A_425 = arith.addf %parallel_loop3A_417, %parallel_loop3A_424 : vector<16xf32>
        %parallel_loop3A_426 = arith.constant 1 : i32
        %parallel_loop3A_427 = arith.constant 4 : i32
        %parallel_loop3A_428 = arith.index_cast %parallel_loop3A_426 : i32 to index
        %parallel_loop3A_429 = arith.index_cast %parallel_loop3A_427 : i32 to index
        %parallel_loop3A_430 = arith.index_cast %parallel_loop3A_318 : i32 to index
        %parallel_loop3A_431 = tpu.vector_load %arg9[%parallel_loop3A_428, %parallel_loop3A_429, %parallel_loop3A_430] {strides = array<i32>} : memref<2x32x1024xf32, #tpu.memory_space<vmem>>, vector<1x1x16xf32>,
        %parallel_loop3A_432 = vector.shape_cast %parallel_loop3A_431 : vector<1x1x16xf32> to vector<16xf32>
        %parallel_loop3A_433 = vector.shape_cast %parallel_loop3A_425 : vector<16xf32> to vector<1x1x16xf32>
        tpu.vector_store %arg9[%parallel_loop3A_428, %parallel_loop3A_429, %parallel_loop3A_430], %parallel_loop3A_433 {strides = array<i32>} : memref<2x32x1024xf32, #tpu.memory_space<vmem>>, vector<1x1x16xf32>,
        %parallel_loop3A_434 = arith.constant 1 : i32
        %parallel_loop3A_435 = arith.constant 5 : i32
        %parallel_loop3A_436 = arith.index_cast %parallel_loop3A_434 : i32 to index
        %parallel_loop3A_437 = arith.index_cast %parallel_loop3A_435 : i32 to index
        %parallel_loop3A_438 = arith.index_cast %parallel_loop3A_318 : i32 to index
        %parallel_loop3A_439 = tpu.vector_load %arg9[%parallel_loop3A_436, %parallel_loop3A_437, %parallel_loop3A_438] {strides = array<i32>} : memref<2x32x1024xf32, #tpu.memory_space<vmem>>, vector<1x1x16xf32>,
        %parallel_loop3A_440 = vector.shape_cast %parallel_loop3A_439 : vector<1x1x16xf32> to vector<16xf32>
        %parallel_loop3A_441 = arith.constant 0 : i32
        %parallel_loop3A_442 = arith.constant 5 : i32
        %parallel_loop3A_443 = arith.index_cast %parallel_loop3A_441 : i32 to index
        %parallel_loop3A_444 = arith.index_cast %parallel_loop3A_442 : i32 to index
        %parallel_loop3A_445 = arith.index_cast %parallel_loop3A_318 : i32 to index
        %parallel_loop3A_446 = tpu.vector_load %arg10[%parallel_loop3A_443, %parallel_loop3A_444, %parallel_loop3A_445] {strides = array<i32>} : memref<2x16x1024xf32, #tpu.memory_space<vmem>>, vector<1x1x16xf32>,
        %parallel_loop3A_447 = vector.shape_cast %parallel_loop3A_446 : vector<1x1x16xf32> to vector<16xf32>
        %parallel_loop3A_448 = arith.addf %parallel_loop3A_440, %parallel_loop3A_447 : vector<16xf32>
        %parallel_loop3A_449 = arith.constant 1 : i32
        %parallel_loop3A_450 = arith.constant 5 : i32
        %parallel_loop3A_451 = arith.index_cast %parallel_loop3A_449 : i32 to index
        %parallel_loop3A_452 = arith.index_cast %parallel_loop3A_450 : i32 to index
        %parallel_loop3A_453 = arith.index_cast %parallel_loop3A_318 : i32 to index
        %parallel_loop3A_454 = tpu.vector_load %arg9[%parallel_loop3A_451, %parallel_loop3A_452, %parallel_loop3A_453] {strides = array<i32>} : memref<2x32x1024xf32, #tpu.memory_space<vmem>>, vector<1x1x16xf32>,
        %parallel_loop3A_455 = vector.shape_cast %parallel_loop3A_454 : vector<1x1x16xf32> to vector<16xf32>
        %parallel_loop3A_456 = vector.shape_cast %parallel_loop3A_448 : vector<16xf32> to vector<1x1x16xf32>
        tpu.vector_store %arg9[%parallel_loop3A_451, %parallel_loop3A_452, %parallel_loop3A_453], %parallel_loop3A_456 {strides = array<i32>} : memref<2x32x1024xf32, #tpu.memory_space<vmem>>, vector<1x1x16xf32>,
        %parallel_loop3A_457 = arith.constant 1 : i32
        %parallel_loop3A_458 = arith.constant 6 : i32
        %parallel_loop3A_459 = arith.index_cast %parallel_loop3A_457 : i32 to index
        %parallel_loop3A_460 = arith.index_cast %parallel_loop3A_458 : i32 to index
        %parallel_loop3A_461 = arith.index_cast %parallel_loop3A_318 : i32 to index
        %parallel_loop3A_462 = tpu.vector_load %arg9[%parallel_loop3A_459, %parallel_loop3A_460, %parallel_loop3A_461] {strides = array<i32>} : memref<2x32x1024xf32, #tpu.memory_space<vmem>>, vector<1x1x16xf32>,
        %parallel_loop3A_463 = vector.shape_cast %parallel_loop3A_462 : vector<1x1x16xf32> to vector<16xf32>
        %parallel_loop3A_464 = arith.constant 0 : i32
        %parallel_loop3A_465 = arith.constant 6 : i32
        %parallel_loop3A_466 = arith.index_cast %parallel_loop3A_464 : i32 to index
        %parallel_loop3A_467 = arith.index_cast %parallel_loop3A_465 : i32 to index
        %parallel_loop3A_468 = arith.index_cast %parallel_loop3A_318 : i32 to index
        %parallel_loop3A_469 = tpu.vector_load %arg10[%parallel_loop3A_466, %parallel_loop3A_467, %parallel_loop3A_468] {strides = array<i32>} : memref<2x16x1024xf32, #tpu.memory_space<vmem>>, vector<1x1x16xf32>,
        %parallel_loop3A_470 = vector.shape_cast %parallel_loop3A_469 : vector<1x1x16xf32> to vector<16xf32>
        %parallel_loop3A_471 = arith.addf %parallel_loop3A_463, %parallel_loop3A_470 : vector<16xf32>
        %parallel_loop3A_472 = arith.constant 1 : i32
        %parallel_loop3A_473 = arith.constant 6 : i32
        %parallel_loop3A_474 = arith.index_cast %parallel_loop3A_472 : i32 to index
        %parallel_loop3A_475 = arith.index_cast %parallel_loop3A_473 : i32 to index
        %parallel_loop3A_476 = arith.index_cast %parallel_loop3A_318 : i32 to index
        %parallel_loop3A_477 = tpu.vector_load %arg9[%parallel_loop3A_474, %parallel_loop3A_475, %parallel_loop3A_476] {strides = array<i32>} : memref<2x32x1024xf32, #tpu.memory_space<vmem>>, vector<1x1x16xf32>,
        %parallel_loop3A_478 = vector.shape_cast %parallel_loop3A_477 : vector<1x1x16xf32> to vector<16xf32>
        %parallel_loop3A_479 = vector.shape_cast %parallel_loop3A_471 : vector<16xf32> to vector<1x1x16xf32>
        tpu.vector_store %arg9[%parallel_loop3A_474, %parallel_loop3A_475, %parallel_loop3A_476], %parallel_loop3A_479 {strides = array<i32>} : memref<2x32x1024xf32, #tpu.memory_space<vmem>>, vector<1x1x16xf32>,
        %parallel_loop3A_480 = arith.constant 1 : i32
        %parallel_loop3A_481 = arith.constant 7 : i32
        %parallel_loop3A_482 = arith.index_cast %parallel_loop3A_480 : i32 to index
        %parallel_loop3A_483 = arith.index_cast %parallel_loop3A_481 : i32 to index
        %parallel_loop3A_484 = arith.index_cast %parallel_loop3A_318 : i32 to index
        %parallel_loop3A_485 = tpu.vector_load %arg9[%parallel_loop3A_482, %parallel_loop3A_483, %parallel_loop3A_484] {strides = array<i32>} : memref<2x32x1024xf32, #tpu.memory_space<vmem>>, vector<1x1x16xf32>,
        %parallel_loop3A_486 = vector.shape_cast %parallel_loop3A_485 : vector<1x1x16xf32> to vector<16xf32>
        %parallel_loop3A_487 = arith.constant 0 : i32
        %parallel_loop3A_488 = arith.constant 7 : i32
        %parallel_loop3A_489 = arith.index_cast %parallel_loop3A_487 : i32 to index
        %parallel_loop3A_490 = arith.index_cast %parallel_loop3A_488 : i32 to index
        %parallel_loop3A_491 = arith.index_cast %parallel_loop3A_318 : i32 to index
        %parallel_loop3A_492 = tpu.vector_load %arg10[%parallel_loop3A_489, %parallel_loop3A_490, %parallel_loop3A_491] {strides = array<i32>} : memref<2x16x1024xf32, #tpu.memory_space<vmem>>, vector<1x1x16xf32>,
        %parallel_loop3A_493 = vector.shape_cast %parallel_loop3A_492 : vector<1x1x16xf32> to vector<16xf32>
        %parallel_loop3A_494 = arith.addf %parallel_loop3A_486, %parallel_loop3A_493 : vector<16xf32>
        %parallel_loop3A_495 = arith.constant 1 : i32
        %parallel_loop3A_496 = arith.constant 7 : i32
        %parallel_loop3A_497 = arith.index_cast %parallel_loop3A_495 : i32 to index
        %parallel_loop3A_498 = arith.index_cast %parallel_loop3A_496 : i32 to index
        %parallel_loop3A_499 = arith.index_cast %parallel_loop3A_318 : i32 to index
        %parallel_loop3A_500 = tpu.vector_load %arg9[%parallel_loop3A_497, %parallel_loop3A_498, %parallel_loop3A_499] {strides = array<i32>} : memref<2x32x1024xf32, #tpu.memory_space<vmem>>, vector<1x1x16xf32>,
        %parallel_loop3A_501 = vector.shape_cast %parallel_loop3A_500 : vector<1x1x16xf32> to vector<16xf32>
        %parallel_loop3A_502 = vector.shape_cast %parallel_loop3A_494 : vector<16xf32> to vector<1x1x16xf32>
        tpu.vector_store %arg9[%parallel_loop3A_497, %parallel_loop3A_498, %parallel_loop3A_499], %parallel_loop3A_502 {strides = array<i32>} : memref<2x32x1024xf32, #tpu.memory_space<vmem>>, vector<1x1x16xf32>,
        %parallel_loop3A_503 = arith.constant 1 : i32
        %parallel_loop3A_504 = arith.constant 8 : i32
        %parallel_loop3A_505 = arith.index_cast %parallel_loop3A_503 : i32 to index
        %parallel_loop3A_506 = arith.index_cast %parallel_loop3A_504 : i32 to index
        %parallel_loop3A_507 = arith.index_cast %parallel_loop3A_318 : i32 to index
        %parallel_loop3A_508 = tpu.vector_load %arg9[%parallel_loop3A_505, %parallel_loop3A_506, %parallel_loop3A_507] {strides = array<i32>} : memref<2x32x1024xf32, #tpu.memory_space<vmem>>, vector<1x1x16xf32>,
        %parallel_loop3A_509 = vector.shape_cast %parallel_loop3A_508 : vector<1x1x16xf32> to vector<16xf32>
        %parallel_loop3A_510 = arith.constant 0 : i32
        %parallel_loop3A_511 = arith.constant 8 : i32
        %parallel_loop3A_512 = arith.index_cast %parallel_loop3A_510 : i32 to index
        %parallel_loop3A_513 = arith.index_cast %parallel_loop3A_511 : i32 to index
        %parallel_loop3A_514 = arith.index_cast %parallel_loop3A_318 : i32 to index
        %parallel_loop3A_515 = tpu.vector_load %arg10[%parallel_loop3A_512, %parallel_loop3A_513, %parallel_loop3A_514] {strides = array<i32>} : memref<2x16x1024xf32, #tpu.memory_space<vmem>>, vector<1x1x16xf32>,
        %parallel_loop3A_516 = vector.shape_cast %parallel_loop3A_515 : vector<1x1x16xf32> to vector<16xf32>
        %parallel_loop3A_517 = arith.addf %parallel_loop3A_509, %parallel_loop3A_516 : vector<16xf32>
        %parallel_loop3A_518 = arith.constant 1 : i32
        %parallel_loop3A_519 = arith.constant 8 : i32
        %parallel_loop3A_520 = arith.index_cast %parallel_loop3A_518 : i32 to index
        %parallel_loop3A_521 = arith.index_cast %parallel_loop3A_519 : i32 to index
        %parallel_loop3A_522 = arith.index_cast %parallel_loop3A_318 : i32 to index
        %parallel_loop3A_523 = tpu.vector_load %arg9[%parallel_loop3A_520, %parallel_loop3A_521, %parallel_loop3A_522] {strides = array<i32>} : memref<2x32x1024xf32, #tpu.memory_space<vmem>>, vector<1x1x16xf32>,
        %parallel_loop3A_524 = vector.shape_cast %parallel_loop3A_523 : vector<1x1x16xf32> to vector<16xf32>
        %parallel_loop3A_525 = vector.shape_cast %parallel_loop3A_517 : vector<16xf32> to vector<1x1x16xf32>
        tpu.vector_store %arg9[%parallel_loop3A_520, %parallel_loop3A_521, %parallel_loop3A_522], %parallel_loop3A_525 {strides = array<i32>} : memref<2x32x1024xf32, #tpu.memory_space<vmem>>, vector<1x1x16xf32>,
        %parallel_loop3A_526 = arith.constant 1 : i32
        %parallel_loop3A_527 = arith.constant 9 : i32
        %parallel_loop3A_528 = arith.index_cast %parallel_loop3A_526 : i32 to index
        %parallel_loop3A_529 = arith.index_cast %parallel_loop3A_527 : i32 to index
        %parallel_loop3A_530 = arith.index_cast %parallel_loop3A_318 : i32 to index
        %parallel_loop3A_531 = tpu.vector_load %arg9[%parallel_loop3A_528, %parallel_loop3A_529, %parallel_loop3A_530] {strides = array<i32>} : memref<2x32x1024xf32, #tpu.memory_space<vmem>>, vector<1x1x16xf32>,
        %parallel_loop3A_532 = vector.shape_cast %parallel_loop3A_531 : vector<1x1x16xf32> to vector<16xf32>
        %parallel_loop3A_533 = arith.constant 0 : i32
        %parallel_loop3A_534 = arith.constant 9 : i32
        %parallel_loop3A_535 = arith.index_cast %parallel_loop3A_533 : i32 to index
        %parallel_loop3A_536 = arith.index_cast %parallel_loop3A_534 : i32 to index
        %parallel_loop3A_537 = arith.index_cast %parallel_loop3A_318 : i32 to index
        %parallel_loop3A_538 = tpu.vector_load %arg10[%parallel_loop3A_535, %parallel_loop3A_536, %parallel_loop3A_537] {strides = array<i32>} : memref<2x16x1024xf32, #tpu.memory_space<vmem>>, vector<1x1x16xf32>,
        %parallel_loop3A_539 = vector.shape_cast %parallel_loop3A_538 : vector<1x1x16xf32> to vector<16xf32>
        %parallel_loop3A_540 = arith.addf %parallel_loop3A_532, %parallel_loop3A_539 : vector<16xf32>
        %parallel_loop3A_541 = arith.constant 1 : i32
        %parallel_loop3A_542 = arith.constant 9 : i32
        %parallel_loop3A_543 = arith.index_cast %parallel_loop3A_541 : i32 to index
        %parallel_loop3A_544 = arith.index_cast %parallel_loop3A_542 : i32 to index
        %parallel_loop3A_545 = arith.index_cast %parallel_loop3A_318 : i32 to index
        %parallel_loop3A_546 = tpu.vector_load %arg9[%parallel_loop3A_543, %parallel_loop3A_544, %parallel_loop3A_545] {strides = array<i32>} : memref<2x32x1024xf32, #tpu.memory_space<vmem>>, vector<1x1x16xf32>,
        %parallel_loop3A_547 = vector.shape_cast %parallel_loop3A_546 : vector<1x1x16xf32> to vector<16xf32>
        %parallel_loop3A_548 = vector.shape_cast %parallel_loop3A_540 : vector<16xf32> to vector<1x1x16xf32>
        tpu.vector_store %arg9[%parallel_loop3A_543, %parallel_loop3A_544, %parallel_loop3A_545], %parallel_loop3A_548 {strides = array<i32>} : memref<2x32x1024xf32, #tpu.memory_space<vmem>>, vector<1x1x16xf32>,
        %parallel_loop3A_549 = arith.constant 1 : i32
        %parallel_loop3A_550 = arith.constant 10 : i32
        %parallel_loop3A_551 = arith.index_cast %parallel_loop3A_549 : i32 to index
        %parallel_loop3A_552 = arith.index_cast %parallel_loop3A_550 : i32 to index
        %parallel_loop3A_553 = arith.index_cast %parallel_loop3A_318 : i32 to index
        %parallel_loop3A_554 = tpu.vector_load %arg9[%parallel_loop3A_551, %parallel_loop3A_552, %parallel_loop3A_553] {strides = array<i32>} : memref<2x32x1024xf32, #tpu.memory_space<vmem>>, vector<1x1x16xf32>,
        %parallel_loop3A_555 = vector.shape_cast %parallel_loop3A_554 : vector<1x1x16xf32> to vector<16xf32>
        %parallel_loop3A_556 = arith.constant 0 : i32
        %parallel_loop3A_557 = arith.constant 10 : i32
        %parallel_loop3A_558 = arith.index_cast %parallel_loop3A_556 : i32 to index
        %parallel_loop3A_559 = arith.index_cast %parallel_loop3A_557 : i32 to index
        %parallel_loop3A_560 = arith.index_cast %parallel_loop3A_318 : i32 to index
        %parallel_loop3A_561 = tpu.vector_load %arg10[%parallel_loop3A_558, %parallel_loop3A_559, %parallel_loop3A_560] {strides = array<i32>} : memref<2x16x1024xf32, #tpu.memory_space<vmem>>, vector<1x1x16xf32>,
        %parallel_loop3A_562 = vector.shape_cast %parallel_loop3A_561 : vector<1x1x16xf32> to vector<16xf32>
        %parallel_loop3A_563 = arith.addf %parallel_loop3A_555, %parallel_loop3A_562 : vector<16xf32>
        %parallel_loop3A_564 = arith.constant 1 : i32
        %parallel_loop3A_565 = arith.constant 10 : i32
        %parallel_loop3A_566 = arith.index_cast %parallel_loop3A_564 : i32 to index
        %parallel_loop3A_567 = arith.index_cast %parallel_loop3A_565 : i32 to index
        %parallel_loop3A_568 = arith.index_cast %parallel_loop3A_318 : i32 to index
        %parallel_loop3A_569 = tpu.vector_load %arg9[%parallel_loop3A_566, %parallel_loop3A_567, %parallel_loop3A_568] {strides = array<i32>} : memref<2x32x1024xf32, #tpu.memory_space<vmem>>, vector<1x1x16xf32>,
        %parallel_loop3A_570 = vector.shape_cast %parallel_loop3A_569 : vector<1x1x16xf32> to vector<16xf32>
        %parallel_loop3A_571 = vector.shape_cast %parallel_loop3A_563 : vector<16xf32> to vector<1x1x16xf32>
        tpu.vector_store %arg9[%parallel_loop3A_566, %parallel_loop3A_567, %parallel_loop3A_568], %parallel_loop3A_571 {strides = array<i32>} : memref<2x32x1024xf32, #tpu.memory_space<vmem>>, vector<1x1x16xf32>,
        %parallel_loop3A_572 = arith.constant 1 : i32
        %parallel_loop3A_573 = arith.constant 11 : i32
        %parallel_loop3A_574 = arith.index_cast %parallel_loop3A_572 : i32 to index
        %parallel_loop3A_575 = arith.index_cast %parallel_loop3A_573 : i32 to index
        %parallel_loop3A_576 = arith.index_cast %parallel_loop3A_318 : i32 to index
        %parallel_loop3A_577 = tpu.vector_load %arg9[%parallel_loop3A_574, %parallel_loop3A_575, %parallel_loop3A_576] {strides = array<i32>} : memref<2x32x1024xf32, #tpu.memory_space<vmem>>, vector<1x1x16xf32>,
        %parallel_loop3A_578 = vector.shape_cast %parallel_loop3A_577 : vector<1x1x16xf32> to vector<16xf32>
        %parallel_loop3A_579 = arith.constant 0 : i32
        %parallel_loop3A_580 = arith.constant 11 : i32
        %parallel_loop3A_581 = arith.index_cast %parallel_loop3A_579 : i32 to index
        %parallel_loop3A_582 = arith.index_cast %parallel_loop3A_580 : i32 to index
        %parallel_loop3A_583 = arith.index_cast %parallel_loop3A_318 : i32 to index
        %parallel_loop3A_584 = tpu.vector_load %arg10[%parallel_loop3A_581, %parallel_loop3A_582, %parallel_loop3A_583] {strides = array<i32>} : memref<2x16x1024xf32, #tpu.memory_space<vmem>>, vector<1x1x16xf32>,
        %parallel_loop3A_585 = vector.shape_cast %parallel_loop3A_584 : vector<1x1x16xf32> to vector<16xf32>
        %parallel_loop3A_586 = arith.addf %parallel_loop3A_578, %parallel_loop3A_585 : vector<16xf32>
        %parallel_loop3A_587 = arith.constant 1 : i32
        %parallel_loop3A_588 = arith.constant 11 : i32
        %parallel_loop3A_589 = arith.index_cast %parallel_loop3A_587 : i32 to index
        %parallel_loop3A_590 = arith.index_cast %parallel_loop3A_588 : i32 to index
        %parallel_loop3A_591 = arith.index_cast %parallel_loop3A_318 : i32 to index
        %parallel_loop3A_592 = tpu.vector_load %arg9[%parallel_loop3A_589, %parallel_loop3A_590, %parallel_loop3A_591] {strides = array<i32>} : memref<2x32x1024xf32, #tpu.memory_space<vmem>>, vector<1x1x16xf32>,
        %parallel_loop3A_593 = vector.shape_cast %parallel_loop3A_592 : vector<1x1x16xf32> to vector<16xf32>
        %parallel_loop3A_594 = vector.shape_cast %parallel_loop3A_586 : vector<16xf32> to vector<1x1x16xf32>
        tpu.vector_store %arg9[%parallel_loop3A_589, %parallel_loop3A_590, %parallel_loop3A_591], %parallel_loop3A_594 {strides = array<i32>} : memref<2x32x1024xf32, #tpu.memory_space<vmem>>, vector<1x1x16xf32>,
        %parallel_loop3A_595 = arith.constant 1 : i32
        %parallel_loop3A_596 = arith.constant 12 : i32
        %parallel_loop3A_597 = arith.index_cast %parallel_loop3A_595 : i32 to index
        %parallel_loop3A_598 = arith.index_cast %parallel_loop3A_596 : i32 to index
        %parallel_loop3A_599 = arith.index_cast %parallel_loop3A_318 : i32 to index
        %parallel_loop3A_600 = tpu.vector_load %arg9[%parallel_loop3A_597, %parallel_loop3A_598, %parallel_loop3A_599] {strides = array<i32>} : memref<2x32x1024xf32, #tpu.memory_space<vmem>>, vector<1x1x16xf32>,
        %parallel_loop3A_601 = vector.shape_cast %parallel_loop3A_600 : vector<1x1x16xf32> to vector<16xf32>
        %parallel_loop3A_602 = arith.constant 0 : i32
        %parallel_loop3A_603 = arith.constant 12 : i32
        %parallel_loop3A_604 = arith.index_cast %parallel_loop3A_602 : i32 to index
        %parallel_loop3A_605 = arith.index_cast %parallel_loop3A_603 : i32 to index
        %parallel_loop3A_606 = arith.index_cast %parallel_loop3A_318 : i32 to index
        %parallel_loop3A_607 = tpu.vector_load %arg10[%parallel_loop3A_604, %parallel_loop3A_605, %parallel_loop3A_606] {strides = array<i32>} : memref<2x16x1024xf32, #tpu.memory_space<vmem>>, vector<1x1x16xf32>,
        %parallel_loop3A_608 = vector.shape_cast %parallel_loop3A_607 : vector<1x1x16xf32> to vector<16xf32>
        %parallel_loop3A_609 = arith.addf %parallel_loop3A_601, %parallel_loop3A_608 : vector<16xf32>
        %parallel_loop3A_610 = arith.constant 1 : i32
        %parallel_loop3A_611 = arith.constant 12 : i32
        %parallel_loop3A_612 = arith.index_cast %parallel_loop3A_610 : i32 to index
        %parallel_loop3A_613 = arith.index_cast %parallel_loop3A_611 : i32 to index
        %parallel_loop3A_614 = arith.index_cast %parallel_loop3A_318 : i32 to index
        %parallel_loop3A_615 = tpu.vector_load %arg9[%parallel_loop3A_612, %parallel_loop3A_613, %parallel_loop3A_614] {strides = array<i32>} : memref<2x32x1024xf32, #tpu.memory_space<vmem>>, vector<1x1x16xf32>,
        %parallel_loop3A_616 = vector.shape_cast %parallel_loop3A_615 : vector<1x1x16xf32> to vector<16xf32>
        %parallel_loop3A_617 = vector.shape_cast %parallel_loop3A_609 : vector<16xf32> to vector<1x1x16xf32>
        tpu.vector_store %arg9[%parallel_loop3A_612, %parallel_loop3A_613, %parallel_loop3A_614], %parallel_loop3A_617 {strides = array<i32>} : memref<2x32x1024xf32, #tpu.memory_space<vmem>>, vector<1x1x16xf32>,
        %parallel_loop3A_618 = arith.constant 1 : i32
        %parallel_loop3A_619 = arith.constant 13 : i32
        %parallel_loop3A_620 = arith.index_cast %parallel_loop3A_618 : i32 to index
        %parallel_loop3A_621 = arith.index_cast %parallel_loop3A_619 : i32 to index
        %parallel_loop3A_622 = arith.index_cast %parallel_loop3A_318 : i32 to index
        %parallel_loop3A_623 = tpu.vector_load %arg9[%parallel_loop3A_620, %parallel_loop3A_621, %parallel_loop3A_622] {strides = array<i32>} : memref<2x32x1024xf32, #tpu.memory_space<vmem>>, vector<1x1x16xf32>,
        %parallel_loop3A_624 = vector.shape_cast %parallel_loop3A_623 : vector<1x1x16xf32> to vector<16xf32>
        %parallel_loop3A_625 = arith.constant 0 : i32
        %parallel_loop3A_626 = arith.constant 13 : i32
        %parallel_loop3A_627 = arith.index_cast %parallel_loop3A_625 : i32 to index
        %parallel_loop3A_628 = arith.index_cast %parallel_loop3A_626 : i32 to index
        %parallel_loop3A_629 = arith.index_cast %parallel_loop3A_318 : i32 to index
        %parallel_loop3A_630 = tpu.vector_load %arg10[%parallel_loop3A_627, %parallel_loop3A_628, %parallel_loop3A_629] {strides = array<i32>} : memref<2x16x1024xf32, #tpu.memory_space<vmem>>, vector<1x1x16xf32>,
        %parallel_loop3A_631 = vector.shape_cast %parallel_loop3A_630 : vector<1x1x16xf32> to vector<16xf32>
        %parallel_loop3A_632 = arith.addf %parallel_loop3A_624, %parallel_loop3A_631 : vector<16xf32>
        %parallel_loop3A_633 = arith.constant 1 : i32
        %parallel_loop3A_634 = arith.constant 13 : i32
        %parallel_loop3A_635 = arith.index_cast %parallel_loop3A_633 : i32 to index
        %parallel_loop3A_636 = arith.index_cast %parallel_loop3A_634 : i32 to index
        %parallel_loop3A_637 = arith.index_cast %parallel_loop3A_318 : i32 to index
        %parallel_loop3A_638 = tpu.vector_load %arg9[%parallel_loop3A_635, %parallel_loop3A_636, %parallel_loop3A_637] {strides = array<i32>} : memref<2x32x1024xf32, #tpu.memory_space<vmem>>, vector<1x1x16xf32>,
        %parallel_loop3A_639 = vector.shape_cast %parallel_loop3A_638 : vector<1x1x16xf32> to vector<16xf32>
        %parallel_loop3A_640 = vector.shape_cast %parallel_loop3A_632 : vector<16xf32> to vector<1x1x16xf32>
        tpu.vector_store %arg9[%parallel_loop3A_635, %parallel_loop3A_636, %parallel_loop3A_637], %parallel_loop3A_640 {strides = array<i32>} : memref<2x32x1024xf32, #tpu.memory_space<vmem>>, vector<1x1x16xf32>,
        %parallel_loop3A_641 = arith.constant 1 : i32
        %parallel_loop3A_642 = arith.constant 14 : i32
        %parallel_loop3A_643 = arith.index_cast %parallel_loop3A_641 : i32 to index
        %parallel_loop3A_644 = arith.index_cast %parallel_loop3A_642 : i32 to index
        %parallel_loop3A_645 = arith.index_cast %parallel_loop3A_318 : i32 to index
        %parallel_loop3A_646 = tpu.vector_load %arg9[%parallel_loop3A_643, %parallel_loop3A_644, %parallel_loop3A_645] {strides = array<i32>} : memref<2x32x1024xf32, #tpu.memory_space<vmem>>, vector<1x1x16xf32>,
        %parallel_loop3A_647 = vector.shape_cast %parallel_loop3A_646 : vector<1x1x16xf32> to vector<16xf32>
        %parallel_loop3A_648 = arith.constant 0 : i32
        %parallel_loop3A_649 = arith.constant 14 : i32
        %parallel_loop3A_650 = arith.index_cast %parallel_loop3A_648 : i32 to index
        %parallel_loop3A_651 = arith.index_cast %parallel_loop3A_649 : i32 to index
        %parallel_loop3A_652 = arith.index_cast %parallel_loop3A_318 : i32 to index
        %parallel_loop3A_653 = tpu.vector_load %arg10[%parallel_loop3A_650, %parallel_loop3A_651, %parallel_loop3A_652] {strides = array<i32>} : memref<2x16x1024xf32, #tpu.memory_space<vmem>>, vector<1x1x16xf32>,
        %parallel_loop3A_654 = vector.shape_cast %parallel_loop3A_653 : vector<1x1x16xf32> to vector<16xf32>
        %parallel_loop3A_655 = arith.addf %parallel_loop3A_647, %parallel_loop3A_654 : vector<16xf32>
        %parallel_loop3A_656 = arith.constant 1 : i32
        %parallel_loop3A_657 = arith.constant 14 : i32
        %parallel_loop3A_658 = arith.index_cast %parallel_loop3A_656 : i32 to index
        %parallel_loop3A_659 = arith.index_cast %parallel_loop3A_657 : i32 to index
        %parallel_loop3A_660 = arith.index_cast %parallel_loop3A_318 : i32 to index
        %parallel_loop3A_661 = tpu.vector_load %arg9[%parallel_loop3A_658, %parallel_loop3A_659, %parallel_loop3A_660] {strides = array<i32>} : memref<2x32x1024xf32, #tpu.memory_space<vmem>>, vector<1x1x16xf32>,
        %parallel_loop3A_662 = vector.shape_cast %parallel_loop3A_661 : vector<1x1x16xf32> to vector<16xf32>
        %parallel_loop3A_663 = vector.shape_cast %parallel_loop3A_655 : vector<16xf32> to vector<1x1x16xf32>
        tpu.vector_store %arg9[%parallel_loop3A_658, %parallel_loop3A_659, %parallel_loop3A_660], %parallel_loop3A_663 {strides = array<i32>} : memref<2x32x1024xf32, #tpu.memory_space<vmem>>, vector<1x1x16xf32>,
        %parallel_loop3A_664 = arith.constant 1 : i32
        %parallel_loop3A_665 = arith.constant 15 : i32
        %parallel_loop3A_666 = arith.index_cast %parallel_loop3A_664 : i32 to index
        %parallel_loop3A_667 = arith.index_cast %parallel_loop3A_665 : i32 to index
        %parallel_loop3A_668 = arith.index_cast %parallel_loop3A_318 : i32 to index
        %parallel_loop3A_669 = tpu.vector_load %arg9[%parallel_loop3A_666, %parallel_loop3A_667, %parallel_loop3A_668] {strides = array<i32>} : memref<2x32x1024xf32, #tpu.memory_space<vmem>>, vector<1x1x16xf32>,
        %parallel_loop3A_670 = vector.shape_cast %parallel_loop3A_669 : vector<1x1x16xf32> to vector<16xf32>
        %parallel_loop3A_671 = arith.constant 0 : i32
        %parallel_loop3A_672 = arith.constant 15 : i32
        %parallel_loop3A_673 = arith.index_cast %parallel_loop3A_671 : i32 to index
        %parallel_loop3A_674 = arith.index_cast %parallel_loop3A_672 : i32 to index
        %parallel_loop3A_675 = arith.index_cast %parallel_loop3A_318 : i32 to index
        %parallel_loop3A_676 = tpu.vector_load %arg10[%parallel_loop3A_673, %parallel_loop3A_674, %parallel_loop3A_675] {strides = array<i32>} : memref<2x16x1024xf32, #tpu.memory_space<vmem>>, vector<1x1x16xf32>,
        %parallel_loop3A_677 = vector.shape_cast %parallel_loop3A_676 : vector<1x1x16xf32> to vector<16xf32>
        %parallel_loop3A_678 = arith.addf %parallel_loop3A_670, %parallel_loop3A_677 : vector<16xf32>
        %parallel_loop3A_679 = arith.constant 1 : i32
        %parallel_loop3A_680 = arith.constant 15 : i32
        %parallel_loop3A_681 = arith.index_cast %parallel_loop3A_679 : i32 to index
        %parallel_loop3A_682 = arith.index_cast %parallel_loop3A_680 : i32 to index
        %parallel_loop3A_683 = arith.index_cast %parallel_loop3A_318 : i32 to index
        %parallel_loop3A_684 = tpu.vector_load %arg9[%parallel_loop3A_681, %parallel_loop3A_682, %parallel_loop3A_683] {strides = array<i32>} : memref<2x32x1024xf32, #tpu.memory_space<vmem>>, vector<1x1x16xf32>,
        %parallel_loop3A_685 = vector.shape_cast %parallel_loop3A_684 : vector<1x1x16xf32> to vector<16xf32>
        %parallel_loop3A_686 = vector.shape_cast %parallel_loop3A_678 : vector<16xf32> to vector<1x1x16xf32>
        tpu.vector_store %arg9[%parallel_loop3A_681, %parallel_loop3A_682, %parallel_loop3A_683], %parallel_loop3A_686 {strides = array<i32>} : memref<2x32x1024xf32, #tpu.memory_space<vmem>>, vector<1x1x16xf32>,
      } {sc.loop_unroll_factor = 1 : i64, sc.parallel_access}
      %add3A_262 = arith.constant 2 : i32
      %add3A_263 = arith.addi %add3A_244, %add3A_262 : i32
      %lt3A_264 = arith.constant 32 : i32
      %lt3A_265 = arith.cmpi slt, %add3A_263, %lt3A_264 : i32
      %convert_element_type3A_266 = arith.extui %lt3A_265 : i1 to i32
      %cond3A_267 = arith.constant 0 : i32
      %cond3A_268 = arith.cmpi ne, %convert_element_type3A_266, %cond3A_267 : i32
      scf.if %cond3A_268 {
        %add3A_316 = arith.constant 2 : i32
        %add3A_317 = arith.addi %add3A_244, %add3A_316 : i32
        %dma_start3A_318 = arith.constant 0 : i32
        %dma_start3A_319 = arith.constant 0 : i32
        %dma_start3A_320 = arith.constant 0 : i32
        %dma_start3A_321 = arith.constant 0 : i32
        %dma_start3A_322 = tpu.memref_slice %arg10[%dma_start3A_318, %dma_start3A_320, %dma_start3A_321] : memref<2x16x1024xf32, #tpu.memory_space<vmem>> -> memref<1x16x1024xf32, #tpu.memory_space<vmem>>
        %dma_start3A_323 = tpu.memref_squeeze %dma_start3A_322 : memref<1x16x1024xf32, #tpu.memory_space<vmem>> -> memref<16x1024xf32, #tpu.memory_space<vmem>>
        %dma_start3A_324 = arith.constant 0 : i32
        %dma_start3A_325 = tpu.memref_slice %arg8[%add3A_317, %dma_start3A_324] : memref<32x16xi32, #tpu.memory_space<vmem>> -> memref<1x16xi32, #tpu.memory_space<vmem>>
        %dma_start3A_326 = tpu.memref_squeeze %dma_start3A_325 : memref<1x16xi32, #tpu.memory_space<vmem>> -> memref<16xi32, #tpu.memory_space<vmem>>
        %dma_start3A_327 = arith.constant 0 : i32
        %dma_start3A_328 = arith.constant 0 : i32
        %dma_start3A_329 = tpu.memref_slice %arg5[%dma_start3A_327, %dma_start3A_328] : memref<8192x1024xf32, #tpu.memory_space<hbm>> -> memref<8192x1024xf32, #tpu.memory_space<hbm>>
        %dma_start3A_330 = tpu.memref_slice %arg12[%dma_start3A_319] : memref<2x!tpu.dma_semaphore, #tpu.memory_space<semaphore_mem>> -> memref<1x!tpu.dma_semaphore, #tpu.memory_space<semaphore_mem>>
        %dma_start3A_331 = tpu.memref_squeeze %dma_start3A_330 : memref<1x!tpu.dma_semaphore, #tpu.memory_space<semaphore_mem>> -> memref<!tpu.dma_semaphore, #tpu.memory_space<semaphore_mem>>
        tpu.enqueue_indirect_dma source(%dma_start3A_329 : memref<8192x1024xf32, #tpu.memory_space<hbm>>) target(%dma_start3A_323 : memref<16x1024xf32, #tpu.memory_space<vmem>>) offsets(%dma_start3A_326 : memref<16xi32, #tpu.memory_space<vmem>>) semaphore(%dma_start3A_331 : memref<!tpu.dma_semaphore, #tpu.memory_space<semaphore_mem>>)
      } else {
      }
      %mul3A_269 = arith.constant 2 : i32
      %mul3A_270 = arith.muli %mul3A_269, %add3A_214 : i32
      %add3A_271 = arith.constant 1 : i32
      %add3A_272 = arith.addi %mul3A_270, %add3A_271 : i32
      %dma_wait3A_273 = arith.constant 1 : i32
      %dma_wait3A_274 = arith.constant 1 : i32
      %dma_wait3A_275 = arith.constant 0 : i32
      %dma_wait3A_276 = arith.constant 0 : i32
      %dma_wait3A_277 = tpu.memref_slice %arg10[%dma_wait3A_273, %dma_wait3A_275, %dma_wait3A_276] : memref<2x16x1024xf32, #tpu.memory_space<vmem>> -> memref<1x16x1024xf32, #tpu.memory_space<vmem>>
      %dma_wait3A_278 = tpu.memref_squeeze %dma_wait3A_277 : memref<1x16x1024xf32, #tpu.memory_space<vmem>> -> memref<16x1024xf32, #tpu.memory_space<vmem>>
      %dma_wait3A_279 = arith.constant 0 : i32
      %dma_wait3A_280 = tpu.memref_slice %arg8[%add3A_272, %dma_wait3A_279] : memref<32x16xi32, #tpu.memory_space<vmem>> -> memref<1x16xi32, #tpu.memory_space<vmem>>
      %dma_wait3A_281 = tpu.memref_squeeze %dma_wait3A_280 : memref<1x16xi32, #tpu.memory_space<vmem>> -> memref<16xi32, #tpu.memory_space<vmem>>
      %dma_wait3A_282 = arith.constant 0 : i32
      %dma_wait3A_283 = arith.constant 0 : i32
      %dma_wait3A_284 = tpu.memref_slice %arg5[%dma_wait3A_282, %dma_wait3A_283] : memref<8192x1024xf32, #tpu.memory_space<hbm>> -> memref<8192x1024xf32, #tpu.memory_space<hbm>>
      %dma_wait3A_285 = tpu.memref_slice %arg12[%dma_wait3A_274] : memref<2x!tpu.dma_semaphore, #tpu.memory_space<semaphore_mem>> -> memref<1x!tpu.dma_semaphore, #tpu.memory_space<semaphore_mem>>
      %dma_wait3A_286 = tpu.memref_squeeze %dma_wait3A_285 : memref<1x!tpu.dma_semaphore, #tpu.memory_space<semaphore_mem>> -> memref<!tpu.dma_semaphore, #tpu.memory_space<semaphore_mem>>
      tpu.wait_indirect_dma semaphore(%dma_wait3A_286 : memref<!tpu.dma_semaphore, #tpu.memory_space<semaphore_mem>>) src(%dma_wait3A_284 : memref<8192x1024xf32, #tpu.memory_space<hbm>>) dst(%dma_wait3A_278 : memref<16x1024xf32, #tpu.memory_space<vmem>>)
      %parallel_loop3A_287 = arith.constant 0 : i32
      %parallel_loop3A_288 = arith.constant 64 : i32
      %parallel_loop3A_289 = arith.constant 1 : i32
      scf.for %parallel_loop3A_316 = %parallel_loop3A_287 to %parallel_loop3A_288 step %parallel_loop3A_289  : i32 {
        %parallel_loop3A_317 = arith.constant 16 : i32
        %parallel_loop3A_318 = arith.muli %parallel_loop3A_316, %parallel_loop3A_317 : i32
        %parallel_loop3A_319 = arith.constant 1 : i32
        %parallel_loop3A_320 = arith.constant 16 : i32
        %parallel_loop3A_321 = arith.index_cast %parallel_loop3A_319 : i32 to index
        %parallel_loop3A_322 = arith.index_cast %parallel_loop3A_320 : i32 to index
        %parallel_loop3A_323 = arith.index_cast %parallel_loop3A_318 : i32 to index
        %parallel_loop3A_324 = tpu.vector_load %arg9[%parallel_loop3A_321, %parallel_loop3A_322, %parallel_loop3A_323] {strides = array<i32>} : memref<2x32x1024xf32, #tpu.memory_space<vmem>>, vector<1x1x16xf32>,
        %parallel_loop3A_325 = vector.shape_cast %parallel_loop3A_324 : vector<1x1x16xf32> to vector<16xf32>
        %parallel_loop3A_326 = arith.constant 1 : i32
        %parallel_loop3A_327 = arith.constant 0 : i32
        %parallel_loop3A_328 = arith.index_cast %parallel_loop3A_326 : i32 to index
        %parallel_loop3A_329 = arith.index_cast %parallel_loop3A_327 : i32 to index
        %parallel_loop3A_330 = arith.index_cast %parallel_loop3A_318 : i32 to index
        %parallel_loop3A_331 = tpu.vector_load %arg10[%parallel_loop3A_328, %parallel_loop3A_329, %parallel_loop3A_330] {strides = array<i32>} : memref<2x16x1024xf32, #tpu.memory_space<vmem>>, vector<1x1x16xf32>,
        %parallel_loop3A_332 = vector.shape_cast %parallel_loop3A_331 : vector<1x1x16xf32> to vector<16xf32>
        %parallel_loop3A_333 = arith.addf %parallel_loop3A_325, %parallel_loop3A_332 : vector<16xf32>
        %parallel_loop3A_334 = arith.constant 1 : i32
        %parallel_loop3A_335 = arith.constant 16 : i32
        %parallel_loop3A_336 = arith.index_cast %parallel_loop3A_334 : i32 to index
        %parallel_loop3A_337 = arith.index_cast %parallel_loop3A_335 : i32 to index
        %parallel_loop3A_338 = arith.index_cast %parallel_loop3A_318 : i32 to index
        %parallel_loop3A_339 = tpu.vector_load %arg9[%parallel_loop3A_336, %parallel_loop3A_337, %parallel_loop3A_338] {strides = array<i32>} : memref<2x32x1024xf32, #tpu.memory_space<vmem>>, vector<1x1x16xf32>,
        %parallel_loop3A_340 = vector.shape_cast %parallel_loop3A_339 : vector<1x1x16xf32> to vector<16xf32>
        %parallel_loop3A_341 = vector.shape_cast %parallel_loop3A_333 : vector<16xf32> to vector<1x1x16xf32>
        tpu.vector_store %arg9[%parallel_loop3A_336, %parallel_loop3A_337, %parallel_loop3A_338], %parallel_loop3A_341 {strides = array<i32>} : memref<2x32x1024xf32, #tpu.memory_space<vmem>>, vector<1x1x16xf32>,
        %parallel_loop3A_342 = arith.constant 1 : i32
        %parallel_loop3A_343 = arith.constant 17 : i32
        %parallel_loop3A_344 = arith.index_cast %parallel_loop3A_342 : i32 to index
        %parallel_loop3A_345 = arith.index_cast %parallel_loop3A_343 : i32 to index
        %parallel_loop3A_346 = arith.index_cast %parallel_loop3A_318 : i32 to index
        %parallel_loop3A_347 = tpu.vector_load %arg9[%parallel_loop3A_344, %parallel_loop3A_345, %parallel_loop3A_346] {strides = array<i32>} : memref<2x32x1024xf32, #tpu.memory_space<vmem>>, vector<1x1x16xf32>,
        %parallel_loop3A_348 = vector.shape_cast %parallel_loop3A_347 : vector<1x1x16xf32> to vector<16xf32>
        %parallel_loop3A_349 = arith.constant 1 : i32
        %parallel_loop3A_350 = arith.constant 1 : i32
        %parallel_loop3A_351 = arith.index_cast %parallel_loop3A_349 : i32 to index
        %parallel_loop3A_352 = arith.index_cast %parallel_loop3A_350 : i32 to index
        %parallel_loop3A_353 = arith.index_cast %parallel_loop3A_318 : i32 to index
        %parallel_loop3A_354 = tpu.vector_load %arg10[%parallel_loop3A_351, %parallel_loop3A_352, %parallel_loop3A_353] {strides = array<i32>} : memref<2x16x1024xf32, #tpu.memory_space<vmem>>, vector<1x1x16xf32>,
        %parallel_loop3A_355 = vector.shape_cast %parallel_loop3A_354 : vector<1x1x16xf32> to vector<16xf32>
        %parallel_loop3A_356 = arith.addf %parallel_loop3A_348, %parallel_loop3A_355 : vector<16xf32>
        %parallel_loop3A_357 = arith.constant 1 : i32
        %parallel_loop3A_358 = arith.constant 17 : i32
        %parallel_loop3A_359 = arith.index_cast %parallel_loop3A_357 : i32 to index
        %parallel_loop3A_360 = arith.index_cast %parallel_loop3A_358 : i32 to index
        %parallel_loop3A_361 = arith.index_cast %parallel_loop3A_318 : i32 to index
        %parallel_loop3A_362 = tpu.vector_load %arg9[%parallel_loop3A_359, %parallel_loop3A_360, %parallel_loop3A_361] {strides = array<i32>} : memref<2x32x1024xf32, #tpu.memory_space<vmem>>, vector<1x1x16xf32>,
        %parallel_loop3A_363 = vector.shape_cast %parallel_loop3A_362 : vector<1x1x16xf32> to vector<16xf32>
        %parallel_loop3A_364 = vector.shape_cast %parallel_loop3A_356 : vector<16xf32> to vector<1x1x16xf32>
        tpu.vector_store %arg9[%parallel_loop3A_359, %parallel_loop3A_360, %parallel_loop3A_361], %parallel_loop3A_364 {strides = array<i32>} : memref<2x32x1024xf32, #tpu.memory_space<vmem>>, vector<1x1x16xf32>,
        %parallel_loop3A_365 = arith.constant 1 : i32
        %parallel_loop3A_366 = arith.constant 18 : i32
        %parallel_loop3A_367 = arith.index_cast %parallel_loop3A_365 : i32 to index
        %parallel_loop3A_368 = arith.index_cast %parallel_loop3A_366 : i32 to index
        %parallel_loop3A_369 = arith.index_cast %parallel_loop3A_318 : i32 to index
        %parallel_loop3A_370 = tpu.vector_load %arg9[%parallel_loop3A_367, %parallel_loop3A_368, %parallel_loop3A_369] {strides = array<i32>} : memref<2x32x1024xf32, #tpu.memory_space<vmem>>, vector<1x1x16xf32>,
        %parallel_loop3A_371 = vector.shape_cast %parallel_loop3A_370 : vector<1x1x16xf32> to vector<16xf32>
        %parallel_loop3A_372 = arith.constant 1 : i32
        %parallel_loop3A_373 = arith.constant 2 : i32
        %parallel_loop3A_374 = arith.index_cast %parallel_loop3A_372 : i32 to index
        %parallel_loop3A_375 = arith.index_cast %parallel_loop3A_373 : i32 to index
        %parallel_loop3A_376 = arith.index_cast %parallel_loop3A_318 : i32 to index
        %parallel_loop3A_377 = tpu.vector_load %arg10[%parallel_loop3A_374, %parallel_loop3A_375, %parallel_loop3A_376] {strides = array<i32>} : memref<2x16x1024xf32, #tpu.memory_space<vmem>>, vector<1x1x16xf32>,
        %parallel_loop3A_378 = vector.shape_cast %parallel_loop3A_377 : vector<1x1x16xf32> to vector<16xf32>
        %parallel_loop3A_379 = arith.addf %parallel_loop3A_371, %parallel_loop3A_378 : vector<16xf32>
        %parallel_loop3A_380 = arith.constant 1 : i32
        %parallel_loop3A_381 = arith.constant 18 : i32
        %parallel_loop3A_382 = arith.index_cast %parallel_loop3A_380 : i32 to index
        %parallel_loop3A_383 = arith.index_cast %parallel_loop3A_381 : i32 to index
        %parallel_loop3A_384 = arith.index_cast %parallel_loop3A_318 : i32 to index
        %parallel_loop3A_385 = tpu.vector_load %arg9[%parallel_loop3A_382, %parallel_loop3A_383, %parallel_loop3A_384] {strides = array<i32>} : memref<2x32x1024xf32, #tpu.memory_space<vmem>>, vector<1x1x16xf32>,
        %parallel_loop3A_386 = vector.shape_cast %parallel_loop3A_385 : vector<1x1x16xf32> to vector<16xf32>
        %parallel_loop3A_387 = vector.shape_cast %parallel_loop3A_379 : vector<16xf32> to vector<1x1x16xf32>
        tpu.vector_store %arg9[%parallel_loop3A_382, %parallel_loop3A_383, %parallel_loop3A_384], %parallel_loop3A_387 {strides = array<i32>} : memref<2x32x1024xf32, #tpu.memory_space<vmem>>, vector<1x1x16xf32>,
        %parallel_loop3A_388 = arith.constant 1 : i32
        %parallel_loop3A_389 = arith.constant 19 : i32
        %parallel_loop3A_390 = arith.index_cast %parallel_loop3A_388 : i32 to index
        %parallel_loop3A_391 = arith.index_cast %parallel_loop3A_389 : i32 to index
        %parallel_loop3A_392 = arith.index_cast %parallel_loop3A_318 : i32 to index
        %parallel_loop3A_393 = tpu.vector_load %arg9[%parallel_loop3A_390, %parallel_loop3A_391, %parallel_loop3A_392] {strides = array<i32>} : memref<2x32x1024xf32, #tpu.memory_space<vmem>>, vector<1x1x16xf32>,
        %parallel_loop3A_394 = vector.shape_cast %parallel_loop3A_393 : vector<1x1x16xf32> to vector<16xf32>
        %parallel_loop3A_395 = arith.constant 1 : i32
        %parallel_loop3A_396 = arith.constant 3 : i32
        %parallel_loop3A_397 = arith.index_cast %parallel_loop3A_395 : i32 to index
        %parallel_loop3A_398 = arith.index_cast %parallel_loop3A_396 : i32 to index
        %parallel_loop3A_399 = arith.index_cast %parallel_loop3A_318 : i32 to index
        %parallel_loop3A_400 = tpu.vector_load %arg10[%parallel_loop3A_397, %parallel_loop3A_398, %parallel_loop3A_399] {strides = array<i32>} : memref<2x16x1024xf32, #tpu.memory_space<vmem>>, vector<1x1x16xf32>,
        %parallel_loop3A_401 = vector.shape_cast %parallel_loop3A_400 : vector<1x1x16xf32> to vector<16xf32>
        %parallel_loop3A_402 = arith.addf %parallel_loop3A_394, %parallel_loop3A_401 : vector<16xf32>
        %parallel_loop3A_403 = arith.constant 1 : i32
        %parallel_loop3A_404 = arith.constant 19 : i32
        %parallel_loop3A_405 = arith.index_cast %parallel_loop3A_403 : i32 to index
        %parallel_loop3A_406 = arith.index_cast %parallel_loop3A_404 : i32 to index
        %parallel_loop3A_407 = arith.index_cast %parallel_loop3A_318 : i32 to index
        %parallel_loop3A_408 = tpu.vector_load %arg9[%parallel_loop3A_405, %parallel_loop3A_406, %parallel_loop3A_407] {strides = array<i32>} : memref<2x32x1024xf32, #tpu.memory_space<vmem>>, vector<1x1x16xf32>,
        %parallel_loop3A_409 = vector.shape_cast %parallel_loop3A_408 : vector<1x1x16xf32> to vector<16xf32>
        %parallel_loop3A_410 = vector.shape_cast %parallel_loop3A_402 : vector<16xf32> to vector<1x1x16xf32>
        tpu.vector_store %arg9[%parallel_loop3A_405, %parallel_loop3A_406, %parallel_loop3A_407], %parallel_loop3A_410 {strides = array<i32>} : memref<2x32x1024xf32, #tpu.memory_space<vmem>>, vector<1x1x16xf32>,
        %parallel_loop3A_411 = arith.constant 1 : i32
        %parallel_loop3A_412 = arith.constant 20 : i32
        %parallel_loop3A_413 = arith.index_cast %parallel_loop3A_411 : i32 to index
        %parallel_loop3A_414 = arith.index_cast %parallel_loop3A_412 : i32 to index
        %parallel_loop3A_415 = arith.index_cast %parallel_loop3A_318 : i32 to index
        %parallel_loop3A_416 = tpu.vector_load %arg9[%parallel_loop3A_413, %parallel_loop3A_414, %parallel_loop3A_415] {strides = array<i32>} : memref<2x32x1024xf32, #tpu.memory_space<vmem>>, vector<1x1x16xf32>,
        %parallel_loop3A_417 = vector.shape_cast %parallel_loop3A_416 : vector<1x1x16xf32> to vector<16xf32>
        %parallel_loop3A_418 = arith.constant 1 : i32
        %parallel_loop3A_419 = arith.constant 4 : i32
        %parallel_loop3A_420 = arith.index_cast %parallel_loop3A_418 : i32 to index
        %parallel_loop3A_421 = arith.index_cast %parallel_loop3A_419 : i32 to index
        %parallel_loop3A_422 = arith.index_cast %parallel_loop3A_318 : i32 to index
        %parallel_loop3A_423 = tpu.vector_load %arg10[%parallel_loop3A_420, %parallel_loop3A_421, %parallel_loop3A_422] {strides = array<i32>} : memref<2x16x1024xf32, #tpu.memory_space<vmem>>, vector<1x1x16xf32>,
        %parallel_loop3A_424 = vector.shape_cast %parallel_loop3A_423 : vector<1x1x16xf32> to vector<16xf32>
        %parallel_loop3A_425 = arith.addf %parallel_loop3A_417, %parallel_loop3A_424 : vector<16xf32>
        %parallel_loop3A_426 = arith.constant 1 : i32
        %parallel_loop3A_427 = arith.constant 20 : i32
        %parallel_loop3A_428 = arith.index_cast %parallel_loop3A_426 : i32 to index
        %parallel_loop3A_429 = arith.index_cast %parallel_loop3A_427 : i32 to index
        %parallel_loop3A_430 = arith.index_cast %parallel_loop3A_318 : i32 to index
        %parallel_loop3A_431 = tpu.vector_load %arg9[%parallel_loop3A_428, %parallel_loop3A_429, %parallel_loop3A_430] {strides = array<i32>} : memref<2x32x1024xf32, #tpu.memory_space<vmem>>, vector<1x1x16xf32>,
        %parallel_loop3A_432 = vector.shape_cast %parallel_loop3A_431 : vector<1x1x16xf32> to vector<16xf32>
        %parallel_loop3A_433 = vector.shape_cast %parallel_loop3A_425 : vector<16xf32> to vector<1x1x16xf32>
        tpu.vector_store %arg9[%parallel_loop3A_428, %parallel_loop3A_429, %parallel_loop3A_430], %parallel_loop3A_433 {strides = array<i32>} : memref<2x32x1024xf32, #tpu.memory_space<vmem>>, vector<1x1x16xf32>,
        %parallel_loop3A_434 = arith.constant 1 : i32
        %parallel_loop3A_435 = arith.constant 21 : i32
        %parallel_loop3A_436 = arith.index_cast %parallel_loop3A_434 : i32 to index
        %parallel_loop3A_437 = arith.index_cast %parallel_loop3A_435 : i32 to index
        %parallel_loop3A_438 = arith.index_cast %parallel_loop3A_318 : i32 to index
        %parallel_loop3A_439 = tpu.vector_load %arg9[%parallel_loop3A_436, %parallel_loop3A_437, %parallel_loop3A_438] {strides = array<i32>} : memref<2x32x1024xf32, #tpu.memory_space<vmem>>, vector<1x1x16xf32>,
        %parallel_loop3A_440 = vector.shape_cast %parallel_loop3A_439 : vector<1x1x16xf32> to vector<16xf32>
        %parallel_loop3A_441 = arith.constant 1 : i32
        %parallel_loop3A_442 = arith.constant 5 : i32
        %parallel_loop3A_443 = arith.index_cast %parallel_loop3A_441 : i32 to index
        %parallel_loop3A_444 = arith.index_cast %parallel_loop3A_442 : i32 to index
        %parallel_loop3A_445 = arith.index_cast %parallel_loop3A_318 : i32 to index
        %parallel_loop3A_446 = tpu.vector_load %arg10[%parallel_loop3A_443, %parallel_loop3A_444, %parallel_loop3A_445] {strides = array<i32>} : memref<2x16x1024xf32, #tpu.memory_space<vmem>>, vector<1x1x16xf32>,
        %parallel_loop3A_447 = vector.shape_cast %parallel_loop3A_446 : vector<1x1x16xf32> to vector<16xf32>
        %parallel_loop3A_448 = arith.addf %parallel_loop3A_440, %parallel_loop3A_447 : vector<16xf32>
        %parallel_loop3A_449 = arith.constant 1 : i32
        %parallel_loop3A_450 = arith.constant 21 : i32
        %parallel_loop3A_451 = arith.index_cast %parallel_loop3A_449 : i32 to index
        %parallel_loop3A_452 = arith.index_cast %parallel_loop3A_450 : i32 to index
        %parallel_loop3A_453 = arith.index_cast %parallel_loop3A_318 : i32 to index
        %parallel_loop3A_454 = tpu.vector_load %arg9[%parallel_loop3A_451, %parallel_loop3A_452, %parallel_loop3A_453] {strides = array<i32>} : memref<2x32x1024xf32, #tpu.memory_space<vmem>>, vector<1x1x16xf32>,
        %parallel_loop3A_455 = vector.shape_cast %parallel_loop3A_454 : vector<1x1x16xf32> to vector<16xf32>
        %parallel_loop3A_456 = vector.shape_cast %parallel_loop3A_448 : vector<16xf32> to vector<1x1x16xf32>
        tpu.vector_store %arg9[%parallel_loop3A_451, %parallel_loop3A_452, %parallel_loop3A_453], %parallel_loop3A_456 {strides = array<i32>} : memref<2x32x1024xf32, #tpu.memory_space<vmem>>, vector<1x1x16xf32>,
        %parallel_loop3A_457 = arith.constant 1 : i32
        %parallel_loop3A_458 = arith.constant 22 : i32
        %parallel_loop3A_459 = arith.index_cast %parallel_loop3A_457 : i32 to index
        %parallel_loop3A_460 = arith.index_cast %parallel_loop3A_458 : i32 to index
        %parallel_loop3A_461 = arith.index_cast %parallel_loop3A_318 : i32 to index
        %parallel_loop3A_462 = tpu.vector_load %arg9[%parallel_loop3A_459, %parallel_loop3A_460, %parallel_loop3A_461] {strides = array<i32>} : memref<2x32x1024xf32, #tpu.memory_space<vmem>>, vector<1x1x16xf32>,
        %parallel_loop3A_463 = vector.shape_cast %parallel_loop3A_462 : vector<1x1x16xf32> to vector<16xf32>
        %parallel_loop3A_464 = arith.constant 1 : i32
        %parallel_loop3A_465 = arith.constant 6 : i32
        %parallel_loop3A_466 = arith.index_cast %parallel_loop3A_464 : i32 to index
        %parallel_loop3A_467 = arith.index_cast %parallel_loop3A_465 : i32 to index
        %parallel_loop3A_468 = arith.index_cast %parallel_loop3A_318 : i32 to index
        %parallel_loop3A_469 = tpu.vector_load %arg10[%parallel_loop3A_466, %parallel_loop3A_467, %parallel_loop3A_468] {strides = array<i32>} : memref<2x16x1024xf32, #tpu.memory_space<vmem>>, vector<1x1x16xf32>,
        %parallel_loop3A_470 = vector.shape_cast %parallel_loop3A_469 : vector<1x1x16xf32> to vector<16xf32>
        %parallel_loop3A_471 = arith.addf %parallel_loop3A_463, %parallel_loop3A_470 : vector<16xf32>
        %parallel_loop3A_472 = arith.constant 1 : i32
        %parallel_loop3A_473 = arith.constant 22 : i32
        %parallel_loop3A_474 = arith.index_cast %parallel_loop3A_472 : i32 to index
        %parallel_loop3A_475 = arith.index_cast %parallel_loop3A_473 : i32 to index
        %parallel_loop3A_476 = arith.index_cast %parallel_loop3A_318 : i32 to index
        %parallel_loop3A_477 = tpu.vector_load %arg9[%parallel_loop3A_474, %parallel_loop3A_475, %parallel_loop3A_476] {strides = array<i32>} : memref<2x32x1024xf32, #tpu.memory_space<vmem>>, vector<1x1x16xf32>,
        %parallel_loop3A_478 = vector.shape_cast %parallel_loop3A_477 : vector<1x1x16xf32> to vector<16xf32>
        %parallel_loop3A_479 = vector.shape_cast %parallel_loop3A_471 : vector<16xf32> to vector<1x1x16xf32>
        tpu.vector_store %arg9[%parallel_loop3A_474, %parallel_loop3A_475, %parallel_loop3A_476], %parallel_loop3A_479 {strides = array<i32>} : memref<2x32x1024xf32, #tpu.memory_space<vmem>>, vector<1x1x16xf32>,
        %parallel_loop3A_480 = arith.constant 1 : i32
        %parallel_loop3A_481 = arith.constant 23 : i32
        %parallel_loop3A_482 = arith.index_cast %parallel_loop3A_480 : i32 to index
        %parallel_loop3A_483 = arith.index_cast %parallel_loop3A_481 : i32 to index
        %parallel_loop3A_484 = arith.index_cast %parallel_loop3A_318 : i32 to index
        %parallel_loop3A_485 = tpu.vector_load %arg9[%parallel_loop3A_482, %parallel_loop3A_483, %parallel_loop3A_484] {strides = array<i32>} : memref<2x32x1024xf32, #tpu.memory_space<vmem>>, vector<1x1x16xf32>,
        %parallel_loop3A_486 = vector.shape_cast %parallel_loop3A_485 : vector<1x1x16xf32> to vector<16xf32>
        %parallel_loop3A_487 = arith.constant 1 : i32
        %parallel_loop3A_488 = arith.constant 7 : i32
        %parallel_loop3A_489 = arith.index_cast %parallel_loop3A_487 : i32 to index
        %parallel_loop3A_490 = arith.index_cast %parallel_loop3A_488 : i32 to index
        %parallel_loop3A_491 = arith.index_cast %parallel_loop3A_318 : i32 to index
        %parallel_loop3A_492 = tpu.vector_load %arg10[%parallel_loop3A_489, %parallel_loop3A_490, %parallel_loop3A_491] {strides = array<i32>} : memref<2x16x1024xf32, #tpu.memory_space<vmem>>, vector<1x1x16xf32>,
        %parallel_loop3A_493 = vector.shape_cast %parallel_loop3A_492 : vector<1x1x16xf32> to vector<16xf32>
        %parallel_loop3A_494 = arith.addf %parallel_loop3A_486, %parallel_loop3A_493 : vector<16xf32>
        %parallel_loop3A_495 = arith.constant 1 : i32
        %parallel_loop3A_496 = arith.constant 23 : i32
        %parallel_loop3A_497 = arith.index_cast %parallel_loop3A_495 : i32 to index
        %parallel_loop3A_498 = arith.index_cast %parallel_loop3A_496 : i32 to index
        %parallel_loop3A_499 = arith.index_cast %parallel_loop3A_318 : i32 to index
        %parallel_loop3A_500 = tpu.vector_load %arg9[%parallel_loop3A_497, %parallel_loop3A_498, %parallel_loop3A_499] {strides = array<i32>} : memref<2x32x1024xf32, #tpu.memory_space<vmem>>, vector<1x1x16xf32>,
        %parallel_loop3A_501 = vector.shape_cast %parallel_loop3A_500 : vector<1x1x16xf32> to vector<16xf32>
        %parallel_loop3A_502 = vector.shape_cast %parallel_loop3A_494 : vector<16xf32> to vector<1x1x16xf32>
        tpu.vector_store %arg9[%parallel_loop3A_497, %parallel_loop3A_498, %parallel_loop3A_499], %parallel_loop3A_502 {strides = array<i32>} : memref<2x32x1024xf32, #tpu.memory_space<vmem>>, vector<1x1x16xf32>,
        %parallel_loop3A_503 = arith.constant 1 : i32
        %parallel_loop3A_504 = arith.constant 24 : i32
        %parallel_loop3A_505 = arith.index_cast %parallel_loop3A_503 : i32 to index
        %parallel_loop3A_506 = arith.index_cast %parallel_loop3A_504 : i32 to index
        %parallel_loop3A_507 = arith.index_cast %parallel_loop3A_318 : i32 to index
        %parallel_loop3A_508 = tpu.vector_load %arg9[%parallel_loop3A_505, %parallel_loop3A_506, %parallel_loop3A_507] {strides = array<i32>} : memref<2x32x1024xf32, #tpu.memory_space<vmem>>, vector<1x1x16xf32>,
        %parallel_loop3A_509 = vector.shape_cast %parallel_loop3A_508 : vector<1x1x16xf32> to vector<16xf32>
        %parallel_loop3A_510 = arith.constant 1 : i32
        %parallel_loop3A_511 = arith.constant 8 : i32
        %parallel_loop3A_512 = arith.index_cast %parallel_loop3A_510 : i32 to index
        %parallel_loop3A_513 = arith.index_cast %parallel_loop3A_511 : i32 to index
        %parallel_loop3A_514 = arith.index_cast %parallel_loop3A_318 : i32 to index
        %parallel_loop3A_515 = tpu.vector_load %arg10[%parallel_loop3A_512, %parallel_loop3A_513, %parallel_loop3A_514] {strides = array<i32>} : memref<2x16x1024xf32, #tpu.memory_space<vmem>>, vector<1x1x16xf32>,
        %parallel_loop3A_516 = vector.shape_cast %parallel_loop3A_515 : vector<1x1x16xf32> to vector<16xf32>
        %parallel_loop3A_517 = arith.addf %parallel_loop3A_509, %parallel_loop3A_516 : vector<16xf32>
        %parallel_loop3A_518 = arith.constant 1 : i32
        %parallel_loop3A_519 = arith.constant 24 : i32
        %parallel_loop3A_520 = arith.index_cast %parallel_loop3A_518 : i32 to index
        %parallel_loop3A_521 = arith.index_cast %parallel_loop3A_519 : i32 to index
        %parallel_loop3A_522 = arith.index_cast %parallel_loop3A_318 : i32 to index
        %parallel_loop3A_523 = tpu.vector_load %arg9[%parallel_loop3A_520, %parallel_loop3A_521, %parallel_loop3A_522] {strides = array<i32>} : memref<2x32x1024xf32, #tpu.memory_space<vmem>>, vector<1x1x16xf32>,
        %parallel_loop3A_524 = vector.shape_cast %parallel_loop3A_523 : vector<1x1x16xf32> to vector<16xf32>
        %parallel_loop3A_525 = vector.shape_cast %parallel_loop3A_517 : vector<16xf32> to vector<1x1x16xf32>
        tpu.vector_store %arg9[%parallel_loop3A_520, %parallel_loop3A_521, %parallel_loop3A_522], %parallel_loop3A_525 {strides = array<i32>} : memref<2x32x1024xf32, #tpu.memory_space<vmem>>, vector<1x1x16xf32>,
        %parallel_loop3A_526 = arith.constant 1 : i32
        %parallel_loop3A_527 = arith.constant 25 : i32
        %parallel_loop3A_528 = arith.index_cast %parallel_loop3A_526 : i32 to index
        %parallel_loop3A_529 = arith.index_cast %parallel_loop3A_527 : i32 to index
        %parallel_loop3A_530 = arith.index_cast %parallel_loop3A_318 : i32 to index
        %parallel_loop3A_531 = tpu.vector_load %arg9[%parallel_loop3A_528, %parallel_loop3A_529, %parallel_loop3A_530] {strides = array<i32>} : memref<2x32x1024xf32, #tpu.memory_space<vmem>>, vector<1x1x16xf32>,
        %parallel_loop3A_532 = vector.shape_cast %parallel_loop3A_531 : vector<1x1x16xf32> to vector<16xf32>
        %parallel_loop3A_533 = arith.constant 1 : i32
        %parallel_loop3A_534 = arith.constant 9 : i32
        %parallel_loop3A_535 = arith.index_cast %parallel_loop3A_533 : i32 to index
        %parallel_loop3A_536 = arith.index_cast %parallel_loop3A_534 : i32 to index
        %parallel_loop3A_537 = arith.index_cast %parallel_loop3A_318 : i32 to index
        %parallel_loop3A_538 = tpu.vector_load %arg10[%parallel_loop3A_535, %parallel_loop3A_536, %parallel_loop3A_537] {strides = array<i32>} : memref<2x16x1024xf32, #tpu.memory_space<vmem>>, vector<1x1x16xf32>,
        %parallel_loop3A_539 = vector.shape_cast %parallel_loop3A_538 : vector<1x1x16xf32> to vector<16xf32>
        %parallel_loop3A_540 = arith.addf %parallel_loop3A_532, %parallel_loop3A_539 : vector<16xf32>
        %parallel_loop3A_541 = arith.constant 1 : i32
        %parallel_loop3A_542 = arith.constant 25 : i32
        %parallel_loop3A_543 = arith.index_cast %parallel_loop3A_541 : i32 to index
        %parallel_loop3A_544 = arith.index_cast %parallel_loop3A_542 : i32 to index
        %parallel_loop3A_545 = arith.index_cast %parallel_loop3A_318 : i32 to index
        %parallel_loop3A_546 = tpu.vector_load %arg9[%parallel_loop3A_543, %parallel_loop3A_544, %parallel_loop3A_545] {strides = array<i32>} : memref<2x32x1024xf32, #tpu.memory_space<vmem>>, vector<1x1x16xf32>,
        %parallel_loop3A_547 = vector.shape_cast %parallel_loop3A_546 : vector<1x1x16xf32> to vector<16xf32>
        %parallel_loop3A_548 = vector.shape_cast %parallel_loop3A_540 : vector<16xf32> to vector<1x1x16xf32>
        tpu.vector_store %arg9[%parallel_loop3A_543, %parallel_loop3A_544, %parallel_loop3A_545], %parallel_loop3A_548 {strides = array<i32>} : memref<2x32x1024xf32, #tpu.memory_space<vmem>>, vector<1x1x16xf32>,
        %parallel_loop3A_549 = arith.constant 1 : i32
        %parallel_loop3A_550 = arith.constant 26 : i32
        %parallel_loop3A_551 = arith.index_cast %parallel_loop3A_549 : i32 to index
        %parallel_loop3A_552 = arith.index_cast %parallel_loop3A_550 : i32 to index
        %parallel_loop3A_553 = arith.index_cast %parallel_loop3A_318 : i32 to index
        %parallel_loop3A_554 = tpu.vector_load %arg9[%parallel_loop3A_551, %parallel_loop3A_552, %parallel_loop3A_553] {strides = array<i32>} : memref<2x32x1024xf32, #tpu.memory_space<vmem>>, vector<1x1x16xf32>,
        %parallel_loop3A_555 = vector.shape_cast %parallel_loop3A_554 : vector<1x1x16xf32> to vector<16xf32>
        %parallel_loop3A_556 = arith.constant 1 : i32
        %parallel_loop3A_557 = arith.constant 10 : i32
        %parallel_loop3A_558 = arith.index_cast %parallel_loop3A_556 : i32 to index
        %parallel_loop3A_559 = arith.index_cast %parallel_loop3A_557 : i32 to index
        %parallel_loop3A_560 = arith.index_cast %parallel_loop3A_318 : i32 to index
        %parallel_loop3A_561 = tpu.vector_load %arg10[%parallel_loop3A_558, %parallel_loop3A_559, %parallel_loop3A_560] {strides = array<i32>} : memref<2x16x1024xf32, #tpu.memory_space<vmem>>, vector<1x1x16xf32>,
        %parallel_loop3A_562 = vector.shape_cast %parallel_loop3A_561 : vector<1x1x16xf32> to vector<16xf32>
        %parallel_loop3A_563 = arith.addf %parallel_loop3A_555, %parallel_loop3A_562 : vector<16xf32>
        %parallel_loop3A_564 = arith.constant 1 : i32
        %parallel_loop3A_565 = arith.constant 26 : i32
        %parallel_loop3A_566 = arith.index_cast %parallel_loop3A_564 : i32 to index
        %parallel_loop3A_567 = arith.index_cast %parallel_loop3A_565 : i32 to index
        %parallel_loop3A_568 = arith.index_cast %parallel_loop3A_318 : i32 to index
        %parallel_loop3A_569 = tpu.vector_load %arg9[%parallel_loop3A_566, %parallel_loop3A_567, %parallel_loop3A_568] {strides = array<i32>} : memref<2x32x1024xf32, #tpu.memory_space<vmem>>, vector<1x1x16xf32>,
        %parallel_loop3A_570 = vector.shape_cast %parallel_loop3A_569 : vector<1x1x16xf32> to vector<16xf32>
        %parallel_loop3A_571 = vector.shape_cast %parallel_loop3A_563 : vector<16xf32> to vector<1x1x16xf32>
        tpu.vector_store %arg9[%parallel_loop3A_566, %parallel_loop3A_567, %parallel_loop3A_568], %parallel_loop3A_571 {strides = array<i32>} : memref<2x32x1024xf32, #tpu.memory_space<vmem>>, vector<1x1x16xf32>,
        %parallel_loop3A_572 = arith.constant 1 : i32
        %parallel_loop3A_573 = arith.constant 27 : i32
        %parallel_loop3A_574 = arith.index_cast %parallel_loop3A_572 : i32 to index
        %parallel_loop3A_575 = arith.index_cast %parallel_loop3A_573 : i32 to index
        %parallel_loop3A_576 = arith.index_cast %parallel_loop3A_318 : i32 to index
        %parallel_loop3A_577 = tpu.vector_load %arg9[%parallel_loop3A_574, %parallel_loop3A_575, %parallel_loop3A_576] {strides = array<i32>} : memref<2x32x1024xf32, #tpu.memory_space<vmem>>, vector<1x1x16xf32>,
        %parallel_loop3A_578 = vector.shape_cast %parallel_loop3A_577 : vector<1x1x16xf32> to vector<16xf32>
        %parallel_loop3A_579 = arith.constant 1 : i32
        %parallel_loop3A_580 = arith.constant 11 : i32
        %parallel_loop3A_581 = arith.index_cast %parallel_loop3A_579 : i32 to index
        %parallel_loop3A_582 = arith.index_cast %parallel_loop3A_580 : i32 to index
        %parallel_loop3A_583 = arith.index_cast %parallel_loop3A_318 : i32 to index
        %parallel_loop3A_584 = tpu.vector_load %arg10[%parallel_loop3A_581, %parallel_loop3A_582, %parallel_loop3A_583] {strides = array<i32>} : memref<2x16x1024xf32, #tpu.memory_space<vmem>>, vector<1x1x16xf32>,
        %parallel_loop3A_585 = vector.shape_cast %parallel_loop3A_584 : vector<1x1x16xf32> to vector<16xf32>
        %parallel_loop3A_586 = arith.addf %parallel_loop3A_578, %parallel_loop3A_585 : vector<16xf32>
        %parallel_loop3A_587 = arith.constant 1 : i32
        %parallel_loop3A_588 = arith.constant 27 : i32
        %parallel_loop3A_589 = arith.index_cast %parallel_loop3A_587 : i32 to index
        %parallel_loop3A_590 = arith.index_cast %parallel_loop3A_588 : i32 to index
        %parallel_loop3A_591 = arith.index_cast %parallel_loop3A_318 : i32 to index
        %parallel_loop3A_592 = tpu.vector_load %arg9[%parallel_loop3A_589, %parallel_loop3A_590, %parallel_loop3A_591] {strides = array<i32>} : memref<2x32x1024xf32, #tpu.memory_space<vmem>>, vector<1x1x16xf32>,
        %parallel_loop3A_593 = vector.shape_cast %parallel_loop3A_592 : vector<1x1x16xf32> to vector<16xf32>
        %parallel_loop3A_594 = vector.shape_cast %parallel_loop3A_586 : vector<16xf32> to vector<1x1x16xf32>
        tpu.vector_store %arg9[%parallel_loop3A_589, %parallel_loop3A_590, %parallel_loop3A_591], %parallel_loop3A_594 {strides = array<i32>} : memref<2x32x1024xf32, #tpu.memory_space<vmem>>, vector<1x1x16xf32>,
        %parallel_loop3A_595 = arith.constant 1 : i32
        %parallel_loop3A_596 = arith.constant 28 : i32
        %parallel_loop3A_597 = arith.index_cast %parallel_loop3A_595 : i32 to index
        %parallel_loop3A_598 = arith.index_cast %parallel_loop3A_596 : i32 to index
        %parallel_loop3A_599 = arith.index_cast %parallel_loop3A_318 : i32 to index
        %parallel_loop3A_600 = tpu.vector_load %arg9[%parallel_loop3A_597, %parallel_loop3A_598, %parallel_loop3A_599] {strides = array<i32>} : memref<2x32x1024xf32, #tpu.memory_space<vmem>>, vector<1x1x16xf32>,
        %parallel_loop3A_601 = vector.shape_cast %parallel_loop3A_600 : vector<1x1x16xf32> to vector<16xf32>
        %parallel_loop3A_602 = arith.constant 1 : i32
        %parallel_loop3A_603 = arith.constant 12 : i32
        %parallel_loop3A_604 = arith.index_cast %parallel_loop3A_602 : i32 to index
        %parallel_loop3A_605 = arith.index_cast %parallel_loop3A_603 : i32 to index
        %parallel_loop3A_606 = arith.index_cast %parallel_loop3A_318 : i32 to index
        %parallel_loop3A_607 = tpu.vector_load %arg10[%parallel_loop3A_604, %parallel_loop3A_605, %parallel_loop3A_606] {strides = array<i32>} : memref<2x16x1024xf32, #tpu.memory_space<vmem>>, vector<1x1x16xf32>,
        %parallel_loop3A_608 = vector.shape_cast %parallel_loop3A_607 : vector<1x1x16xf32> to vector<16xf32>
        %parallel_loop3A_609 = arith.addf %parallel_loop3A_601, %parallel_loop3A_608 : vector<16xf32>
        %parallel_loop3A_610 = arith.constant 1 : i32
        %parallel_loop3A_611 = arith.constant 28 : i32
        %parallel_loop3A_612 = arith.index_cast %parallel_loop3A_610 : i32 to index
        %parallel_loop3A_613 = arith.index_cast %parallel_loop3A_611 : i32 to index
        %parallel_loop3A_614 = arith.index_cast %parallel_loop3A_318 : i32 to index
        %parallel_loop3A_615 = tpu.vector_load %arg9[%parallel_loop3A_612, %parallel_loop3A_613, %parallel_loop3A_614] {strides = array<i32>} : memref<2x32x1024xf32, #tpu.memory_space<vmem>>, vector<1x1x16xf32>,
        %parallel_loop3A_616 = vector.shape_cast %parallel_loop3A_615 : vector<1x1x16xf32> to vector<16xf32>
        %parallel_loop3A_617 = vector.shape_cast %parallel_loop3A_609 : vector<16xf32> to vector<1x1x16xf32>
        tpu.vector_store %arg9[%parallel_loop3A_612, %parallel_loop3A_613, %parallel_loop3A_614], %parallel_loop3A_617 {strides = array<i32>} : memref<2x32x1024xf32, #tpu.memory_space<vmem>>, vector<1x1x16xf32>,
        %parallel_loop3A_618 = arith.constant 1 : i32
        %parallel_loop3A_619 = arith.constant 29 : i32
        %parallel_loop3A_620 = arith.index_cast %parallel_loop3A_618 : i32 to index
        %parallel_loop3A_621 = arith.index_cast %parallel_loop3A_619 : i32 to index
        %parallel_loop3A_622 = arith.index_cast %parallel_loop3A_318 : i32 to index
        %parallel_loop3A_623 = tpu.vector_load %arg9[%parallel_loop3A_620, %parallel_loop3A_621, %parallel_loop3A_622] {strides = array<i32>} : memref<2x32x1024xf32, #tpu.memory_space<vmem>>, vector<1x1x16xf32>,
        %parallel_loop3A_624 = vector.shape_cast %parallel_loop3A_623 : vector<1x1x16xf32> to vector<16xf32>
        %parallel_loop3A_625 = arith.constant 1 : i32
        %parallel_loop3A_626 = arith.constant 13 : i32
        %parallel_loop3A_627 = arith.index_cast %parallel_loop3A_625 : i32 to index
        %parallel_loop3A_628 = arith.index_cast %parallel_loop3A_626 : i32 to index
        %parallel_loop3A_629 = arith.index_cast %parallel_loop3A_318 : i32 to index
        %parallel_loop3A_630 = tpu.vector_load %arg10[%parallel_loop3A_627, %parallel_loop3A_628, %parallel_loop3A_629] {strides = array<i32>} : memref<2x16x1024xf32, #tpu.memory_space<vmem>>, vector<1x1x16xf32>,
        %parallel_loop3A_631 = vector.shape_cast %parallel_loop3A_630 : vector<1x1x16xf32> to vector<16xf32>
        %parallel_loop3A_632 = arith.addf %parallel_loop3A_624, %parallel_loop3A_631 : vector<16xf32>
        %parallel_loop3A_633 = arith.constant 1 : i32
        %parallel_loop3A_634 = arith.constant 29 : i32
        %parallel_loop3A_635 = arith.index_cast %parallel_loop3A_633 : i32 to index
        %parallel_loop3A_636 = arith.index_cast %parallel_loop3A_634 : i32 to index
        %parallel_loop3A_637 = arith.index_cast %parallel_loop3A_318 : i32 to index
        %parallel_loop3A_638 = tpu.vector_load %arg9[%parallel_loop3A_635, %parallel_loop3A_636, %parallel_loop3A_637] {strides = array<i32>} : memref<2x32x1024xf32, #tpu.memory_space<vmem>>, vector<1x1x16xf32>,
        %parallel_loop3A_639 = vector.shape_cast %parallel_loop3A_638 : vector<1x1x16xf32> to vector<16xf32>
        %parallel_loop3A_640 = vector.shape_cast %parallel_loop3A_632 : vector<16xf32> to vector<1x1x16xf32>
        tpu.vector_store %arg9[%parallel_loop3A_635, %parallel_loop3A_636, %parallel_loop3A_637], %parallel_loop3A_640 {strides = array<i32>} : memref<2x32x1024xf32, #tpu.memory_space<vmem>>, vector<1x1x16xf32>,
        %parallel_loop3A_641 = arith.constant 1 : i32
        %parallel_loop3A_642 = arith.constant 30 : i32
        %parallel_loop3A_643 = arith.index_cast %parallel_loop3A_641 : i32 to index
        %parallel_loop3A_644 = arith.index_cast %parallel_loop3A_642 : i32 to index
        %parallel_loop3A_645 = arith.index_cast %parallel_loop3A_318 : i32 to index
        %parallel_loop3A_646 = tpu.vector_load %arg9[%parallel_loop3A_643, %parallel_loop3A_644, %parallel_loop3A_645] {strides = array<i32>} : memref<2x32x1024xf32, #tpu.memory_space<vmem>>, vector<1x1x16xf32>,
        %parallel_loop3A_647 = vector.shape_cast %parallel_loop3A_646 : vector<1x1x16xf32> to vector<16xf32>
        %parallel_loop3A_648 = arith.constant 1 : i32
        %parallel_loop3A_649 = arith.constant 14 : i32
        %parallel_loop3A_650 = arith.index_cast %parallel_loop3A_648 : i32 to index
        %parallel_loop3A_651 = arith.index_cast %parallel_loop3A_649 : i32 to index
        %parallel_loop3A_652 = arith.index_cast %parallel_loop3A_318 : i32 to index
        %parallel_loop3A_653 = tpu.vector_load %arg10[%parallel_loop3A_650, %parallel_loop3A_651, %parallel_loop3A_652] {strides = array<i32>} : memref<2x16x1024xf32, #tpu.memory_space<vmem>>, vector<1x1x16xf32>,
        %parallel_loop3A_654 = vector.shape_cast %parallel_loop3A_653 : vector<1x1x16xf32> to vector<16xf32>
        %parallel_loop3A_655 = arith.addf %parallel_loop3A_647, %parallel_loop3A_654 : vector<16xf32>
        %parallel_loop3A_656 = arith.constant 1 : i32
        %parallel_loop3A_657 = arith.constant 30 : i32
        %parallel_loop3A_658 = arith.index_cast %parallel_loop3A_656 : i32 to index
        %parallel_loop3A_659 = arith.index_cast %parallel_loop3A_657 : i32 to index
        %parallel_loop3A_660 = arith.index_cast %parallel_loop3A_318 : i32 to index
        %parallel_loop3A_661 = tpu.vector_load %arg9[%parallel_loop3A_658, %parallel_loop3A_659, %parallel_loop3A_660] {strides = array<i32>} : memref<2x32x1024xf32, #tpu.memory_space<vmem>>, vector<1x1x16xf32>,
        %parallel_loop3A_662 = vector.shape_cast %parallel_loop3A_661 : vector<1x1x16xf32> to vector<16xf32>
        %parallel_loop3A_663 = vector.shape_cast %parallel_loop3A_655 : vector<16xf32> to vector<1x1x16xf32>
        tpu.vector_store %arg9[%parallel_loop3A_658, %parallel_loop3A_659, %parallel_loop3A_660], %parallel_loop3A_663 {strides = array<i32>} : memref<2x32x1024xf32, #tpu.memory_space<vmem>>, vector<1x1x16xf32>,
        %parallel_loop3A_664 = arith.constant 1 : i32
        %parallel_loop3A_665 = arith.constant 31 : i32
        %parallel_loop3A_666 = arith.index_cast %parallel_loop3A_664 : i32 to index
        %parallel_loop3A_667 = arith.index_cast %parallel_loop3A_665 : i32 to index
        %parallel_loop3A_668 = arith.index_cast %parallel_loop3A_318 : i32 to index
        %parallel_loop3A_669 = tpu.vector_load %arg9[%parallel_loop3A_666, %parallel_loop3A_667, %parallel_loop3A_668] {strides = array<i32>} : memref<2x32x1024xf32, #tpu.memory_space<vmem>>, vector<1x1x16xf32>,
        %parallel_loop3A_670 = vector.shape_cast %parallel_loop3A_669 : vector<1x1x16xf32> to vector<16xf32>
        %parallel_loop3A_671 = arith.constant 1 : i32
        %parallel_loop3A_672 = arith.constant 15 : i32
        %parallel_loop3A_673 = arith.index_cast %parallel_loop3A_671 : i32 to index
        %parallel_loop3A_674 = arith.index_cast %parallel_loop3A_672 : i32 to index
        %parallel_loop3A_675 = arith.index_cast %parallel_loop3A_318 : i32 to index
        %parallel_loop3A_676 = tpu.vector_load %arg10[%parallel_loop3A_673, %parallel_loop3A_674, %parallel_loop3A_675] {strides = array<i32>} : memref<2x16x1024xf32, #tpu.memory_space<vmem>>, vector<1x1x16xf32>,
        %parallel_loop3A_677 = vector.shape_cast %parallel_loop3A_676 : vector<1x1x16xf32> to vector<16xf32>
        %parallel_loop3A_678 = arith.addf %parallel_loop3A_670, %parallel_loop3A_677 : vector<16xf32>
        %parallel_loop3A_679 = arith.constant 1 : i32
        %parallel_loop3A_680 = arith.constant 31 : i32
        %parallel_loop3A_681 = arith.index_cast %parallel_loop3A_679 : i32 to index
        %parallel_loop3A_682 = arith.index_cast %parallel_loop3A_680 : i32 to index
        %parallel_loop3A_683 = arith.index_cast %parallel_loop3A_318 : i32 to index
        %parallel_loop3A_684 = tpu.vector_load %arg9[%parallel_loop3A_681, %parallel_loop3A_682, %parallel_loop3A_683] {strides = array<i32>} : memref<2x32x1024xf32, #tpu.memory_space<vmem>>, vector<1x1x16xf32>,
        %parallel_loop3A_685 = vector.shape_cast %parallel_loop3A_684 : vector<1x1x16xf32> to vector<16xf32>
        %parallel_loop3A_686 = vector.shape_cast %parallel_loop3A_678 : vector<16xf32> to vector<1x1x16xf32>
        tpu.vector_store %arg9[%parallel_loop3A_681, %parallel_loop3A_682, %parallel_loop3A_683], %parallel_loop3A_686 {strides = array<i32>} : memref<2x32x1024xf32, #tpu.memory_space<vmem>>, vector<1x1x16xf32>,
      } {sc.loop_unroll_factor = 1 : i64, sc.parallel_access}
      %add3A_290 = arith.constant 2 : i32
      %add3A_291 = arith.addi %add3A_272, %add3A_290 : i32
      %lt3A_292 = arith.constant 32 : i32
      %lt3A_293 = arith.cmpi slt, %add3A_291, %lt3A_292 : i32
      %convert_element_type3A_294 = arith.extui %lt3A_293 : i1 to i32
      %cond3A_295 = arith.constant 0 : i32
      %cond3A_296 = arith.cmpi ne, %convert_element_type3A_294, %cond3A_295 : i32
      scf.if %cond3A_296 {
        %add3A_316 = arith.constant 2 : i32
        %add3A_317 = arith.addi %add3A_272, %add3A_316 : i32
        %dma_start3A_318 = arith.constant 1 : i32
        %dma_start3A_319 = arith.constant 1 : i32
        %dma_start3A_320 = arith.constant 0 : i32
        %dma_start3A_321 = arith.constant 0 : i32
        %dma_start3A_322 = tpu.memref_slice %arg10[%dma_start3A_318, %dma_start3A_320, %dma_start3A_321] : memref<2x16x1024xf32, #tpu.memory_space<vmem>> -> memref<1x16x1024xf32, #tpu.memory_space<vmem>>
        %dma_start3A_323 = tpu.memref_squeeze %dma_start3A_322 : memref<1x16x1024xf32, #tpu.memory_space<vmem>> -> memref<16x1024xf32, #tpu.memory_space<vmem>>
        %dma_start3A_324 = arith.constant 0 : i32
        %dma_start3A_325 = tpu.memref_slice %arg8[%add3A_317, %dma_start3A_324] : memref<32x16xi32, #tpu.memory_space<vmem>> -> memref<1x16xi32, #tpu.memory_space<vmem>>
        %dma_start3A_326 = tpu.memref_squeeze %dma_start3A_325 : memref<1x16xi32, #tpu.memory_space<vmem>> -> memref<16xi32, #tpu.memory_space<vmem>>
        %dma_start3A_327 = arith.constant 0 : i32
        %dma_start3A_328 = arith.constant 0 : i32
        %dma_start3A_329 = tpu.memref_slice %arg5[%dma_start3A_327, %dma_start3A_328] : memref<8192x1024xf32, #tpu.memory_space<hbm>> -> memref<8192x1024xf32, #tpu.memory_space<hbm>>
        %dma_start3A_330 = tpu.memref_slice %arg12[%dma_start3A_319] : memref<2x!tpu.dma_semaphore, #tpu.memory_space<semaphore_mem>> -> memref<1x!tpu.dma_semaphore, #tpu.memory_space<semaphore_mem>>
        %dma_start3A_331 = tpu.memref_squeeze %dma_start3A_330 : memref<1x!tpu.dma_semaphore, #tpu.memory_space<semaphore_mem>> -> memref<!tpu.dma_semaphore, #tpu.memory_space<semaphore_mem>>
        tpu.enqueue_indirect_dma source(%dma_start3A_329 : memref<8192x1024xf32, #tpu.memory_space<hbm>>) target(%dma_start3A_323 : memref<16x1024xf32, #tpu.memory_space<vmem>>) offsets(%dma_start3A_326 : memref<16xi32, #tpu.memory_space<vmem>>) semaphore(%dma_start3A_331 : memref<!tpu.dma_semaphore, #tpu.memory_space<semaphore_mem>>)
      } else {
      }
      %mul3A_297 = arith.constant 32 : i32
      %mul3A_298 = arith.muli %add3A_214, %mul3A_297 : i32
      %add3A_299 = arith.addi %mul3A_2, %mul3A_298 : i32
      %dma_start3A_300 = arith.constant 1 : i32
      %dma_start3A_301 = arith.constant 1 : i32
      %dma_start3A_302 = arith.constant 0 : i32
      %dma_start3A_303 = arith.constant 0 : i32
      %dma_start3A_304 = tpu.memref_slice %arg9[%dma_start3A_300, %dma_start3A_302, %dma_start3A_303] : memref<2x32x1024xf32, #tpu.memory_space<vmem>> -> memref<1x32x1024xf32, #tpu.memory_space<vmem>>
      %dma_start3A_305 = tpu.memref_squeeze %dma_start3A_304 : memref<1x32x1024xf32, #tpu.memory_space<vmem>> -> memref<32x1024xf32, #tpu.memory_space<vmem>>
      %dma_start3A_306 = arith.constant 0 : i32
      %dma_start3A_307 = tpu.memref_slice %arg6[%add3A_299, %dma_start3A_306] : memref<16384x1024xf32, #tpu.memory_space<hbm>> -> memref<32x1024xf32, #tpu.memory_space<hbm>>
      %dma_start3A_308 = tpu.memref_slice %arg13[%dma_start3A_301] : memref<2x!tpu.dma_semaphore, #tpu.memory_space<semaphore_mem>> -> memref<1x!tpu.dma_semaphore, #tpu.memory_space<semaphore_mem>>
      %dma_start3A_309 = tpu.memref_squeeze %dma_start3A_308 : memref<1x!tpu.dma_semaphore, #tpu.memory_space<semaphore_mem>> -> memref<!tpu.dma_semaphore, #tpu.memory_space<semaphore_mem>>
      %dma_start3A_310 = arith.constant 0 : i32
      %dma_start3A_311 = tpu.memref_slice %arg6[%add3A_299, %dma_start3A_310] : memref<16384x1024xf32, #tpu.memory_space<hbm>> -> memref<32x1024xf32, #tpu.memory_space<hbm>>
      %dma_start3A_312 = arith.constant 0 : i32
      %dma_start3A_313 = arith.constant 0 : i32
      %dma_start3A_314 = tpu.memref_slice %arg9[%dma_start3A_300, %dma_start3A_312, %dma_start3A_313] : memref<2x32x1024xf32, #tpu.memory_space<vmem>> -> memref<1x32x1024xf32, #tpu.memory_space<vmem>>
      %dma_start3A_315 = tpu.memref_squeeze %dma_start3A_314 : memref<1x32x1024xf32, #tpu.memory_space<vmem>> -> memref<32x1024xf32, #tpu.memory_space<vmem>>
      tpu.enqueue_dma source(%dma_start3A_315 : memref<32x1024xf32, #tpu.memory_space<vmem>>) target(%dma_start3A_311 : memref<32x1024xf32, #tpu.memory_space<hbm>>) target_semaphore(%dma_start3A_309 : memref<!tpu.dma_semaphore, #tpu.memory_space<semaphore_mem>>)
    }
    %scan3A_93 = arith.constant 8 : i32
    %dma_wait3A_94 = arith.constant 1 : i32
    %dma_wait3A_95 = arith.constant 1 : i32
    %dma_wait3A_96 = arith.constant 0 : i32
    %dma_wait3A_97 = arith.constant 0 : i32
    %dma_wait3A_98 = tpu.memref_slice %arg9[%dma_wait3A_94, %dma_wait3A_96, %dma_wait3A_97] : memref<2x32x1024xf32, #tpu.memory_space<vmem>> -> memref<1x32x1024xf32, #tpu.memory_space<vmem>>
    %dma_wait3A_99 = tpu.memref_squeeze %dma_wait3A_98 : memref<1x32x1024xf32, #tpu.memory_space<vmem>> -> memref<32x1024xf32, #tpu.memory_space<vmem>>
    %dma_wait3A_100 = arith.constant 0 : i32
    %dma_wait3A_101 = tpu.memref_slice %arg6[%mul3A_2, %dma_wait3A_100] : memref<16384x1024xf32, #tpu.memory_space<hbm>> -> memref<32x1024xf32, #tpu.memory_space<hbm>>
    %dma_wait3A_102 = tpu.memref_slice %arg13[%dma_wait3A_95] : memref<2x!tpu.dma_semaphore, #tpu.memory_space<semaphore_mem>> -> memref<1x!tpu.dma_semaphore, #tpu.memory_space<semaphore_mem>>
    %dma_wait3A_103 = tpu.memref_squeeze %dma_wait3A_102 : memref<1x!tpu.dma_semaphore, #tpu.memory_space<semaphore_mem>> -> memref<!tpu.dma_semaphore, #tpu.memory_space<semaphore_mem>>
    %dma_wait3A_104 = arith.constant 0 : i32
    %dma_wait3A_105 = tpu.memref_slice %arg6[%mul3A_2, %dma_wait3A_104] : memref<16384x1024xf32, #tpu.memory_space<hbm>> -> memref<32x1024xf32, #tpu.memory_space<hbm>>
    %dma_wait3A_106 = arith.constant 0 : i32
    %dma_wait3A_107 = arith.constant 0 : i32
    %dma_wait3A_108 = tpu.memref_slice %arg9[%dma_wait3A_94, %dma_wait3A_106, %dma_wait3A_107] : memref<2x32x1024xf32, #tpu.memory_space<vmem>> -> memref<1x32x1024xf32, #tpu.memory_space<vmem>>
    %dma_wait3A_109 = tpu.memref_squeeze %dma_wait3A_108 : memref<1x32x1024xf32, #tpu.memory_space<vmem>> -> memref<32x1024xf32, #tpu.memory_space<vmem>>
    tpu.wait_dma2 semaphore(%dma_wait3A_103 : memref<!tpu.dma_semaphore, #tpu.memory_space<semaphore_mem>>) src(%dma_wait3A_109 : memref<32x1024xf32, #tpu.memory_space<vmem>>) dst(%dma_wait3A_105 : memref<32x1024xf32, #tpu.memory_space<hbm>>)
    return
  }
}

</mosaic_0001>

<sc_bundles>
// kernel: _embed_lookup.3.cloned.1.call-start
scs
__scs_entry_jumppad:
0x0: {  	(pc) =	sbr.rel $0x88, $3  }
0x1: {  	(tag) =	ssettag $0x0;
	lr =	simm.s32 $0x1  }
0x2: {  	[smem:$0x3F9D] =	sst lr;
	_ =	strace $0xD0000000  }
0x3: {  	_ = 	snop  }
0x4: {  	_ = 	snop  }
0x5: {  	_ = 	snop  }
0x6: {  	_ = 	snop  }
0x7: {  	_ = 	snop  }
__scs_overlays_trampoline_lowered:
0x8: {  	[smem:$0x3FAC] =	sst s0  }
0x9: {  	[smem:$0x3FAD] =	sst s1  }
0xa: {  	[smem:$0x3FAE] =	sst s2  }
0xb: {  	[smem:$0x3FAF] =	sst s3  }
0xc: {  	[smem:$0x3FB0] =	sst s4  }
0xd: {  	[smem:$0x3FB1] =	sst s5  }
0xe: {  	[smem:$0x3FB2] =	sst s6  }
0xf: {  	[smem:$0x3FB3] =	sst s7  }
0x10: {  	[smem:$0x3FB4] =	sst s8  }
0x11: {  	[smem:$0x3FB5] =	sst s9;
	s0 =	simm.s32 @!p0 $0x0  }
0x12: {  	s1 =	sld [smem:$0x3F9B];
	s0 =	simm.s32 @p0 $0x1  }
0x13: {  	[smem:$0x3FB6] =	sst s0;
	s0 =	simm.s32 @!p1 $0x0  }
0x14: {  	s2 =	sld [smem:$0x3F9A];
	s0 =	simm.s32 @p1 $0x1  }
0x15: {  	[smem:$0x3FB7] =	sst s0;
	s0 =	simm.s32 @!p2 $0x0  }
0x16: {  	s3 =	sld [smem:$0x3FDB];
	s0 =	simm.s32 @p2 $0x1  }
0x17: {  	s4 =	simm.s32 $0x1BF5;
	[smem:$0x3FB9] =	sst s0  }
0x18: {  	s0 =	sld [smem:$0x3F9C];
	_ =	swait.ge [sflag:s4], $0x0  }
0x19: {  	s7 =	sld [smem:$0x3F9D]  }
0x1a: {  	s8 =	sadd.s32 $0xFFFFE003, lr  }
0x1b: {  	s9 =	sadd.s32 $0xFFFFFEF7, lr;
	s5 =	simm.s32 $0xFFFFFFFF;
	p2 =	slt.u32 s8, $0xFFFFF086  }
0x1c: {  	p1 =	slt.u32 s9, $0xF7A;
	s5 =	simm.s32 @!p2 $0x0  }
0x1d: {  	s5 =	simm.s32 @p1 $0x1;
	p0 =	seq.s32 s7, s2  }
0x1e: {  	s7 =	smul.u32 @!p0 $0xF7A, s2;
	p2 =	seq.s32 @!p0 s5, $0x0  }
0x1f: {  	s9 =	smul.u32 $0xF7A, s1;
	s8 =	simm.s32 @!p0 $0x1BF5;
	p2 =	por !p2, p0  }
0x20: {  	[sflag:s8] =	ssyncset.s32 @!p0 $0xFFFFF086;
	s6 =	sadd.s32 @!p0 s3, s7;
	s7 =	simm.s32 @!p0 $0x108  }
0x21: {  	s3 =	sadd.s32 s3, s9;
	s6 =	sadd.s32 @!p0 $0x88, s6;
	s7 =	simm.s32 @p2 $0x1082  }
0x22: {  	[simem:s7], [sflag:s8] =	dma.local @!p0 [hbm:s6], $0xF7A  }
0x23: {  	s9 =	sor.u32 $0xD0000000, s2;
	s6 =	simm.s32 $0x108;
	_ =	swait.ge @!p0 [sflag:s8], $0x0  }
0x24: {  	s3 =	sadd.s32 $0x88, s3;
	s6 =	simm.s32 @!p1 $0x1082;
	[sflag:s4] =	ssyncset.s32 $0xFFFFF086  }
0x25: {  	[simem:s6], [sflag:s4] =	dma.local [hbm:s3], $0xF7A  }
0x26: {  	[smem:$0x3F9D] =	sst s1;
	(tag) =	ssettag s2;
	_ =	strace s9  }
0x27: {  	s1 =	sld [smem:$0x3FAD]  }
0x28: {  	s2 =	sld [smem:$0x3FAE]  }
0x29: {  	s4 =	sld [smem:$0x3FB0]  }
0x2a: {  	p0 =	seq.s32 s5, $0x0;
	s5 =	sld [smem:$0x3FB1]  }
0x2b: {  	s6 =	sld [smem:$0x3FB2]  }
0x2c: {  	s7 =	sld [smem:$0x3FB3]  }
0x2d: {  	s3 =	simm.s32 $0x108;
	s8 =	sld [smem:$0x3FB4]  }
0x2e: {  	s3 =	simm.s32 @!p0 $0x1082;
	s9 =	sld [smem:$0x3FB5]  }
0x2f: {  	lr =	sadd.s32 s0, s3;
	s0 =	sld [smem:$0x3FAC]  }
0x30: {  	s3 =	sld [smem:$0x3FAF]  }
0x31: {  	[smem:$0x3FB8] =	sst s10  }
0x32: {  	s10 =	sld [smem:$0x3FB6];
	_ =	sdelay $0x3  }
0x33: {  	p0 =	seq.s32 s10, $0x1;
	s10 =	sld [smem:$0x3FB8];
	_ =	sdelay $0x3  }
0x34: {  	[smem:$0x3FB8] =	sst s10  }
0x35: {  	s10 =	sld [smem:$0x3FB7];
	_ =	sdelay $0x3  }
0x36: {  	p1 =	seq.s32 s10, $0x1;
	s10 =	sld [smem:$0x3FB8];
	_ =	sdelay $0x3  }
0x37: {  	[smem:$0x3FB8] =	sst s10  }
0x38: {  	s10 =	sld [smem:$0x3FB9]  }
0x39: {  	_ = 	snop;
	(pc) =	sbr.ind lr, $3  }
0x3a: {  	_ = 	snop  }
0x3b: {  	_ = 	snop  }
0x3c: {  	p2 =	seq.s32 s10, $0x1;
	s10 =	sld [smem:$0x3FB8]  }
0x3d: {  	_ =	shalt  }
0x3e: {  	_ =	shalt  }
0x3f: {  	_ =	shalt  }
0x40: {  	_ =	shalt  }
0x41: {  	_ =	shalt  }
0x42: {  	_ =	shalt  }
0x43: {  	_ =	shalt  }
0x44: {  	_ =	shalt  }
0x45: {  	_ =	shalt  }
0x46: {  	_ =	shalt  }
0x47: {  	_ =	shalt  }
0x48: {  	_ =	shalt  }
0x49: {  	_ =	shalt  }
0x4a: {  	_ =	shalt  }
0x4b: {  	_ =	shalt  }
0x4c: {  	_ =	shalt  }
0x4d: {  	_ =	shalt  }
0x4e: {  	_ =	shalt  }
0x4f: {  	_ =	shalt  }
0x50: {  	_ =	shalt  }
0x51: {  	_ =	shalt  }
0x52: {  	_ =	shalt  }
0x53: {  	_ =	shalt  }
0x54: {  	_ =	shalt  }
0x55: {  	_ =	shalt  }
0x56: {  	_ =	shalt  }
0x57: {  	_ =	shalt  }
0x58: {  	_ =	shalt  }
0x59: {  	_ =	shalt  }
0x5a: {  	_ =	shalt  }
0x5b: {  	_ =	shalt  }
0x5c: {  	_ =	shalt  }
0x5d: {  	_ =	shalt  }
0x5e: {  	_ =	shalt  }
0x5f: {  	_ =	shalt  }
0x60: {  	_ =	shalt  }
0x61: {  	_ =	shalt  }
0x62: {  	_ =	shalt  }
0x63: {  	_ =	shalt  }
0x64: {  	_ =	shalt  }
0x65: {  	_ =	shalt  }
0x66: {  	_ =	shalt  }
0x67: {  	_ =	shalt  }
0x68: {  	_ =	shalt  }
0x69: {  	_ =	shalt  }
0x6a: {  	_ =	shalt  }
0x6b: {  	_ =	shalt  }
0x6c: {  	_ =	shalt  }
0x6d: {  	_ =	shalt  }
0x6e: {  	_ =	shalt  }
0x6f: {  	_ =	shalt  }
0x70: {  	_ =	shalt  }
0x71: {  	_ =	shalt  }
0x72: {  	_ =	shalt  }
0x73: {  	_ =	shalt  }
0x74: {  	_ =	shalt  }
0x75: {  	_ =	shalt  }
0x76: {  	_ =	shalt  }
0x77: {  	_ =	shalt  }
0x78: {  	_ =	shalt  }
0x79: {  	_ =	shalt  }
0x7a: {  	_ =	shalt  }
0x7b: {  	_ =	shalt  }
0x7c: {  	_ =	shalt  }
0x7d: {  	_ =	shalt  }
0x7e: {  	_ =	shalt  }
0x7f: {  	_ =	shalt  }
0x80: {  	_ =	shalt  }
0x81: {  	_ =	shalt  }
0x82: {  	_ =	shalt  }
0x83: {  	_ =	shalt  }
0x84: {  	_ =	shalt  }
0x85: {  	_ =	shalt  }
0x86: {  	_ =	shalt  }
0x87: {  	_ =	shalt  }
.Lfunc_end0:
.L_simem_size_0:
called_computation_lowered:
.L_overlay_start_0:
0x88: {  	s2 =	sld [smem:$0x3FD9]  }
0x89: {  	s3 =	sld [smem:$0x3FFE];
	_ =	sdelay $0x1  }
0x8a: {  	s1 =	srdreg.scid  }
0x8b: {  	s0 =	sand.u32 $0x1, s1  }
0x8c: {  	s17 =	sshll.u32 s0, $0xA;
	s2 =	sadd.s32 s3, s2  }
0x8d: {  	s2 =	sadd.s32 s2, s17  }
0x8e: {  	[smem:$0x3FC4] =	sst s2  }
0x8f: {  	_ = 	snop  }
0x90: {  	s2 =	sld [smem:$0x3FC7]  }
0x91: {  	s18 =	sld [smem:$0x3FC6]  }
0x92: {  	s4 =	sld [smem:$0x3FD0];
	(tm) =	ssettm $0x1  }
0x93: {  	s5 =	sld [smem:$0x3FFB];
	_ =	sdelay $0x3  }
0x94: {  	_ =	strace s5  }
0x95: {  	s5 =	sld [smem:$0x3FFC];
	_ =	sdelay $0x3  }
0x96: {  	_ =	strace s5  }
0x97: {  	s5 =	sld [smem:$0x3FFD];
	_ =	sdelay $0x3  }
0x98: {  	_ =	strace s5  }
0x99: {  	_ =	strace $0x8FFFFFFF  }
0x9a: {  	s19 =	sld [smem:$0x3FDB];
	_ =	sdelay $0x1  }
0x9b: {  	s6 =	simm.s32 $_scs_section_size  }
0x9c: {  	s7 =	simm.s32 $_size__tile_overlayer_lowered;
	s8 =	simm.s32 $_tile_overlayer_lowered  }
0x9d: {  	s22 =	simm.s32 $0x1BFF;
	s21 =	sshll.u32 s8, $0x1;
	s5 =	sadd.s32 s6, s19  }
0x9e: {  	s9 =	simm.s32 $0x0;
	s20 =	sshll.u32 s7, $0x1;
	s7 =	sadd.s32 s21, s5  }
0x9f: {  	[timem:s9], [sflag:s22] =	dma.local [hbm:s7], s20  }
0xa0: {  	_ =	swait.ge [sflag:s22], s20  }
0xa1: {  	s6 =	ssub.s32 $0x0, s20;
	[sflag:s22] =	ssyncset.done $0x0  }
0xa2: {  	[sflag:s22] =	ssyncadd.s32 s6;
	_ =	sdelay $0x1  }
0xa3: {  	s23 =	simm.s32 $0x1B8B  }
0xa4: {  	_ =	swait.ge [sflag:s23], $0x1  }
0xa5: {  	[sflag:s23] =	ssyncset.done $0x0  }
0xa6: {  	s25 =	simm.s32 $0x1B8E;
	s24 =	sld [smem:$0x3FFE];
	[sflag:s23] =	ssyncadd.s32 $0xFFFFFFFF  }
0xa7: {  	s26 =	simm.s32 $execute0_lowered;
	[smem:$0x3FD2] =	sst s25  }
0xa8: {  	s7 =	sshll.u32 s26, $0x1;
	_ =	strace $0x80000046;
	[dreg:$0x1] =	wrdreg $0xFFFFFFFF  }
0xa9: {  	s28 =	simm.s32 $_size_execute0_lowered;
	s5 =	sadd.s32 s5, s7;
	[dreg:$0x0] =	wrdreg $0x0  }
0xaa: {  	s7 =	sshll.u32 s28, $0x1;
	[dreg:$0x2] =	wrdreg s5  }
0xab: {  	[dreg:$0x3] =	wrdreg s7  }
0xac: {  	[dreg:$0x4] =	wrdreg $0xC0  }
0xad: {  	_ =	task [dreg:s9], $0x5FFFF  }
0xae: {  	[dreg:$0x1] =	wrdreg $0xFFFFFFFF  }
0xaf: {  	[dreg:$0x0] =	wrdreg $0x60  }
0xb0: {  	[dreg:$0x2] =	wrdreg s24  }
0xb1: {  	[dreg:$0x3] =	wrdreg s2  }
0xb2: {  	[dreg:$0x4] =	wrdreg s18  }
0xb3: {  	[dreg:$0x5] =	wrdreg s4  }
0xb4: {  	[dreg:$0x6] =	wrdreg $0x9  }
0xb5: {  	_ =	task.clear_ibuf [dreg:s9], $0x7FFFF;
	_ =	strace $0x90000046  }
0xb6: {  	s29 =	simm.s32 $0x9;
	_ =	strace $0x80000048  }
0xb7: {  	_ =	swait.ge [sflag:s29], $0x1  }
0xb8: {  	[sflag:s29] =	ssyncadd.s32 $0xFFFFFFFF  }
0xb9: {  	_ =	strace $0x90000048  }
0xba: {  	_ =	sfence  }
0xbb: {  	s30 =	sld [smem:$0x0];
	_ =	sdelay $0x2  }
0xbc: {  	s31 =	sshll.u32 s1, $0xD;
	s1 =	sshrl.u32 s1, $0x2  }
0xbd: {  	s3 =	sand.u32 $0x4000, s31;
	s1 =	sadd.s32 s1, s30  }
0xbe: {  	s0 =	sor.u32 s3, s0;
	s1 =	sshll.u32 s1, $0x11  }
0xbf: {  	s0 =	sor.u32 s1, s0  }
0xc0: {  	s0 =	sadd.s32 $0x8F2B, s0  }
0xc1: {  	[sflag:s0] =	ssyncadd.remote.s32 $0x1  }
0xc2: {  	_ =	sfence.sel $0xFFFF  }
0xc3: {  	[dreg:$0x0] =	wrdreg $0xFFFFFFFF;
	(pc) =	sbr.abs _section_cstart, $3  }
0xc4: {  	[dreg:$0x1] =	wrdreg $0xFFFFFFFF  }
0xc5: {  	_ =	task.clear_ibuf [dreg:s9], $0x2FFFF;
	_ =	strace $0x9FFFFFFF  }
0xc6: {  	(tm) =	ssettm $0x7FFFFFFF  }
0xc7: {  	_ =	shalt  }
tec
execute0_lowered:
.L_overlay_start_1:
0x0: {  	(tag) =	ssettag $0x1  }
0x1: {  	s0 =	rddreg [dreg:$0x0]  }
0x2: {  	s1 =	rddreg [dreg:$0x1]  }
0x3: {  	s3 =	rddreg [dreg:$0x2]  }
0x4: {  	s2 =	rddreg [dreg:$0x3];
	s5 =	srdreg.scid  }
0x5: {  	s6 =	stileid.u32;
	s4 =	simm.s32 $0x0;
	s16 =	simm.s32 $0x1  }
0x6: {  	s17 =	simm.s32 $0x3;
	s18 =	simm.s32 $0x4;
	s14 =	simm.s32 $0x2  }
0x7: {  	s19 =	simm.s32 $0x5;
	s15 =	simm.s32 $0x0;
	s5 =	sand.u32 $0x1, s5  }
0x8: {  	s6 =	sshll.u32 s6, $0x1;
	[smem:$0x7FF] =	sst s4;
	s10 =	sadd.s32 $0x100, s3  }
0x9: {  	s11 =	sadd.s32 $0x200, s3;
	s12 =	sadd.s32 $0x300, s3;
	s6 =	sor.u32 s5, s6  }
0xa: {  	_ =	strace $0x80000047;
	s5 =	ssub.s32 $0x2, s5;
	s7 =	sshll.u32 s6, $0x8  }
0xb: {  	s8 =	sshll.u32 s6, $0x9;
	s9 =	sshrl.u32 s5, $0x1;
	s6 =	sshll.u32 s6, $0x10  }
0xc: {  	s7 =	sadd.s32 s7, s0;
	s0 =	sadd.s32 s8, s0;
	s5 =	ssub.s32 s5, s9  }
0xd: {  	s8 =	sadd.s32 $0x200, s1;
	s9 =	sadd.s32 $0x300, s1;
	s7 =	sadd.s32 $0x400, s7  }
0xe: {  	v2 =	vlaneseq.u32;
	s13 =	sadd.s32 s2, s6;
	s0 =	sadd.s32 $0x2400, s0;
	[dreg:$0x5] =	wrdreg s7  }
0xf: {  	vm0 =	vmmov $0xffff;
	v1 =	vshrl.u32 v2, $0x3;
	s6 =	simm.s32 $0x9800;
	s31 =	smax.u32 s5, $0x1;
	[dreg:$0x6] =	wrdreg s0  }
0x10: {  	v0 =	vand.u32 $0x7, v2;
	v2 =	vor.u32 $0x8, v2;
	v1 =	vmul.u32 $0x8, v1;
	s5 =	simm.s32 $0x19000;
	s7 =	sadd.s32 $0x100, s1;
	[dreg:$0x7] =	wrdreg s31  }
.LBB2_1:
0x11: {  	[dreg:$0x8] =	wrdreg s15  }
0x12: {  	s0 =	rddreg [dreg:$0x5]  }
0x13: {  	[tilespmem:s4], [sflag:$0x1] =	stream.linear.gather [hbm4b:s0+s4], $0x800, $0x38;
	[tilespmem:$0x19800] =	vst v63  }
0x14: {  	s25 =	rddreg [dreg:$0x6];
	s2 =	simm.s32 $0x800  }
0x15: {  	[tilespmem:s2], [sflag:$0x3] =	stream.linear.gather [hbm4b:s25+s4], $0x1000, $0x38;
	[tilespmem:$0x19800] =	vst v63  }
0x16: {  	_ =	swait.ge [sflag:s16], $0x800  }
0x17: {  	[sflag:s16] =	ssyncset.done $0x0  }
0x18: {  	[sflag:s16] =	ssyncadd.s32 $0xFFFFF800  }
0x19: {  	_ =	swait.ge [sflag:s17], $0x1000  }
0x1a: {  	[sflag:s17] =	ssyncset.done $0x0  }
0x1b: {  	[sflag:s17] =	ssyncadd.s32 $0xFFFFF000  }
0x1c: {  	v3 =	vld [tilespmem:$0x0];
	_ =	sdelay $0x4  }
0x1d: {  	v4 =	vshll.u32 v3, $0x3  }
0x1e: {  	v3 =	vand.u32 $0x7, v3;
	v4 =	vand.u32 $0xFFFFFFC0, v4  }
0x1f: {  	v3 =	vor.u32 v3, v4  }
0x20: {  	v4 =	vperm.xlane v3, v0;
	_ =	sdelay $0x1  }
0x21: {  	v4 =	vadd.s32 v1, v4;
	_ =	sdelay $0x3  }
0x22: {  	s26 =	simm.s32 $0x1800  }
0x23: {  	[tilespmem:s26], [sflag:$0x1] =	stream.indirect_vreg.gather [hbm4b:s1+s4], $0x80, v4, vm0, $0xb8;
	[tilespmem:$0x19800] =	vst v63  }
0x24: {  	s28 =	simm.s32 $0x2000;
	v3 =	vperm.xlane v3, v2  }
0x25: {  	[tilespmem:s28], [sflag:$0x1] =	stream.indirect_vreg.gather [hbm4b:s7+s4], $0x80, v4, vm0, $0xb8;
	[tilespmem:$0x19800] =	vst v63  }
0x26: {  	s29 =	simm.s32 $0x2800;
	v3 =	vadd.s32 v1, v3  }
0x27: {  	[tilespmem:s29], [sflag:$0x1] =	stream.indirect_vreg.gather [hbm4b:s8+s4], $0x80, v4, vm0, $0xb8;
	[tilespmem:$0x19800] =	vst v63  }
0x28: {  	s30 =	simm.s32 $0x3000  }
0x29: {  	[tilespmem:s30], [sflag:$0x1] =	stream.indirect_vreg.gather [hbm4b:s9+s4], $0x80, v4, vm0, $0xb8;
	[tilespmem:$0x19800] =	vst v63  }
0x2a: {  	s31 =	simm.s32 $0x3800  }
0x2b: {  	[tilespmem:s31], [sflag:$0x1] =	stream.indirect_vreg.gather [hbm4b:s1+s4], $0x80, v3, vm0, $0xb8;
	[tilespmem:$0x19800] =	vst v63  }
0x2c: {  	s2 =	simm.s32 $0x4000  }
0x2d: {  	[tilespmem:s2], [sflag:$0x1] =	stream.indirect_vreg.gather [hbm4b:s7+s4], $0x80, v3, vm0, $0xb8;
	[tilespmem:$0x19800] =	vst v63  }
0x2e: {  	s15 =	simm.s32 $0x4800  }
0x2f: {  	[tilespmem:s15], [sflag:$0x1] =	stream.indirect_vreg.gather [hbm4b:s8+s4], $0x80, v3, vm0, $0xb8;
	[tilespmem:$0x19800] =	vst v63  }
0x30: {  	s20 =	simm.s32 $0x5000  }
0x31: {  	[tilespmem:s20], [sflag:$0x1] =	stream.indirect_vreg.gather [hbm4b:s9+s4], $0x80, v3, vm0, $0xb8;
	[tilespmem:$0x19800] =	vst v63  }
0x32: {  	v3 =	vld [tilespmem:$0x10];
	_ =	sdelay $0x4  }
0x33: {  	v61 =	vshll.u32 v3, $0x3  }
0x34: {  	v3 =	vand.u32 $0x7, v3;
	v4 =	vand.u32 $0xFFFFFFC0, v61  }
0x35: {  	v3 =	vor.u32 v3, v4  }
0x36: {  	v4 =	vperm.xlane v3, v0;
	_ =	sdelay $0x1  }
0x37: {  	v4 =	vadd.s32 v1, v4;
	_ =	sdelay $0x3  }
0x38: {  	s21 =	simm.s32 $0x5800  }
0x39: {  	[tilespmem:s21], [sflag:$0x1] =	stream.indirect_vreg.gather [hbm4b:s1+s4], $0x80, v4, vm0, $0xb8;
	[tilespmem:$0x19800] =	vst v63  }
0x3a: {  	s22 =	simm.s32 $0x6000;
	v3 =	vperm.xlane v3, v2  }
0x3b: {  	[tilespmem:s22], [sflag:$0x1] =	stream.indirect_vreg.gather [hbm4b:s7+s4], $0x80, v4, vm0, $0xb8;
	[tilespmem:$0x19800] =	vst v63  }
0x3c: {  	s23 =	simm.s32 $0x6800;
	v3 =	vadd.s32 v1, v3  }
0x3d: {  	[tilespmem:s23], [sflag:$0x1] =	stream.indirect_vreg.gather [hbm4b:s8+s4], $0x80, v4, vm0, $0xb8;
	[tilespmem:$0x19800] =	vst v63  }
0x3e: {  	s24 =	simm.s32 $0x7000  }
0x3f: {  	[tilespmem:s24], [sflag:$0x1] =	stream.indirect_vreg.gather [hbm4b:s9+s4], $0x80, v4, vm0, $0xb8;
	[tilespmem:$0x19800] =	vst v63  }
0x40: {  	s25 =	simm.s32 $0x7800  }
0x41: {  	[tilespmem:s25], [sflag:$0x1] =	stream.indirect_vreg.gather [hbm4b:s1+s4], $0x80, v3, vm0, $0xb8;
	[tilespmem:$0x19800] =	vst v63  }
0x42: {  	s26 =	simm.s32 $0x8000  }
0x43: {  	[tilespmem:s26], [sflag:$0x1] =	stream.indirect_vreg.gather [hbm4b:s7+s4], $0x80, v3, vm0, $0xb8;
	[tilespmem:$0x19800] =	vst v63  }
0x44: {  	s28 =	simm.s32 $0x8800  }
0x45: {  	[tilespmem:s28], [sflag:$0x1] =	stream.indirect_vreg.gather [hbm4b:s8+s4], $0x80, v3, vm0, $0xb8;
	[tilespmem:$0x19800] =	vst v63  }
0x46: {  	s29 =	simm.s32 $0x9000  }
0x47: {  	[tilespmem:s29], [sflag:$0x1] =	stream.indirect_vreg.gather [hbm4b:s9+s4], $0x80, v3, vm0, $0xb8;
	[tilespmem:$0x19800] =	vst v63  }
0x48: {  	v3 =	vld [tilespmem:$0x800];
	_ =	sdelay $0x4  }
0x49: {  	v62 =	vshll.u32 v3, $0x3  }
0x4a: {  	v3 =	vand.u32 $0x7, v3;
	v4 =	vand.u32 $0xFFFFFFC0, v62  }
0x4b: {  	v3 =	vor.u32 v3, v4  }
0x4c: {  	v4 =	vperm.xlane v3, v0;
	_ =	sdelay $0x1  }
0x4d: {  	v4 =	vadd.s32 v1, v4;
	_ =	sdelay $0x3  }
0x4e: {  	s30 =	simm.s32 $0x11800  }
0x4f: {  	[tilespmem:s30], [sflag:$0x3] =	stream.indirect_vreg.gather [hbm4b:s3+s4], $0x80, v4, vm0, $0xb8;
	[tilespmem:$0x19800] =	vst v63  }
0x50: {  	s31 =	simm.s32 $0x12000;
	v3 =	vperm.xlane v3, v2  }
0x51: {  	[tilespmem:s31], [sflag:$0x3] =	stream.indirect_vreg.gather [hbm4b:s10+s4], $0x80, v4, vm0, $0xb8;
	[tilespmem:$0x19800] =	vst v63  }
0x52: {  	s2 =	simm.s32 $0x12800;
	v3 =	vadd.s32 v1, v3  }
0x53: {  	[tilespmem:s2], [sflag:$0x3] =	stream.indirect_vreg.gather [hbm4b:s11+s4], $0x80, v4, vm0, $0xb8;
	[tilespmem:$0x19800] =	vst v63  }
0x54: {  	s15 =	simm.s32 $0x13000  }
0x55: {  	[tilespmem:s15], [sflag:$0x3] =	stream.indirect_vreg.gather [hbm4b:s12+s4], $0x80, v4, vm0, $0xb8;
	[tilespmem:$0x19800] =	vst v63  }
0x56: {  	s20 =	simm.s32 $0x13800  }
0x57: {  	[tilespmem:s20], [sflag:$0x3] =	stream.indirect_vreg.gather [hbm4b:s3+s4], $0x80, v3, vm0, $0xb8;
	[tilespmem:$0x19800] =	vst v63  }
0x58: {  	s21 =	simm.s32 $0x14000  }
0x59: {  	[tilespmem:s21], [sflag:$0x3] =	stream.indirect_vreg.gather [hbm4b:s10+s4], $0x80, v3, vm0, $0xb8;
	[tilespmem:$0x19800] =	vst v63  }
0x5a: {  	s22 =	simm.s32 $0x14800  }
0x5b: {  	[tilespmem:s22], [sflag:$0x3] =	stream.indirect_vreg.gather [hbm4b:s11+s4], $0x80, v3, vm0, $0xb8;
	[tilespmem:$0x19800] =	vst v63  }
0x5c: {  	s23 =	simm.s32 $0x15000  }
0x5d: {  	[tilespmem:s23], [sflag:$0x3] =	stream.indirect_vreg.gather [hbm4b:s12+s4], $0x80, v3, vm0, $0xb8;
	[tilespmem:$0x19800] =	vst v63  }
0x5e: {  	v3 =	vld [tilespmem:$0x880];
	_ =	sdelay $0x4  }
0x5f: {  	v63 =	vshll.u32 v3, $0x3  }
0x60: {  	v3 =	vand.u32 $0x7, v3;
	v4 =	vand.u32 $0xFFFFFFC0, v63  }
0x61: {  	v3 =	vor.u32 v3, v4  }
0x62: {  	v4 =	vperm.xlane v3, v0;
	_ =	sdelay $0x1  }
0x63: {  	v4 =	vadd.s32 v1, v4;
	_ =	sdelay $0x3  }
0x64: {  	s24 =	simm.s32 $0x15800  }
0x65: {  	[tilespmem:s24], [sflag:$0x4] =	stream.indirect_vreg.gather [hbm4b:s3+s4], $0x80, v4, vm0, $0xb8;
	[tilespmem:$0x19800] =	vst v63  }
0x66: {  	s25 =	simm.s32 $0x16000;
	v3 =	vperm.xlane v3, v2  }
0x67: {  	[tilespmem:s25], [sflag:$0x4] =	stream.indirect_vreg.gather [hbm4b:s10+s4], $0x80, v4, vm0, $0xb8;
	[tilespmem:$0x19800] =	vst v63  }
0x68: {  	s26 =	simm.s32 $0x16800;
	v3 =	vadd.s32 v1, v3  }
0x69: {  	[tilespmem:s26], [sflag:$0x4] =	stream.indirect_vreg.gather [hbm4b:s11+s4], $0x80, v4, vm0, $0xb8;
	[tilespmem:$0x19800] =	vst v63  }
0x6a: {  	s28 =	simm.s32 $0x17000  }
0x6b: {  	[tilespmem:s28], [sflag:$0x4] =	stream.indirect_vreg.gather [hbm4b:s12+s4], $0x80, v4, vm0, $0xb8;
	[tilespmem:$0x19800] =	vst v63  }
0x6c: {  	s29 =	simm.s32 $0x17800  }
0x6d: {  	[tilespmem:s29], [sflag:$0x4] =	stream.indirect_vreg.gather [hbm4b:s3+s4], $0x80, v3, vm0, $0xb8;
	[tilespmem:$0x19800] =	vst v63  }
0x6e: {  	s30 =	simm.s32 $0x18000  }
0x6f: {  	[tilespmem:s30], [sflag:$0x4] =	stream.indirect_vreg.gather [hbm4b:s10+s4], $0x80, v3, vm0, $0xb8;
	[tilespmem:$0x19800] =	vst v63  }
0x70: {  	s31 =	simm.s32 $0x18800  }
0x71: {  	[tilespmem:s31], [sflag:$0x4] =	stream.indirect_vreg.gather [hbm4b:s11+s4], $0x80, v3, vm0, $0xb8;
	[tilespmem:$0x19800] =	vst v63  }
0x72: {  	s20 =	simm.s32 $0x0  }
0x73: {  	[tilespmem:s5], [sflag:$0x4] =	stream.indirect_vreg.gather [hbm4b:s12+s4], $0x80, v3, vm0, $0xb8;
	[tilespmem:$0x19800] =	vst v63  }
.LBB2_2:
0x74: {  	_ =	swait.ge [sflag:s16], $0x8000  }
0x75: {  	p0 =	seq.s32 s20, $0x0;
	[sflag:s16] =	ssyncset.done $0x0  }
0x76: {  	s21 =	sshll.u32 s20, $0x1;
	s22 =	simm.s32 @!p0 $0x6;
	[sflag:s16] =	ssyncadd.s32 $0xFFFF8000  }
0x77: {  	s21 =	sor.u32 $0x1, s21;
	_ =	swait.ge @!p0 [sflag:s22], $0x8000  }
0x78: {  	s23 =	sshll.u32 s21, $0x7;
	[sflag:s22] =	ssyncset.done @!p0 $0x0  }
0x79: {  	s30 =	sand.u32 $0x3FFFFF80, s23;
	[sflag:s22] =	ssyncadd.s32 @!p0 $0xFFFF8000  }
0x7a: {  	v3 =	vld [tilespmem:s30+$0x0];
	_ =	sdelay $0x4  }
0x7b: {  	v4 =	vshll.u32 v3, $0x3  }
0x7c: {  	v3 =	vand.u32 $0x7, v3;
	v4 =	vand.u32 $0xFFFFFFC0, v4  }
0x7d: {  	v3 =	vor.u32 v3, v4  }
0x7e: {  	v4 =	vperm.xlane v3, v0;
	_ =	sdelay $0x1  }
0x7f: {  	v4 =	vadd.s32 v1, v4;
	_ =	sdelay $0x3  }
0x80: {  	s23 =	simm.s32 $0x0  }
0x81: {  	[tilespmem:s6], [sflag:$0x2] =	stream.indirect_vreg.gather [hbm4b:s1+s23], $0x80, v4, vm0, $0xb8;
	[tilespmem:$0x19800] =	vst v63  }
0x82: {  	s0 =	simm.s32 $0xA000;
	v3 =	vperm.xlane v3, v2  }
0x83: {  	[tilespmem:s0], [sflag:$0x2] =	stream.indirect_vreg.gather [hbm4b:s7+s23], $0x80, v4, vm0, $0xb8;
	[tilespmem:$0x19800] =	vst v63  }
0x84: {  	s31 =	simm.s32 $0xA800;
	v3 =	vadd.s32 v1, v3  }
0x85: {  	[tilespmem:s31], [sflag:$0x2] =	stream.indirect_vreg.gather [hbm4b:s8+s23], $0x80, v4, vm0, $0xb8;
	[tilespmem:$0x19800] =	vst v63  }
0x86: {  	s2 =	simm.s32 $0xB000  }
0x87: {  	[tilespmem:s2], [sflag:$0x2] =	stream.indirect_vreg.gather [hbm4b:s9+s23], $0x80, v4, vm0, $0xb8;
	[tilespmem:$0x19800] =	vst v63  }
0x88: {  	s15 =	simm.s32 $0xB800  }
0x89: {  	[tilespmem:s15], [sflag:$0x2] =	stream.indirect_vreg.gather [hbm4b:s1+s23], $0x80, v3, vm0, $0xb8;
	[tilespmem:$0x19800] =	vst v63  }
0x8a: {  	s24 =	simm.s32 $0xC000  }
0x8b: {  	[tilespmem:s24], [sflag:$0x2] =	stream.indirect_vreg.gather [hbm4b:s7+s23], $0x80, v3, vm0, $0xb8;
	[tilespmem:$0x19800] =	vst v63  }
0x8c: {  	s25 =	simm.s32 $0xC800  }
0x8d: {  	[tilespmem:s25], [sflag:$0x2] =	stream.indirect_vreg.gather [hbm4b:s8+s23], $0x80, v3, vm0, $0xb8;
	[tilespmem:$0x19800] =	vst v63  }
0x8e: {  	s26 =	simm.s32 $0xD000  }
0x8f: {  	[tilespmem:s26], [sflag:$0x2] =	stream.indirect_vreg.gather [hbm4b:s9+s23], $0x80, v3, vm0, $0xb8;
	[tilespmem:$0x19800] =	vst v63  }
0x90: {  	v3 =	vld [tilespmem:s30+$0x10];
	_ =	sdelay $0x4  }
0x91: {  	v4 =	vshll.u32 v3, $0x3  }
0x92: {  	v3 =	vand.u32 $0x7, v3;
	v4 =	vand.u32 $0xFFFFFFC0, v4  }
0x93: {  	v3 =	vor.u32 v3, v4  }
0x94: {  	v4 =	vperm.xlane v3, v0;
	_ =	sdelay $0x1  }
0x95: {  	v4 =	vadd.s32 v1, v4;
	_ =	sdelay $0x3  }
0x96: {  	s30 =	simm.s32 $0xD800  }
0x97: {  	[tilespmem:s30], [sflag:$0x2] =	stream.indirect_vreg.gather [hbm4b:s1+s23], $0x80, v4, vm0, $0xb8;
	[tilespmem:$0x19800] =	vst v63  }
0x98: {  	s31 =	simm.s32 $0xE000;
	v3 =	vperm.xlane v3, v2  }
0x99: {  	[tilespmem:s31], [sflag:$0x2] =	stream.indirect_vreg.gather [hbm4b:s7+s23], $0x80, v4, vm0, $0xb8;
	[tilespmem:$0x19800] =	vst v63  }
0x9a: {  	s2 =	simm.s32 $0xE800;
	v3 =	vadd.s32 v1, v3  }
0x9b: {  	[tilespmem:s2], [sflag:$0x2] =	stream.indirect_vreg.gather [hbm4b:s8+s23], $0x80, v4, vm0, $0xb8;
	[tilespmem:$0x19800] =	vst v63  }
0x9c: {  	s15 =	simm.s32 $0xF000  }
0x9d: {  	[tilespmem:s15], [sflag:$0x2] =	stream.indirect_vreg.gather [hbm4b:s9+s23], $0x80, v4, vm0, $0xb8;
	[tilespmem:$0x19800] =	vst v63  }
0x9e: {  	s22 =	simm.s32 $0xF800  }
0x9f: {  	[tilespmem:s22], [sflag:$0x2] =	stream.indirect_vreg.gather [hbm4b:s1+s23], $0x80, v3, vm0, $0xb8;
	[tilespmem:$0x19800] =	vst v63  }
0xa0: {  	s24 =	simm.s32 $0x10000  }
0xa1: {  	[tilespmem:s24], [sflag:$0x2] =	stream.indirect_vreg.gather [hbm4b:s7+s23], $0x80, v3, vm0, $0xb8;
	[tilespmem:$0x19800] =	vst v63  }
0xa2: {  	s25 =	simm.s32 $0x10800  }
0xa3: {  	[tilespmem:s25], [sflag:$0x2] =	stream.indirect_vreg.gather [hbm4b:s8+s23], $0x80, v3, vm0, $0xb8;
	[tilespmem:$0x19800] =	vst v63  }
0xa4: {  	s26 =	simm.s32 $0x11000  }
0xa5: {  	[tilespmem:s26], [sflag:$0x2] =	stream.indirect_vreg.gather [hbm4b:s9+s23], $0x80, v3, vm0, $0xb8;
	[tilespmem:$0x19800] =	vst v63  }
0xa6: {  	_ =	swait.ge [sflag:s17], $0x4000  }
0xa7: {  	s30 =	sand.u32 $0x70, s23;
	s24 =	sand.u32 $0x1C00, s23;
	[sflag:s17] =	ssyncset.done $0x0  }
0xa8: {  	s25 =	sor.u32 s30, s24;
	[sflag:s17] =	ssyncadd.s32 $0xFFFFC000  }
0xa9: {  	v3 =	vld [tilespmem:s25+$0x11A00]  }
0xaa: {  	v4 =	vld [tilespmem:s25+$0x11800]  }
0xab: {  	v5 =	vld [tilespmem:s25+$0x1800]  }
0xac: {  	v6 =	vld [tilespmem:s25+$0x1A80]  }
0xad: {  	v7 =	vld [tilespmem:s25+$0x1A00]  }
0xae: {  	v8 =	vld [tilespmem:s25+$0x11880]  }
0xaf: {  	v9 =	vld [tilespmem:s25+$0x11980]  }
0xb0: {  	v10 =	vld [tilespmem:s25+$0x11900]  }
0xb1: {  	v11 =	vld [tilespmem:s25+$0x11A80]  }
0xb2: {  	v12 =	vld [tilespmem:s25+$0x1900]  }
0xb3: {  	s0 =	simm.s32 $0x80;
	s31 =	simm.s32 $0x10;
	v13 =	vld [tilespmem:s25+$0x1980]  }
0xb4: {  	s29 =	sand.u32 $0x1C00, s0;
	s2 =	sand.u32 $0x70, s31;
	v14 =	vld [tilespmem:s25+$0x1880]  }
0xb5: {  	s22 =	sor.u32 s2, s29;
	s29 =	simm.s32 $0x20;
	v15 =	vld [tilespmem:s25+$0x11B00]  }
0xb6: {  	s15 =	sand.u32 $0x70, s29;
	s30 =	simm.s32 $0x100;
	v54 =	vld [tilespmem:s22+$0x11980]  }
0xb7: {  	s26 =	sor.u32 s23, s23;
	s23 =	sor.u32 s31, s0;
	s31 =	sand.u32 $0x1C00, s30;
	v55 =	vld [tilespmem:s22+$0x11900]  }
0xb8: {  	s24 =	sor.u32 s15, s31;
	v56 =	vld [tilespmem:s22+$0x11A80]  }
0xb9: {  	v18 =	vld [tilespmem:s24+$0x11A00]  }
0xba: {  	v19 =	vld [tilespmem:s24+$0x11800]  }
0xbb: {  	v20 =	vld [tilespmem:s24+$0x1800]  }
0xbc: {  	v21 =	vld [tilespmem:s24+$0x1A80]  }
0xbd: {  	v22 =	vld [tilespmem:s24+$0x1A00];
	v3 =	vadd.f32 v3, v7  }
0xbe: {  	v7 =	vld [tilespmem:s25+$0x1B00];
	v6 =	vadd.f32 v11, v6  }
0xbf: {  	v23 =	vld [tilespmem:s24+$0x11B00];
	v9 =	vadd.f32 v9, v13;
	[tilespmem:s25+$0x1A00] =	vst v3  }
0xc0: {  	v61 =	vld [tilespmem:s24+$0x11980];
	v3 =	vadd.f32 v10, v12;
	[tilespmem:s25+$0x1A80] =	vst v6  }
0xc1: {  	v62 =	vld [tilespmem:s24+$0x1B00];
	v6 =	vadd.f32 v8, v14;
	[tilespmem:s25+$0x1980] =	vst v9  }
0xc2: {  	v11 =	vld [tilespmem:s22+$0x11880];
	[tilespmem:s25+$0x1900] =	vst v3;
	v3 =	vadd.f32 v4, v5  }
0xc3: {  	v8 =	vld [tilespmem:s22+$0x1A80];
	[tilespmem:s25+$0x1880] =	vst v6;
	v4 =	vadd.f32 v15, v7  }
0xc4: {  	v9 =	vld [tilespmem:s22+$0x1A00];
	[tilespmem:s25+$0x1800] =	vst v3  }
0xc5: {  	s28 =	sor.u32 $0x380, s26;
	v5 =	vld [tilespmem:s22+$0x11A00];
	[tilespmem:s25+$0x1B00] =	vst v4  }
0xc6: {  	v3 =	vld [tilespmem:s28+$0x1800]  }
0xc7: {  	v4 =	vld [tilespmem:s28+$0x11800]  }
0xc8: {  	v10 =	vld [tilespmem:s22+$0x11B00]  }
0xc9: {  	v6 =	vld [tilespmem:s22+$0x11800]  }
0xca: {  	v7 =	vld [tilespmem:s22+$0x1800];
	v5 =	vadd.f32 v5, v9  }
0xcb: {  	v9 =	vld [tilespmem:s22+$0x1980]  }
0xcc: {  	[tilespmem:s22+$0x1A00] =	vst v5;
	v5 =	vld [tilespmem:s22+$0x1B00];
	v3 =	vadd.f32 v4, v3  }
0xcd: {  	v4 =	vld [tilespmem:s22+$0x1900]  }
0xce: {  	[tilespmem:s28+$0x1800] =	vst v3;
	v3 =	vld [tilespmem:s22+$0x1880]  }
0xcf: {  	v57 =	vld [tilespmem:s25+$0x3B00]  }
0xd0: {  	v16 =	vld [tilespmem:s25+$0x3800]  }
0xd1: {  	v8 =	vadd.f32 v56, v8;
	v58 =	vld [tilespmem:s25+$0x13800]  }
0xd2: {  	v59 =	vld [tilespmem:s25+$0x3900]  }
0xd3: {  	[tilespmem:s22+$0x1A80] =	vst v8;
	v6 =	vadd.f32 v6, v7;
	v8 =	vld [tilespmem:s25+$0x13900]  }
0xd4: {  	v7 =	vld [tilespmem:s25+$0x13980]  }
0xd5: {  	[tilespmem:s22+$0x1800] =	vst v6;
	v9 =	vadd.f32 v54, v9;
	v6 =	vld [tilespmem:s25+$0x13A00]  }
0xd6: {  	v5 =	vadd.f32 v10, v5;
	v10 =	vld [tilespmem:s25+$0x13A80]  }
0xd7: {  	[tilespmem:s22+$0x1980] =	vst v9;
	v60 =	vld [tilespmem:s25+$0x13B00];
	v4 =	vadd.f32 v55, v4  }
0xd8: {  	v17 =	vld [tilespmem:s25+$0x13880];
	[tilespmem:s22+$0x1B00] =	vst v5;
	v3 =	vadd.f32 v11, v3  }
0xd9: {  	[tilespmem:s22+$0x1900] =	vst v4;
	v4 =	vld [tilespmem:s25+$0x3980]  }
0xda: {  	s28 =	sor.u32 $0x380, s23;
	[tilespmem:s22+$0x1880] =	vst v3;
	v3 =	vld [tilespmem:s25+$0x3A00]  }
0xdb: {  	v9 =	vld [tilespmem:s28+$0x1800]  }
0xdc: {  	v11 =	vld [tilespmem:s28+$0x11800]  }
0xdd: {  	v24 =	vld [tilespmem:s25+$0x3880];
	v14 =	vadd.f32 v58, v16  }
0xde: {  	v5 =	vld [tilespmem:s25+$0x3A80];
	v4 =	vadd.f32 v7, v4  }
0xdf: {  	[tilespmem:s25+$0x3800] =	vst v14;
	v7 =	vld [tilespmem:s24+$0x11900];
	v3 =	vadd.f32 v6, v3  }
0xe0: {  	v6 =	vld [tilespmem:s24+$0x11A80];
	[tilespmem:s25+$0x3980] =	vst v4;
	v4 =	vadd.f32 v8, v59  }
0xe1: {  	v8 =	vld [tilespmem:s24+$0x1900];
	v9 =	vadd.f32 v11, v9;
	[tilespmem:s25+$0x3A00] =	vst v3  }
0xe2: {  	v11 =	vld [tilespmem:s24+$0x11880];
	v3 =	vadd.f32 v18, v22;
	[tilespmem:s25+$0x3900] =	vst v4  }
0xe3: {  	v4 =	vadd.f32 v10, v5;
	v5 =	vld [tilespmem:s24+$0x1880];
	[tilespmem:s28+$0x1800] =	vst v9  }
0xe4: {  	v10 =	vadd.f32 v60, v57;
	v9 =	vld [tilespmem:s24+$0x1980];
	[tilespmem:s24+$0x1A00] =	vst v3  }
0xe5: {  	v3 =	vld [tilespmem:s22+$0x3B00];
	[tilespmem:s25+$0x3A80] =	vst v4;
	v4 =	vadd.f32 v17, v24  }
0xe6: {  	[tilespmem:s25+$0x3B00] =	vst v10;
	v10 =	vld [tilespmem:s22+$0x3800]  }
0xe7: {  	s26 =	sor.u32 $0x2380, s26;
	v63 =	vld [tilespmem:s22+$0x13800];
	v7 =	vadd.f32 v7, v8;
	[tilespmem:s25+$0x3880] =	vst v4  }
0xe8: {  	v4 =	vadd.f32 v6, v21;
	v6 =	vld [tilespmem:s26+$0x1800]  }
0xe9: {  	v14 =	vld [tilespmem:s26+$0x11800];
	[tilespmem:s24+$0x1900] =	vst v7;
	v8 =	vadd.f32 v61, v9  }
0xea: {  	[tilespmem:s24+$0x1A80] =	vst v4;
	v4 =	vld [tilespmem:s22+$0x3900];
	v9 =	vadd.f32 v11, v5  }
0xeb: {  	v5 =	vld [tilespmem:s22+$0x13900];
	v11 =	vadd.f32 v23, v62;
	[tilespmem:s24+$0x1980] =	vst v8  }
0xec: {  	v7 =	vadd.f32 v63, v10;
	v8 =	vld [tilespmem:s22+$0x3980];
	[tilespmem:s24+$0x1880] =	vst v9  }
0xed: {  	v10 =	vadd.f32 v19, v20;
	v9 =	vld [tilespmem:s22+$0x13980];
	[tilespmem:s24+$0x1B00] =	vst v11  }
0xee: {  	[tilespmem:s22+$0x3800] =	vst v7;
	v7 =	vld [tilespmem:s22+$0x3A00]  }
0xef: {  	s28 =	simm.s32 $0x30;
	s25 =	sor.u32 s29, s30;
	s29 =	simm.s32 $0x180;
	[tilespmem:s24+$0x1800] =	vst v10;
	v10 =	vld [tilespmem:s22+$0x13A00];
	v6 =	vadd.f32 v14, v6  }
.LBB2_3:
0xf0: {  	s31 =	sand.u32 $0x70, s28  }
0xf1: {  	s0 =	sand.u32 $0x1C00, s29;
	s2 =	sor.u32 $0x380, s25;
	v11 =	vld [tilespmem:s22+$0x3A80];
	[tilespmem:s26+$0x1800] =	vst v6;
	s30 =	smov.u32 s28  }
0xf2: {  	p0 =	sne.s32 s28, $0x3F0;
	s28 =	sadd.s32 $0x10, s28;
	s0 =	sor.u32 s31, s0;
	v6 =	vld [tilespmem:s2+$0x1800]  }
0xf3: {  	v8 =	vadd.f32 v9, v8;
	v9 =	vld [tilespmem:s22+$0x13A80]  }
0xf4: {  	v12 =	vld [tilespmem:s2+$0x11800]  }
0xf5: {  	[tilespmem:s22+$0x3980] =	vst v8;
	v7 =	vadd.f32 v10, v7;
	v8 =	vld [tilespmem:s22+$0x13B00]  }
0xf6: {  	v4 =	vadd.f32 v5, v4;
	v10 =	vld [tilespmem:s22+$0x13880]  }
0xf7: {  	v5 =	vld [tilespmem:s0+$0x11A00];
	[tilespmem:s22+$0x3A00] =	vst v7  }
0xf8: {  	v7 =	vld [tilespmem:s0+$0x11800];
	[tilespmem:s22+$0x3900] =	vst v4;
	v4 =	vadd.f32 v9, v11  }
0xf9: {  	v9 =	vld [tilespmem:s0+$0x1800];
	v6 =	vadd.f32 v12, v6  }
0xfa: {  	v11 =	vld [tilespmem:s0+$0x1A80];
	[tilespmem:s22+$0x3A80] =	vst v4;
	v3 =	vadd.f32 v8, v3  }
0xfb: {  	v4 =	vld [tilespmem:s0+$0x1A00];
	[tilespmem:s2+$0x1800] =	vst v6  }
0xfc: {  	v6 =	vld [tilespmem:s0+$0x11B00];
	[tilespmem:s22+$0x3B00] =	vst v3  }
0xfd: {  	v8 =	vld [tilespmem:s22+$0x3880]  }
0xfe: {  	v12 =	vld [tilespmem:s0+$0x11880]  }
0xff: {  	v13 =	vld [tilespmem:s0+$0x11980]  }
0x100: {  	v14 =	vld [tilespmem:s0+$0x11900]  }
0x101: {  	v15 =	vld [tilespmem:s0+$0x11A80]  }
0x102: {  	v4 =	vadd.f32 v5, v4;
	v3 =	vld [tilespmem:s24+$0x3B00];
	v5 =	vadd.f32 v10, v8  }
0x103: {  	v8 =	vld [tilespmem:s0+$0x1900]  }
0x104: {  	v10 =	vld [tilespmem:s0+$0x1980];
	[tilespmem:s22+$0x3880] =	vst v5;
	s22 =	smov.u32 s24;
	s24 =	smov.u32 s0  }
0x105: {  	v5 =	vld [tilespmem:s24+$0x1880];
	[tilespmem:s24+$0x1A00] =	vst v4  }
0x106: {  	v4 =	vld [tilespmem:s24+$0x1B00]  }
0x107: {  	v7 =	vadd.f32 v7, v9;
	v9 =	vadd.f32 v15, v11;
	v11 =	vld [tilespmem:s22+$0x3800]  }
0x108: {  	s26 =	sor.u32 $0x2380, s23;
	s23 =	smov.u32 s25;
	v8 =	vadd.f32 v14, v8;
	v14 =	vld [tilespmem:s22+$0x13800]  }
0x109: {  	v10 =	vadd.f32 v13, v10;
	[tilespmem:s24+$0x1A80] =	vst v9;
	v13 =	vld [tilespmem:s26+$0x1800]  }
0x10a: {  	v5 =	vadd.f32 v12, v5;
	[tilespmem:s24+$0x1900] =	vst v8;
	v12 =	vld [tilespmem:s26+$0x11800]  }
0x10b: {  	[tilespmem:s24+$0x1980] =	vst v10;
	v6 =	vadd.f32 v6, v4;
	v4 =	vld [tilespmem:s22+$0x3900]  }
.Ltmp0:
0x10c: {  	[tilespmem:s24+$0x1880] =	vst v5;
	v5 =	vld [tilespmem:s22+$0x13900];
	(pc) =	sbr.rel @p0 .LBB2_3-.Ltmp0, $4  }
0x10d: {  	[tilespmem:s24+$0x1800] =	vst v7;
	v7 =	vadd.f32 v14, v11;
	v8 =	vld [tilespmem:s22+$0x3980]  }
0x10e: {  	[tilespmem:s24+$0x1B00] =	vst v6;
	v9 =	vld [tilespmem:s22+$0x13980]  }
0x10f: {  	[tilespmem:s22+$0x3800] =	vst v7;
	v7 =	vld [tilespmem:s22+$0x3A00];
	v6 =	vadd.f32 v12, v13  }
0x110: {  	s25 =	sor.u32 s30, s29;
	s29 =	sadd.s32 $0x80, s29;
	v10 =	vld [tilespmem:s22+$0x13A00]  }
0x111: {  	s0 =	sor.u32 $0x380, s25  }
0x112: {  	v11 =	vld [tilespmem:s0+$0x1800]  }
0x113: {  	v12 =	vld [tilespmem:s0+$0x11800];
	_ =	sdelay $0x4  }
0x114: {  	v11 =	vadd.f32 v12, v11  }
0x115: {  	v41 =	vld [tilespmem:s22+$0x3A80]  }
0x116: {  	v14 =	vld [tilespmem:s22+$0x13A80];
	[tilespmem:s0+$0x1800] =	vst v11  }
0x117: {  	v11 =	vld [tilespmem:s24+$0x3800]  }
0x118: {  	v13 =	vld [tilespmem:s24+$0x13800]  }
0x119: {  	v17 =	vld [tilespmem:s22+$0x13B00]  }
0x11a: {  	v8 =	vadd.f32 v9, v8;
	v15 =	vld [tilespmem:s24+$0x3B00]  }
0x11b: {  	v16 =	vld [tilespmem:s24+$0x3900]  }
0x11c: {  	[tilespmem:s22+$0x3980] =	vst v8;
	v8 =	vld [tilespmem:s24+$0x13900]  }
0x11d: {  	v18 =	vld [tilespmem:s24+$0x13A00];
	v11 =	vadd.f32 v13, v11  }
0x11e: {  	v19 =	vld [tilespmem:s24+$0x3A80]  }
0x11f: {  	v7 =	vadd.f32 v10, v7;
	[tilespmem:s24+$0x3800] =	vst v11;
	v11 =	vld [tilespmem:s24+$0x3A00]  }
0x120: {  	v10 =	vld [tilespmem:s24+$0x13A80]  }
0x121: {  	v4 =	vadd.f32 v5, v4;
	v5 =	vadd.f32 v14, v41;
	[tilespmem:s22+$0x3A00] =	vst v7;
	v7 =	vld [tilespmem:s24+$0x13B00];
	_ =	sdelay $0x1  }
0x122: {  	v43 =	vld [tilespmem:s22+$0x13880];
	[tilespmem:s22+$0x3A80] =	vst v5;
	v5 =	vadd.f32 v8, v16  }
0x123: {  	[tilespmem:s22+$0x3900] =	vst v4;
	v9 =	vld [tilespmem:s24+$0x3980];
	v4 =	vadd.f32 v18, v11  }
0x124: {  	v3 =	vadd.f32 v17, v3;
	v42 =	vld [tilespmem:s24+$0x13980];
	[tilespmem:s24+$0x3900] =	vst v5  }
0x125: {  	v5 =	vadd.f32 v7, v15;
	v7 =	vld [tilespmem:s22+$0x3880];
	[tilespmem:s24+$0x3A00] =	vst v4;
	v4 =	vadd.f32 v10, v19  }
0x126: {  	[tilespmem:s22+$0x3B00] =	vst v3;
	v3 =	vld [tilespmem:s24+$0x13880]  }
0x127: {  	[tilespmem:s24+$0x3A80] =	vst v4;
	v4 =	vld [tilespmem:s24+$0x3880];
	_ =	sdelay $0x2  }
0x128: {  	[tilespmem:s24+$0x3B00] =	vst v5;
	v5 =	vadd.f32 v43, v7  }
0x129: {  	v9 =	vadd.f32 v42, v9  }
0x12a: {  	s15 =	sor.u32 $0x2380, s23;
	[tilespmem:s22+$0x3880] =	vst v5;
	v3 =	vadd.f32 v3, v4  }
0x12b: {  	[tilespmem:s24+$0x3980] =	vst v9;
	v5 =	vld [tilespmem:s15+$0x11800]  }
0x12c: {  	s2 =	sor.u32 $0x2380, s25;
	v4 =	vld [tilespmem:s15+$0x1800];
	[tilespmem:s24+$0x3880] =	vst v3  }
0x12d: {  	v3 =	vld [tilespmem:s2+$0x1800]  }
0x12e: {  	v7 =	vld [tilespmem:s2+$0x11800];
	_ =	sdelay $0x3  }
0x12f: {  	v4 =	vadd.f32 v5, v4  }
0x130: {  	[tilespmem:s26+$0x1800] =	vst v6;
	v3 =	vadd.f32 v7, v3  }
0x131: {  	s22 =	sshll.u32 s20, $0x9;
	[tilespmem:s15+$0x1800] =	vst v4  }
0x132: {  	s22 =	sand.u32 $0x3FFFFE00, s22;
	[tilespmem:s2+$0x1800] =	vst v3  }
0x133: {  	v3 =	vld [tilespmem:s22+$0x900];
	_ =	sdelay $0x4  }
0x134: {  	v4 =	vshll.u32 v3, $0x3  }
0x135: {  	v3 =	vand.u32 $0x7, v3;
	v4 =	vand.u32 $0xFFFFFFC0, v4  }
0x136: {  	v3 =	vor.u32 v3, v4  }
0x137: {  	v4 =	vperm.xlane v3, v0;
	_ =	sdelay $0x1  }
0x138: {  	v4 =	vadd.s32 v1, v4;
	_ =	sdelay $0x3  }
0x139: {  	s23 =	simm.s32 $0x11800;
	s0 =	simm.s32 $0x0  }
0x13a: {  	[tilespmem:s23], [sflag:$0x3] =	stream.indirect_vreg.gather [hbm4b:s3+s0], $0x80, v4, vm0, $0xb8;
	[tilespmem:$0x19800] =	vst v63  }
0x13b: {  	s24 =	simm.s32 $0x12000;
	v3 =	vperm.xlane v3, v2  }
0x13c: {  	[tilespmem:s24], [sflag:$0x3] =	stream.indirect_vreg.gather [hbm4b:s10+s0], $0x80, v4, vm0, $0xb8;
	[tilespmem:$0x19800] =	vst v63  }
0x13d: {  	s25 =	simm.s32 $0x12800;
	v3 =	vadd.s32 v1, v3  }
0x13e: {  	[tilespmem:s25], [sflag:$0x3] =	stream.indirect_vreg.gather [hbm4b:s11+s0], $0x80, v4, vm0, $0xb8;
	[tilespmem:$0x19800] =	vst v63  }
0x13f: {  	s26 =	simm.s32 $0x13000  }
0x140: {  	[tilespmem:s26], [sflag:$0x3] =	stream.indirect_vreg.gather [hbm4b:s12+s0], $0x80, v4, vm0, $0xb8;
	[tilespmem:$0x19800] =	vst v63  }
0x141: {  	s31 =	simm.s32 $0x13800  }
0x142: {  	[tilespmem:s31], [sflag:$0x3] =	stream.indirect_vreg.gather [hbm4b:s3+s0], $0x80, v3, vm0, $0xb8;
	[tilespmem:$0x19800] =	vst v63  }
0x143: {  	s15 =	simm.s32 $0x14000  }
0x144: {  	[tilespmem:s15], [sflag:$0x3] =	stream.indirect_vreg.gather [hbm4b:s10+s0], $0x80, v3, vm0, $0xb8;
	[tilespmem:$0x19800] =	vst v63  }
0x145: {  	s23 =	simm.s32 $0x14800  }
0x146: {  	[tilespmem:s23], [sflag:$0x3] =	stream.indirect_vreg.gather [hbm4b:s11+s0], $0x80, v3, vm0, $0xb8;
	[tilespmem:$0x19800] =	vst v63  }
0x147: {  	s24 =	simm.s32 $0x15000  }
0x148: {  	[tilespmem:s24], [sflag:$0x3] =	stream.indirect_vreg.gather [hbm4b:s12+s0], $0x80, v3, vm0, $0xb8;
	[tilespmem:$0x19800] =	vst v63  }
0x149: {  	_ =	swait.ge [sflag:s18], $0x4000  }
0x14a: {  	s25 =	sand.u32 $0x70, s0;
	s26 =	sand.u32 $0x1C00, s0;
	[sflag:s18] =	ssyncset.done $0x0  }
0x14b: {  	s26 =	sor.u32 s25, s26;
	[sflag:s18] =	ssyncadd.s32 $0xFFFFC000  }
0x14c: {  	v3 =	vld [tilespmem:s26+$0x15A00]  }
0x14d: {  	v4 =	vld [tilespmem:s26+$0x15800]  }
0x14e: {  	v5 =	vld [tilespmem:s26+$0x5800]  }
0x14f: {  	v6 =	vld [tilespmem:s26+$0x5A80]  }
0x150: {  	v7 =	vld [tilespmem:s26+$0x5A00]  }
0x151: {  	v8 =	vld [tilespmem:s26+$0x15880]  }
0x152: {  	v9 =	vld [tilespmem:s26+$0x15980]  }
0x153: {  	v10 =	vld [tilespmem:s26+$0x15900]  }
0x154: {  	v11 =	vld [tilespmem:s26+$0x15A80]  }
0x155: {  	v44 =	vld [tilespmem:s26+$0x5900]  }
0x156: {  	s28 =	sor.u32 s0, s0;
	s2 =	simm.s32 $0x80;
	s0 =	simm.s32 $0x10;
	v45 =	vld [tilespmem:s26+$0x5980]  }
0x157: {  	s15 =	sand.u32 $0x1C00, s2;
	s31 =	sand.u32 $0x70, s0;
	v46 =	vld [tilespmem:s26+$0x5880]  }
0x158: {  	s23 =	sor.u32 s31, s15;
	v47 =	vld [tilespmem:s26+$0x15B00]  }
0x159: {  	s30 =	simm.s32 $0x20;
	s31 =	simm.s32 $0x100;
	v48 =	vld [tilespmem:s23+$0x15980]  }
0x15a: {  	s25 =	sand.u32 $0x70, s30;
	s15 =	sand.u32 $0x1C00, s31;
	v49 =	vld [tilespmem:s23+$0x15900]  }
0x15b: {  	v50 =	vld [tilespmem:s23+$0x15A80];
	s25 =	sor.u32 s25, s15  }
0x15c: {  	v57 =	vld [tilespmem:s25+$0x15A00]  }
0x15d: {  	v58 =	vld [tilespmem:s25+$0x15800]  }
0x15e: {  	v20 =	vld [tilespmem:s25+$0x5800]  }
0x15f: {  	v21 =	vld [tilespmem:s25+$0x5A80]  }
0x160: {  	v22 =	vld [tilespmem:s25+$0x5A00];
	v3 =	vadd.f32 v3, v7  }
0x161: {  	v7 =	vld [tilespmem:s26+$0x5B00];
	v6 =	vadd.f32 v11, v6  }
0x162: {  	v23 =	vld [tilespmem:s25+$0x15B00];
	v9 =	vadd.f32 v9, v45;
	[tilespmem:s26+$0x5A00] =	vst v3  }
0x163: {  	v59 =	vld [tilespmem:s25+$0x15880];
	v3 =	vadd.f32 v10, v44;
	[tilespmem:s26+$0x5A80] =	vst v6  }
0x164: {  	v60 =	vld [tilespmem:s25+$0x5B00];
	v6 =	vadd.f32 v8, v46;
	[tilespmem:s26+$0x5980] =	vst v9  }
0x165: {  	v11 =	vld [tilespmem:s23+$0x15880];
	[tilespmem:s26+$0x5900] =	vst v3;
	v3 =	vadd.f32 v4, v5  }
0x166: {  	v8 =	vld [tilespmem:s23+$0x5A80];
	[tilespmem:s26+$0x5880] =	vst v6;
	v4 =	vadd.f32 v47, v7  }
0x167: {  	v9 =	vld [tilespmem:s23+$0x5A00];
	[tilespmem:s26+$0x5800] =	vst v3  }
0x168: {  	s24 =	sor.u32 $0x4380, s28;
	v5 =	vld [tilespmem:s23+$0x15A00];
	[tilespmem:s26+$0x5B00] =	vst v4  }
0x169: {  	v3 =	vld [tilespmem:s24+$0x1800]  }
0x16a: {  	v4 =	vld [tilespmem:s24+$0x11800]  }
0x16b: {  	v10 =	vld [tilespmem:s23+$0x15B00]  }
0x16c: {  	v6 =	vld [tilespmem:s23+$0x15800]  }
0x16d: {  	v7 =	vld [tilespmem:s23+$0x5800];
	v5 =	vadd.f32 v5, v9  }
0x16e: {  	v9 =	vld [tilespmem:s23+$0x5980]  }
0x16f: {  	[tilespmem:s23+$0x5A00] =	vst v5;
	v5 =	vld [tilespmem:s23+$0x5B00];
	v3 =	vadd.f32 v4, v3  }
0x170: {  	v4 =	vld [tilespmem:s23+$0x5900]  }
0x171: {  	[tilespmem:s24+$0x1800] =	vst v3;
	v3 =	vld [tilespmem:s23+$0x5880]  }
0x172: {  	v51 =	vld [tilespmem:s26+$0x7B00]  }
0x173: {  	v52 =	vld [tilespmem:s26+$0x7800]  }
0x174: {  	v8 =	vadd.f32 v50, v8;
	v53 =	vld [tilespmem:s26+$0x17800]  }
0x175: {  	v54 =	vld [tilespmem:s26+$0x7900]  }
0x176: {  	[tilespmem:s23+$0x5A80] =	vst v8;
	v6 =	vadd.f32 v6, v7;
	v8 =	vld [tilespmem:s26+$0x17900]  }
0x177: {  	v7 =	vld [tilespmem:s26+$0x17980]  }
0x178: {  	[tilespmem:s23+$0x5800] =	vst v6;
	v6 =	vld [tilespmem:s26+$0x17A00]  }
0x179: {  	v9 =	vadd.f32 v48, v9;
	v5 =	vadd.f32 v10, v5;
	v10 =	vld [tilespmem:s26+$0x17A80]  }
0x17a: {  	v55 =	vld [tilespmem:s26+$0x17B00]  }
0x17b: {  	[tilespmem:s23+$0x5980] =	vst v9;
	v56 =	vld [tilespmem:s26+$0x17880];
	v4 =	vadd.f32 v49, v4  }
0x17c: {  	[tilespmem:s23+$0x5B00] =	vst v5;
	v5 =	vld [tilespmem:s26+$0x7A80];
	v3 =	vadd.f32 v11, v3  }
0x17d: {  	s24 =	sor.u32 s0, s2;
	[tilespmem:s23+$0x5900] =	vst v4;
	v4 =	vld [tilespmem:s26+$0x7980]  }
0x17e: {  	s0 =	sor.u32 $0x4380, s24;
	[tilespmem:s23+$0x5880] =	vst v3;
	v3 =	vld [tilespmem:s26+$0x7A00]  }
0x17f: {  	v9 =	vld [tilespmem:s0+$0x1800]  }
0x180: {  	v11 =	vld [tilespmem:s0+$0x11800]  }
0x181: {  	v24 =	vld [tilespmem:s26+$0x7880];
	v14 =	vadd.f32 v53, v52  }
0x182: {  	v5 =	vadd.f32 v10, v5;
	v10 =	vld [tilespmem:s25+$0x5880];
	v4 =	vadd.f32 v7, v4  }
0x183: {  	[tilespmem:s26+$0x7800] =	vst v14;
	v7 =	vld [tilespmem:s25+$0x15980];
	v3 =	vadd.f32 v6, v3  }
0x184: {  	v6 =	vld [tilespmem:s25+$0x15900];
	[tilespmem:s26+$0x7980] =	vst v4;
	v4 =	vadd.f32 v8, v54  }
0x185: {  	v8 =	vld [tilespmem:s25+$0x15A80];
	[tilespmem:s26+$0x7A00] =	vst v3;
	v3 =	vadd.f32 v11, v9  }
0x186: {  	v9 =	vld [tilespmem:s25+$0x5900];
	[tilespmem:s26+$0x7900] =	vst v4;
	v4 =	vadd.f32 v57, v22  }
0x187: {  	v12 =	vadd.f32 v55, v51;
	v11 =	vld [tilespmem:s25+$0x5980];
	[tilespmem:s0+$0x1800] =	vst v3  }
0x188: {  	[tilespmem:s25+$0x5A00] =	vst v4;
	v4 =	vadd.f32 v56, v24;
	v3 =	vld [tilespmem:s23+$0x7B00]  }
0x189: {  	[tilespmem:s26+$0x7B00] =	vst v12;
	v61 =	vld [tilespmem:s23+$0x7800]  }
0x18a: {  	v62 =	vld [tilespmem:s23+$0x17800];
	[tilespmem:s26+$0x7880] =	vst v4;
	v4 =	vadd.f32 v8, v21  }
0x18b: {  	s28 =	sor.u32 $0x6380, s28;
	[tilespmem:s26+$0x7A80] =	vst v5;
	v8 =	vld [tilespmem:s23+$0x7980];
	v5 =	vadd.f32 v6, v9  }
0x18c: {  	v63 =	vld [tilespmem:s28+$0x1800];
	v7 =	vadd.f32 v7, v11;
	[tilespmem:s25+$0x5A80] =	vst v4  }
0x18d: {  	v6 =	vld [tilespmem:s28+$0x11800];
	v9 =	vadd.f32 v59, v10;
	[tilespmem:s25+$0x5900] =	vst v5  }
0x18e: {  	v10 =	vadd.f32 v58, v20;
	v4 =	vld [tilespmem:s23+$0x7900];
	[tilespmem:s25+$0x5980] =	vst v7  }
0x18f: {  	v11 =	vadd.f32 v23, v60;
	v5 =	vld [tilespmem:s23+$0x17900];
	[tilespmem:s25+$0x5880] =	vst v9  }
0x190: {  	v9 =	vld [tilespmem:s23+$0x17980];
	[tilespmem:s25+$0x5800] =	vst v10;
	v7 =	vadd.f32 v62, v61  }
0x191: {  	[tilespmem:s25+$0x5B00] =	vst v11;
	v10 =	vld [tilespmem:s23+$0x17A00]  }
0x192: {  	s29 =	simm.s32 $0x30;
	s26 =	sor.u32 s30, s31;
	s30 =	simm.s32 $0x180;
	[tilespmem:s23+$0x7800] =	vst v7;
	v7 =	vld [tilespmem:s23+$0x7A00];
	v6 =	vadd.f32 v6, v63  }
.LBB2_5:
0x193: {  	s0 =	sand.u32 $0x70, s29  }
0x194: {  	s2 =	sand.u32 $0x1C00, s30;
	s15 =	sor.u32 $0x4380, s26;
	v11 =	vld [tilespmem:s23+$0x7A80];
	[tilespmem:s28+$0x1800] =	vst v6;
	s31 =	smov.u32 s29  }
0x195: {  	p0 =	sne.s32 s29, $0x3F0;
	s29 =	sadd.s32 $0x10, s29;
	s0 =	sor.u32 s0, s2;
	v6 =	vld [tilespmem:s15+$0x1800]  }
0x196: {  	v8 =	vadd.f32 v9, v8;
	v9 =	vld [tilespmem:s23+$0x17A80]  }
0x197: {  	v12 =	vld [tilespmem:s15+$0x11800]  }
0x198: {  	[tilespmem:s23+$0x7980] =	vst v8;
	v7 =	vadd.f32 v10, v7;
	v8 =	vld [tilespmem:s23+$0x17B00]  }
0x199: {  	v4 =	vadd.f32 v5, v4;
	v10 =	vld [tilespmem:s23+$0x17880]  }
0x19a: {  	v5 =	vld [tilespmem:s0+$0x15A00];
	[tilespmem:s23+$0x7A00] =	vst v7  }
0x19b: {  	v7 =	vld [tilespmem:s0+$0x15800];
	[tilespmem:s23+$0x7900] =	vst v4;
	v4 =	vadd.f32 v9, v11  }
0x19c: {  	v9 =	vld [tilespmem:s0+$0x5800];
	v6 =	vadd.f32 v12, v6  }
0x19d: {  	v11 =	vld [tilespmem:s0+$0x5A80];
	[tilespmem:s23+$0x7A80] =	vst v4;
	v3 =	vadd.f32 v8, v3  }
0x19e: {  	v4 =	vld [tilespmem:s0+$0x5A00];
	[tilespmem:s15+$0x1800] =	vst v6  }
0x19f: {  	v6 =	vld [tilespmem:s0+$0x15B00];
	[tilespmem:s23+$0x7B00] =	vst v3  }
0x1a0: {  	v8 =	vld [tilespmem:s23+$0x7880]  }
0x1a1: {  	v12 =	vld [tilespmem:s0+$0x15880]  }
0x1a2: {  	v13 =	vld [tilespmem:s0+$0x15980]  }
0x1a3: {  	v14 =	vld [tilespmem:s0+$0x15900]  }
0x1a4: {  	v15 =	vld [tilespmem:s0+$0x15A80]  }
0x1a5: {  	v4 =	vadd.f32 v5, v4;
	v3 =	vld [tilespmem:s25+$0x7B00];
	v5 =	vadd.f32 v10, v8  }
0x1a6: {  	v8 =	vld [tilespmem:s0+$0x5900]  }
0x1a7: {  	v10 =	vld [tilespmem:s0+$0x5980];
	[tilespmem:s23+$0x7880] =	vst v5;
	s23 =	smov.u32 s25;
	s25 =	smov.u32 s0  }
0x1a8: {  	v5 =	vld [tilespmem:s25+$0x5880];
	[tilespmem:s25+$0x5A00] =	vst v4  }
0x1a9: {  	v4 =	vld [tilespmem:s25+$0x5B00]  }
0x1aa: {  	v7 =	vadd.f32 v7, v9;
	v9 =	vadd.f32 v15, v11;
	v11 =	vld [tilespmem:s23+$0x7800]  }
0x1ab: {  	s28 =	sor.u32 $0x6380, s24;
	s24 =	smov.u32 s26;
	v8 =	vadd.f32 v14, v8;
	v14 =	vld [tilespmem:s23+$0x17800]  }
0x1ac: {  	v10 =	vadd.f32 v13, v10;
	[tilespmem:s25+$0x5A80] =	vst v9;
	v13 =	vld [tilespmem:s28+$0x1800]  }
0x1ad: {  	v5 =	vadd.f32 v12, v5;
	[tilespmem:s25+$0x5900] =	vst v8;
	v12 =	vld [tilespmem:s28+$0x11800]  }
0x1ae: {  	[tilespmem:s25+$0x5980] =	vst v10;
	v6 =	vadd.f32 v6, v4;
	v4 =	vld [tilespmem:s23+$0x7900]  }
.Ltmp1:
0x1af: {  	[tilespmem:s25+$0x5880] =	vst v5;
	v5 =	vld [tilespmem:s23+$0x17900];
	(pc) =	sbr.rel @p0 .LBB2_5-.Ltmp1, $4  }
0x1b0: {  	[tilespmem:s25+$0x5800] =	vst v7;
	v7 =	vadd.f32 v14, v11;
	v8 =	vld [tilespmem:s23+$0x7980]  }
0x1b1: {  	[tilespmem:s25+$0x5B00] =	vst v6;
	v9 =	vld [tilespmem:s23+$0x17980]  }
0x1b2: {  	[tilespmem:s23+$0x7800] =	vst v7;
	v7 =	vld [tilespmem:s23+$0x7A00];
	v6 =	vadd.f32 v12, v13  }
0x1b3: {  	s26 =	sor.u32 s31, s30;
	s30 =	sadd.s32 $0x80, s30;
	v10 =	vld [tilespmem:s23+$0x17A00]  }
0x1b4: {  	s0 =	sor.u32 $0x4380, s26  }
0x1b5: {  	v11 =	vld [tilespmem:s0+$0x1800]  }
0x1b6: {  	v12 =	vld [tilespmem:s0+$0x11800];
	_ =	sdelay $0x4  }
0x1b7: {  	v14 =	vld [tilespmem:s23+$0x17A80];
	v11 =	vadd.f32 v12, v11  }
0x1b8: {  	v17 =	vld [tilespmem:s23+$0x17B00]  }
0x1b9: {  	v12 =	vld [tilespmem:s23+$0x7A80];
	[tilespmem:s0+$0x1800] =	vst v11  }
0x1ba: {  	v11 =	vld [tilespmem:s25+$0x7800]  }
0x1bb: {  	v13 =	vld [tilespmem:s25+$0x17800]  }
0x1bc: {  	v15 =	vld [tilespmem:s25+$0x7B00]  }
0x1bd: {  	v8 =	vadd.f32 v9, v8;
	v16 =	vld [tilespmem:s25+$0x7900]  }
0x1be: {  	v9 =	vld [tilespmem:s25+$0x7980]  }
0x1bf: {  	[tilespmem:s23+$0x7980] =	vst v8;
	v8 =	vld [tilespmem:s25+$0x17900]  }
0x1c0: {  	v18 =	vld [tilespmem:s25+$0x17A00]  }
0x1c1: {  	v19 =	vld [tilespmem:s25+$0x7A80];
	v11 =	vadd.f32 v13, v11  }
0x1c2: {  	v7 =	vadd.f32 v10, v7;
	v10 =	vld [tilespmem:s25+$0x17A80]  }
0x1c3: {  	[tilespmem:s25+$0x7800] =	vst v11;
	v11 =	vld [tilespmem:s25+$0x7A00]  }
0x1c4: {  	[tilespmem:s23+$0x7A00] =	vst v7;
	v7 =	vld [tilespmem:s25+$0x17B00]  }
0x1c5: {  	v4 =	vadd.f32 v5, v4;
	v5 =	vadd.f32 v14, v12;
	v13 =	vld [tilespmem:s25+$0x17980];
	_ =	sdelay $0x1  }
0x1c6: {  	[tilespmem:s23+$0x7A80] =	vst v5;
	v5 =	vadd.f32 v8, v16  }
0x1c7: {  	[tilespmem:s23+$0x7900] =	vst v4;
	v4 =	vadd.f32 v18, v11  }
0x1c8: {  	v3 =	vadd.f32 v17, v3;
	[tilespmem:s25+$0x7900] =	vst v5;
	v5 =	vadd.f32 v7, v15;
	v7 =	vld [tilespmem:s23+$0x7880]  }
0x1c9: {  	v9 =	vadd.f32 v13, v9;
	v13 =	vld [tilespmem:s23+$0x17880];
	[tilespmem:s25+$0x7A00] =	vst v4;
	v4 =	vadd.f32 v10, v19  }
0x1ca: {  	[tilespmem:s23+$0x7B00] =	vst v3;
	v3 =	vld [tilespmem:s25+$0x17880]  }
0x1cb: {  	[tilespmem:s25+$0x7A80] =	vst v4;
	v4 =	vld [tilespmem:s25+$0x7880];
	_ =	sdelay $0x2  }
0x1cc: {  	[tilespmem:s25+$0x7B00] =	vst v5;
	v5 =	vadd.f32 v13, v7;
	_ =	sdelay $0x1  }
0x1cd: {  	s24 =	sor.u32 $0x6380, s24;
	[tilespmem:s23+$0x7880] =	vst v5;
	v3 =	vadd.f32 v3, v4  }
0x1ce: {  	[tilespmem:s25+$0x7980] =	vst v9;
	v5 =	vld [tilespmem:s24+$0x11800]  }
0x1cf: {  	s2 =	sor.u32 $0x6380, s26;
	v4 =	vld [tilespmem:s24+$0x1800];
	[tilespmem:s25+$0x7880] =	vst v3  }
0x1d0: {  	v3 =	vld [tilespmem:s2+$0x1800]  }
0x1d1: {  	v7 =	vld [tilespmem:s2+$0x11800];
	_ =	sdelay $0x3  }
0x1d2: {  	v4 =	vadd.f32 v5, v4  }
0x1d3: {  	[tilespmem:s28+$0x1800] =	vst v6;
	v3 =	vadd.f32 v7, v3  }
0x1d4: {  	[tilespmem:s24+$0x1800] =	vst v4  }
0x1d5: {  	[tilespmem:s2+$0x1800] =	vst v3  }
0x1d6: {  	v3 =	vld [tilespmem:s22+$0x980];
	_ =	sdelay $0x4  }
0x1d7: {  	v4 =	vshll.u32 v3, $0x3  }
0x1d8: {  	v3 =	vand.u32 $0x7, v3;
	v4 =	vand.u32 $0xFFFFFFC0, v4  }
0x1d9: {  	v3 =	vor.u32 v3, v4  }
0x1da: {  	v4 =	vperm.xlane v3, v0;
	_ =	sdelay $0x1  }
0x1db: {  	v4 =	vadd.s32 v1, v4;
	_ =	sdelay $0x3  }
0x1dc: {  	s25 =	simm.s32 $0x15800  }
0x1dd: {  	[tilespmem:s25], [sflag:$0x4] =	stream.indirect_vreg.gather [hbm4b:s3+s4], $0x80, v4, vm0, $0xb8;
	[tilespmem:$0x19800] =	vst v63  }
0x1de: {  	s26 =	simm.s32 $0x16000;
	v3 =	vperm.xlane v3, v2  }
0x1df: {  	[tilespmem:s26], [sflag:$0x4] =	stream.indirect_vreg.gather [hbm4b:s10+s4], $0x80, v4, vm0, $0xb8;
	[tilespmem:$0x19800] =	vst v63  }
0x1e0: {  	s2 =	simm.s32 $0x16800;
	v3 =	vadd.s32 v1, v3  }
0x1e1: {  	[tilespmem:s2], [sflag:$0x4] =	stream.indirect_vreg.gather [hbm4b:s11+s4], $0x80, v4, vm0, $0xb8;
	[tilespmem:$0x19800] =	vst v63  }
0x1e2: {  	s15 =	simm.s32 $0x17000  }
0x1e3: {  	[tilespmem:s15], [sflag:$0x4] =	stream.indirect_vreg.gather [hbm4b:s12+s4], $0x80, v4, vm0, $0xb8;
	[tilespmem:$0x19800] =	vst v63  }
0x1e4: {  	s22 =	simm.s32 $0x17800  }
0x1e5: {  	[tilespmem:s22], [sflag:$0x4] =	stream.indirect_vreg.gather [hbm4b:s3+s4], $0x80, v3, vm0, $0xb8;
	[tilespmem:$0x19800] =	vst v63  }
0x1e6: {  	s23 =	simm.s32 $0x18000  }
0x1e7: {  	[tilespmem:s23], [sflag:$0x4] =	stream.indirect_vreg.gather [hbm4b:s10+s4], $0x80, v3, vm0, $0xb8;
	[tilespmem:$0x19800] =	vst v63  }
0x1e8: {  	s24 =	simm.s32 $0x18800  }
0x1e9: {  	[tilespmem:s24], [sflag:$0x4] =	stream.indirect_vreg.gather [hbm4b:s11+s4], $0x80, v3, vm0, $0xb8;
	[tilespmem:$0x19800] =	vst v63  }
0x1ea: {  	s25 =	sshll.u32 s20, $0xD  }
0x1eb: {  	[tilespmem:s5], [sflag:$0x4] =	stream.indirect_vreg.gather [hbm4b:s12+s4], $0x80, v3, vm0, $0xb8;
	[tilespmem:$0x19800] =	vst v63  }
0x1ec: {  	s0 =	sadd.s32 s25, s13;
	s26 =	simm.s32 $0x1800  }
0x1ed: {  	[hbm4b:s0+s4] =	stream.linear.scatter [tilespmem:s26], [sflag:$0x5], $0x8000, $0x38;
	[tilespmem:$0x19800] =	vst v63  }
0x1ee: {  	_ =	swait.ge [sflag:s14], $0x8000  }
0x1ef: {  	[sflag:s14] =	ssyncset.done $0x0  }
0x1f0: {  	[sflag:s14] =	ssyncadd.s32 $0xFFFF8000  }
0x1f1: {  	p0 =	seq.s32 s20, $0x7;
	_ =	swait.ge [sflag:s19], $0x8000  }
0x1f2: {  	s0 =	sshll.u32 @!p0 s20, $0x8;
	[sflag:s19] =	ssyncset.done $0x0  }
0x1f3: {  	s0 =	sand.u32 @!p0 $0x3FFFFF00, s0;
	[sflag:s19] =	ssyncadd.s32 $0xFFFF8000  }
0x1f4: {  	v3 =	vld @!p0 [tilespmem:s0+$0x100];
	_ =	sdelay $0x4  }
0x1f5: {  	v4 =	vshll.u32 @!p0 v3, $0x3  }
0x1f6: {  	v5 =	vlaneseq.u32 @!p0;
	v3 =	vand.u32 @!p0 $0x7, v3;
	v4 =	vand.u32 @!p0 $0xFFFFFFC0, v4  }
0x1f7: {  	v6 =	vshrl.u32 @!p0 v5, $0x3;
	v3 =	vor.u32 @!p0 v3, v4;
	v4 =	vand.u32 @!p0 $0x7, v5  }
0x1f8: {  	v6 =	vmul.u32 @!p0 $0x8, v6;
	v7 =	vperm.xlane @!p0 v3, v4;
	_ =	sdelay $0x1  }
0x1f9: {  	v7 =	vadd.s32 @!p0 v6, v7;
	_ =	sdelay $0x3  }
0x1fa: {  	vm1 =	vmmov @!p0 $0xffff;
	s2 =	simm.s32 @!p0 $0x0;
	s15 =	simm.s32 @!p0 $0x1800  }
0x1fb: {  	v5 =	vor.u32 @!p0 $0x8, v5;
	[tilespmem:s15], [sflag:$0x1] =	stream.indirect_vreg.gather @!p0 [hbm4b:s1+s2], $0x80, v7, vm1, $0xb8;
	[tilespmem:$0x19800] =	vst v63  }
0x1fc: {  	v3 =	vperm.xlane @!p0 v3, v5;
	s15 =	simm.s32 @!p0 $0x2000  }
0x1fd: {  	[tilespmem:s15], [sflag:$0x1] =	stream.indirect_vreg.gather @!p0 [hbm4b:s7+s2], $0x80, v7, vm1, $0xb8;
	[tilespmem:$0x19800] =	vst v63  }
0x1fe: {  	v3 =	vadd.s32 @!p0 v6, v3;
	s15 =	simm.s32 @!p0 $0x2800  }
0x1ff: {  	[tilespmem:s15], [sflag:$0x1] =	stream.indirect_vreg.gather @!p0 [hbm4b:s8+s2], $0x80, v7, vm1, $0xb8;
	[tilespmem:$0x19800] =	vst v63  }
0x200: {  	s15 =	simm.s32 @!p0 $0x3000  }
0x201: {  	[tilespmem:s15], [sflag:$0x1] =	stream.indirect_vreg.gather @!p0 [hbm4b:s9+s2], $0x80, v7, vm1, $0xb8;
	[tilespmem:$0x19800] =	vst v63  }
0x202: {  	s15 =	simm.s32 @!p0 $0x3800  }
0x203: {  	[tilespmem:s15], [sflag:$0x1] =	stream.indirect_vreg.gather @!p0 [hbm4b:s1+s2], $0x80, v3, vm1, $0xb8;
	[tilespmem:$0x19800] =	vst v63  }
0x204: {  	s15 =	simm.s32 @!p0 $0x4000  }
0x205: {  	[tilespmem:s15], [sflag:$0x1] =	stream.indirect_vreg.gather @!p0 [hbm4b:s7+s2], $0x80, v3, vm1, $0xb8;
	[tilespmem:$0x19800] =	vst v63  }
0x206: {  	s15 =	simm.s32 @!p0 $0x4800  }
0x207: {  	[tilespmem:s15], [sflag:$0x1] =	stream.indirect_vreg.gather @!p0 [hbm4b:s8+s2], $0x80, v3, vm1, $0xb8;
	[tilespmem:$0x19800] =	vst v63  }
0x208: {  	s15 =	simm.s32 @!p0 $0x5000  }
0x209: {  	[tilespmem:s15], [sflag:$0x1] =	stream.indirect_vreg.gather @!p0 [hbm4b:s9+s2], $0x80, v3, vm1, $0xb8;
	[tilespmem:$0x19800] =	vst v63  }
0x20a: {  	v3 =	vld @!p0 [tilespmem:s0+$0x110];
	_ =	sdelay $0x4  }
0x20b: {  	v7 =	vshll.u32 @!p0 v3, $0x3  }
0x20c: {  	v3 =	vand.u32 @!p0 $0x7, v3;
	v7 =	vand.u32 @!p0 $0xFFFFFFC0, v7  }
0x20d: {  	v3 =	vor.u32 @!p0 v3, v7  }
0x20e: {  	v4 =	vperm.xlane @!p0 v3, v4;
	_ =	sdelay $0x1  }
0x20f: {  	v4 =	vadd.s32 @!p0 v6, v4;
	_ =	sdelay $0x3  }
0x210: {  	s0 =	simm.s32 @!p0 $0x5800  }
0x211: {  	[tilespmem:s0], [sflag:$0x1] =	stream.indirect_vreg.gather @!p0 [hbm4b:s1+s2], $0x80, v4, vm1, $0xb8;
	[tilespmem:$0x19800] =	vst v63  }
0x212: {  	v3 =	vperm.xlane @!p0 v3, v5;
	s0 =	simm.s32 @!p0 $0x6000  }
0x213: {  	[tilespmem:s0], [sflag:$0x1] =	stream.indirect_vreg.gather @!p0 [hbm4b:s7+s2], $0x80, v4, vm1, $0xb8;
	[tilespmem:$0x19800] =	vst v63  }
0x214: {  	v3 =	vadd.s32 @!p0 v6, v3;
	s0 =	simm.s32 @!p0 $0x6800  }
0x215: {  	[tilespmem:s0], [sflag:$0x1] =	stream.indirect_vreg.gather @!p0 [hbm4b:s8+s2], $0x80, v4, vm1, $0xb8;
	[tilespmem:$0x19800] =	vst v63  }
0x216: {  	s0 =	simm.s32 @!p0 $0x7000  }
0x217: {  	[tilespmem:s0], [sflag:$0x1] =	stream.indirect_vreg.gather @!p0 [hbm4b:s9+s2], $0x80, v4, vm1, $0xb8;
	[tilespmem:$0x19800] =	vst v63  }
0x218: {  	s0 =	simm.s32 @!p0 $0x7800  }
0x219: {  	[tilespmem:s0], [sflag:$0x1] =	stream.indirect_vreg.gather @!p0 [hbm4b:s1+s2], $0x80, v3, vm1, $0xb8;
	[tilespmem:$0x19800] =	vst v63  }
0x21a: {  	s0 =	simm.s32 @!p0 $0x8000  }
0x21b: {  	[tilespmem:s0], [sflag:$0x1] =	stream.indirect_vreg.gather @!p0 [hbm4b:s7+s2], $0x80, v3, vm1, $0xb8;
	[tilespmem:$0x19800] =	vst v63  }
0x21c: {  	s0 =	simm.s32 @!p0 $0x8800  }
0x21d: {  	[tilespmem:s0], [sflag:$0x1] =	stream.indirect_vreg.gather @!p0 [hbm4b:s8+s2], $0x80, v3, vm1, $0xb8;
	[tilespmem:$0x19800] =	vst v63  }
0x21e: {  	s0 =	simm.s32 @!p0 $0x9000  }
0x21f: {  	[tilespmem:s0], [sflag:$0x1] =	stream.indirect_vreg.gather @!p0 [hbm4b:s9+s2], $0x80, v3, vm1, $0xb8;
	[tilespmem:$0x19800] =	vst v63  }
0x220: {  	s28 =	simm.s32 $0x0;
	_ =	swait.ge [sflag:s17], $0x4000  }
0x221: {  	s22 =	sand.u32 $0x1C00, s28;
	s15 =	sand.u32 $0x70, s28;
	[sflag:s17] =	ssyncset.done $0x0  }
0x222: {  	s22 =	sor.u32 s15, s22;
	[sflag:s17] =	ssyncadd.s32 $0xFFFFC000  }
0x223: {  	v3 =	vld [tilespmem:s22+$0x9800]  }
0x224: {  	v4 =	vld [tilespmem:s22+$0x11800];
	_ =	sdelay $0x4  }
0x225: {  	v3 =	vadd.f32 v4, v3;
	_ =	sdelay $0x1  }
0x226: {  	s0 =	sadd.s32 $0x11800, s22;
	[tilespmem:s22+$0x9800] =	vst v3;
	v3 =	vld [tilespmem:s22+$0x9880]  }
0x227: {  	v8 =	vld [tilespmem:s0+$0x80]  }
0x228: {  	v5 =	vld [tilespmem:s22+$0xB800]  }
0x229: {  	v6 =	vld [tilespmem:s22+$0x13800]  }
0x22a: {  	v7 =	vld [tilespmem:s22+$0xB880]  }
0x22b: {  	v9 =	vld [tilespmem:s22+$0xB900]  }
0x22c: {  	v10 =	vld [tilespmem:s22+$0x13900];
	v3 =	vadd.f32 v8, v3  }
0x22d: {  	v11 =	vld [tilespmem:s22+$0xB980]  }
0x22e: {  	[tilespmem:s22+$0x9880] =	vst v3;
	v3 =	vld [tilespmem:s22+$0x9900]  }
0x22f: {  	v12 =	vld [tilespmem:s0+$0x100]  }
0x230: {  	v13 =	vld [tilespmem:s22+$0xBA00]  }
0x231: {  	v14 =	vld [tilespmem:s22+$0x13A00]  }
0x232: {  	v15 =	vld [tilespmem:s22+$0xBA80]  }
0x233: {  	v17 =	vld [tilespmem:s22+$0xBB00]  }
0x234: {  	v18 =	vld [tilespmem:s22+$0x13B00];
	v3 =	vadd.f32 v12, v3  }
0x235: {  	v19 =	vld [tilespmem:s22+$0xBB80]  }
0x236: {  	[tilespmem:s22+$0x9900] =	vst v3;
	v3 =	vld [tilespmem:s22+$0x9980]  }
0x237: {  	s25 =	simm.s32 $0x80;
	s24 =	simm.s32 $0x10;
	v16 =	vld [tilespmem:s0+$0x180]  }
0x238: {  	s23 =	sand.u32 $0x70, s24;
	s26 =	sand.u32 $0x1C00, s25;
	v20 =	vld [tilespmem:s22+$0x13B80]  }
0x239: {  	s23 =	sor.u32 s23, s26;
	v21 =	vld [tilespmem:s22+$0x9A00]  }
0x23a: {  	v22 =	vld [tilespmem:s23+$0x11800]  }
0x23b: {  	v23 =	vld [tilespmem:s23+$0xB800]  }
0x23c: {  	v24 =	vld [tilespmem:s23+$0x13800];
	v3 =	vadd.f32 v16, v3  }
0x23d: {  	v25 =	vld [tilespmem:s23+$0xB880]  }
0x23e: {  	v16 =	vld [tilespmem:s23+$0x9800];
	[tilespmem:s22+$0x9980] =	vst v3  }
0x23f: {  	v3 =	vld [tilespmem:s0+$0x200]  }
0x240: {  	v58 =	vld [tilespmem:s23+$0x13880]  }
0x241: {  	v26 =	vld [tilespmem:s22+$0x9A80]  }
0x242: {  	v27 =	vld [tilespmem:s23+$0xB900]  }
0x243: {  	v28 =	vld [tilespmem:s23+$0x13900];
	v16 =	vadd.f32 v22, v16  }
0x244: {  	v29 =	vld [tilespmem:s23+$0xB980];
	v3 =	vadd.f32 v3, v21  }
0x245: {  	s26 =	sadd.s32 $0x11800, s23;
	[tilespmem:s23+$0x9800] =	vst v16;
	v16 =	vld [tilespmem:s23+$0x9880]  }
0x246: {  	v59 =	vld [tilespmem:s26+$0x80];
	[tilespmem:s22+$0x9A00] =	vst v3  }
0x247: {  	v3 =	vld [tilespmem:s0+$0x280]  }
0x248: {  	v60 =	vld [tilespmem:s23+$0x13980]  }
0x249: {  	v30 =	vld [tilespmem:s22+$0x9B00]  }
0x24a: {  	v31 =	vld [tilespmem:s23+$0xBA00]  }
0x24b: {  	v32 =	vld [tilespmem:s23+$0x13A00];
	v16 =	vadd.f32 v59, v16  }
0x24c: {  	v33 =	vld [tilespmem:s23+$0xBA80];
	v3 =	vadd.f32 v3, v26  }
0x24d: {  	[tilespmem:s23+$0x9880] =	vst v16;
	v16 =	vld [tilespmem:s23+$0x9900]  }
0x24e: {  	v61 =	vld [tilespmem:s26+$0x100];
	[tilespmem:s22+$0x9A80] =	vst v3  }
0x24f: {  	v3 =	vld [tilespmem:s0+$0x300]  }
0x250: {  	v62 =	vld [tilespmem:s23+$0x13A80]  }
0x251: {  	v8 =	vld [tilespmem:s22+$0x13980]  }
0x252: {  	v4 =	vld [tilespmem:s22+$0x13880]  }
0x253: {  	v63 =	vld [tilespmem:s22+$0x9B80];
	v16 =	vadd.f32 v61, v16  }
0x254: {  	v12 =	vld [tilespmem:s22+$0x13A80];
	v3 =	vadd.f32 v3, v30  }
0x255: {  	s15 =	sor.u32 s28, s28;
	v5 =	vadd.f32 v6, v5;
	[tilespmem:s23+$0x9900] =	vst v16;
	v16 =	vld [tilespmem:s23+$0x9980]  }
0x256: {  	v6 =	vadd.f32 v8, v11;
	s0 =	sor.u32 $0x380, s15;
	v34 =	vld [tilespmem:s26+$0x180];
	[tilespmem:s22+$0x9B00] =	vst v3  }
0x257: {  	v8 =	vadd.f32 v32, v31;
	v3 =	vadd.f32 v4, v7;
	v35 =	vld [tilespmem:s0+$0x11800];
	[tilespmem:s22+$0xB800] =	vst v5  }
0x258: {  	v11 =	vld [tilespmem:s23+$0xBB00];
	v4 =	vadd.f32 v10, v9;
	v7 =	vadd.f32 v14, v13;
	[tilespmem:s22+$0xB980] =	vst v6  }
0x259: {  	s29 =	simm.s32 $0x20;
	s28 =	simm.s32 $0x100;
	v9 =	vadd.f32 v12, v15;
	v10 =	vadd.f32 v18, v17;
	v13 =	vld [tilespmem:s23+$0x13B00];
	[tilespmem:s22+$0xB880] =	vst v3  }
0x25a: {  	s2 =	sand.u32 $0x70, s29;
	s15 =	sand.u32 $0x1C00, s28;
	v12 =	vld [tilespmem:s23+$0xBB80];
	v5 =	vadd.f32 v20, v19;
	v6 =	vadd.f32 v28, v27;
	[tilespmem:s22+$0xB900] =	vst v4  }
0x25b: {  	s30 =	sor.u32 s2, s15;
	v14 =	vld [tilespmem:s23+$0x13B80];
	v4 =	vadd.f32 v24, v23;
	[tilespmem:s22+$0xBA00] =	vst v7;
	v18 =	vadd.f32 v34, v16  }
0x25c: {  	v17 =	vld [tilespmem:s30+$0x9800];
	v3 =	vadd.f32 v58, v25;
	[tilespmem:s22+$0xBA80] =	vst v9;
	v15 =	vadd.f32 v35, v63  }
0x25d: {  	s31 =	simm.s32 $0x30;
	v7 =	vadd.f32 v60, v29;
	v9 =	vadd.f32 v62, v33;
	v16 =	vld [tilespmem:s23+$0x9A00];
	[tilespmem:s23+$0x9980] =	vst v18  }
.LBB2_7:
0x25e: {  	p0 =	sne.s32 s31, $0x3F0;
	v18 =	vld [tilespmem:s30+$0x11800];
	v11 =	vadd.f32 v13, v11;
	[tilespmem:s22+$0x9B80] =	vst v15  }
0x25f: {  	v13 =	vld [tilespmem:s26+$0x200];
	[tilespmem:s22+$0xBB00] =	vst v10  }
0x260: {  	v15 =	vld [tilespmem:s30+$0xB800];
	[tilespmem:s22+$0xBB80] =	vst v5;
	v5 =	vadd.f32 v14, v12;
	v10 =	vmov v11;
	s22 =	smov.u32 s23;
	s23 =	smov.u32 s30  }
0x261: {  	v11 =	vld [tilespmem:s23+$0x13800]  }
0x262: {  	v12 =	vld [tilespmem:s23+$0xB880]  }
0x263: {  	v14 =	vadd.f32 v18, v17;
	v17 =	vld [tilespmem:s23+$0x13880]  }
0x264: {  	v13 =	vadd.f32 v13, v16;
	v16 =	vld [tilespmem:s22+$0x9A80]  }
0x265: {  	s0 =	sadd.s32 $0x11800, s23;
	[tilespmem:s23+$0x9800] =	vst v14;
	v14 =	vld [tilespmem:s23+$0x9880]  }
0x266: {  	v18 =	vld [tilespmem:s0+$0x80];
	v11 =	vadd.f32 v11, v15;
	[tilespmem:s22+$0x9A00] =	vst v13  }
0x267: {  	v13 =	vld [tilespmem:s26+$0x280]  }
0x268: {  	v12 =	vadd.f32 v17, v12;
	v15 =	vld [tilespmem:s23+$0xB900]  }
0x269: {  	v17 =	vld [tilespmem:s23+$0x13900]  }
0x26a: {  	v19 =	vld [tilespmem:s23+$0xB980]  }
0x26b: {  	v14 =	vadd.f32 v18, v14;
	v18 =	vld [tilespmem:s23+$0x13980]  }
0x26c: {  	v13 =	vadd.f32 v13, v16;
	v16 =	vld [tilespmem:s22+$0x9B00]  }
0x26d: {  	[tilespmem:s23+$0x9880] =	vst v14;
	v14 =	vld [tilespmem:s23+$0x9900]  }
0x26e: {  	v20 =	vld [tilespmem:s0+$0x100];
	v15 =	vadd.f32 v17, v15;
	[tilespmem:s22+$0x9A80] =	vst v13  }
0x26f: {  	v13 =	vld [tilespmem:s26+$0x300];
	s26 =	smov.u32 s0  }
0x270: {  	v17 =	vadd.f32 v18, v19;
	v18 =	vld [tilespmem:s23+$0xBA00]  }
0x271: {  	v19 =	vld [tilespmem:s23+$0x13A00]  }
0x272: {  	v21 =	vld [tilespmem:s23+$0xBA80]  }
0x273: {  	v14 =	vadd.f32 v20, v14;
	v20 =	vld [tilespmem:s23+$0x13A80]  }
0x274: {  	v13 =	vadd.f32 v13, v16;
	v22 =	vld [tilespmem:s22+$0x9B80]  }
0x275: {  	s0 =	sor.u32 s25, s24;
	s25 =	smov.u32 s28;
	s24 =	smov.u32 s29;
	[tilespmem:s23+$0x9900] =	vst v14;
	v14 =	vld [tilespmem:s23+$0x9980]  }
0x276: {  	s29 =	smov.u32 s31;
	s0 =	sor.u32 $0x380, s0;
	v16 =	vld [tilespmem:s26+$0x180];
	v18 =	vadd.f32 v19, v18;
	[tilespmem:s22+$0x9B00] =	vst v13  }
0x277: {  	v19 =	vld [tilespmem:s0+$0x11800];
	[tilespmem:s22+$0xB800] =	vst v4;
	v4 =	vmov v11  }
0x278: {  	v20 =	vadd.f32 v20, v21;
	v11 =	vld [tilespmem:s23+$0xBB00];
	[tilespmem:s22+$0xB880] =	vst v3;
	v3 =	vmov v12  }
.Ltmp2:
0x279: {  	v13 =	vld [tilespmem:s23+$0x13B00];
	[tilespmem:s22+$0xB900] =	vst v6;
	v6 =	vmov v15;
	(pc) =	sbr.rel @p0 .LBB2_7-.Ltmp2, $4  }
0x27a: {  	s28 =	sadd.s32 $0x80, s28;
	v12 =	vld [tilespmem:s23+$0xBB80];
	[tilespmem:s22+$0xB980] =	vst v7;
	v7 =	vmov v17  }
0x27b: {  	s2 =	sand.u32 $0x1C00, s28;
	s0 =	sand.u32 $0x70, s31;
	v21 =	vadd.f32 v16, v14;
	v14 =	vld [tilespmem:s23+$0x13B80];
	[tilespmem:s22+$0xBA00] =	vst v8;
	v8 =	vmov v18  }
0x27c: {  	s30 =	sor.u32 s0, s2;
	v16 =	vld [tilespmem:s23+$0x9A00];
	v15 =	vadd.f32 v19, v22;
	[tilespmem:s22+$0xBA80] =	vst v9;
	v9 =	vmov v20  }
0x27d: {  	s31 =	sadd.s32 $0x10, s31;
	v17 =	vld [tilespmem:s30+$0x9800];
	[tilespmem:s23+$0x9980] =	vst v21  }
0x27e: {  	v18 =	vld [tilespmem:s30+$0x11800];
	_ =	sdelay $0x4  }
0x27f: {  	v17 =	vadd.f32 v18, v17;
	_ =	sdelay $0x1  }
0x280: {  	s0 =	sadd.s32 $0x11800, s30;
	v53 =	vld [tilespmem:s30+$0x9880];
	[tilespmem:s30+$0x9800] =	vst v17  }
0x281: {  	v22 =	vld [tilespmem:s0+$0x80];
	_ =	sdelay $0x4  }
0x282: {  	v17 =	vadd.f32 v22, v53;
	_ =	sdelay $0x1  }
0x283: {  	v55 =	vld [tilespmem:s30+$0x9900];
	[tilespmem:s30+$0x9880] =	vst v17  }
0x284: {  	v26 =	vld [tilespmem:s0+$0x100];
	_ =	sdelay $0x4  }
0x285: {  	v17 =	vadd.f32 v26, v55  }
0x286: {  	v27 =	vld [tilespmem:s26+$0x200]  }
0x287: {  	v58 =	vld [tilespmem:s30+$0x9980];
	[tilespmem:s30+$0x9900] =	vst v17  }
0x288: {  	v59 =	vld [tilespmem:s0+$0x180];
	_ =	sdelay $0x2  }
0x289: {  	v16 =	vadd.f32 v27, v16;
	_ =	sdelay $0x1  }
0x28a: {  	v57 =	vld [tilespmem:s23+$0x9A80];
	[tilespmem:s23+$0x9A00] =	vst v16;
	v16 =	vadd.f32 v59, v58  }
0x28b: {  	v31 =	vld [tilespmem:s26+$0x280]  }
0x28c: {  	v35 =	vld [tilespmem:s30+$0x9A00];
	[tilespmem:s30+$0x9980] =	vst v16  }
0x28d: {  	v16 =	vld [tilespmem:s0+$0x200]  }
0x28e: {  	v19 =	vld [tilespmem:s30+$0xB800]  }
0x28f: {  	v20 =	vld [tilespmem:s30+$0x13800]  }
0x290: {  	v21 =	vld [tilespmem:s30+$0xB880];
	v27 =	vadd.f32 v31, v57  }
0x291: {  	v52 =	vld [tilespmem:s30+$0x13880]  }
0x292: {  	v61 =	vld [tilespmem:s23+$0x9B00];
	[tilespmem:s23+$0x9A80] =	vst v27;
	v16 =	vadd.f32 v16, v35  }
0x293: {  	v27 =	vld [tilespmem:s26+$0x300]  }
0x294: {  	v62 =	vld [tilespmem:s30+$0x9A80];
	[tilespmem:s30+$0x9A00] =	vst v16  }
0x295: {  	v16 =	vld [tilespmem:s0+$0x280]  }
0x296: {  	v23 =	vld [tilespmem:s30+$0xB900]  }
0x297: {  	v24 =	vld [tilespmem:s30+$0x13900];
	[tilespmem:s22+$0x9B80] =	vst v15  }
0x298: {  	v25 =	vld [tilespmem:s30+$0xB980];
	[tilespmem:s22+$0xBB00] =	vst v10;
	v63 =	vadd.f32 v27, v61  }
0x299: {  	v54 =	vld [tilespmem:s30+$0x13980];
	s2 =	sor.u32 s25, s24;
	[tilespmem:s22+$0xBB80] =	vst v5  }
0x29a: {  	v10 =	vld [tilespmem:s23+$0x9B80];
	s2 =	sor.u32 $0x380, s2;
	[tilespmem:s23+$0x9B00] =	vst v63;
	v5 =	vadd.f32 v16, v62  }
0x29b: {  	v15 =	vld [tilespmem:s2+$0x11800];
	[tilespmem:s23+$0xB800] =	vst v4  }
0x29c: {  	v4 =	vld [tilespmem:s30+$0x9B00];
	[tilespmem:s30+$0x9A80] =	vst v5  }
0x29d: {  	[tilespmem:s23+$0xB880] =	vst v3;
	v3 =	vld [tilespmem:s0+$0x300]  }
0x29e: {  	v28 =	vld [tilespmem:s30+$0xBA00];
	[tilespmem:s23+$0xB900] =	vst v6  }
0x29f: {  	v29 =	vld [tilespmem:s30+$0x13A00];
	[tilespmem:s23+$0xB980] =	vst v7  }
0x2a0: {  	v30 =	vld [tilespmem:s30+$0xBA80];
	[tilespmem:s23+$0xBA00] =	vst v8;
	v6 =	vadd.f32 v13, v11  }
0x2a1: {  	v56 =	vld [tilespmem:s30+$0x13A80];
	[tilespmem:s23+$0xBA80] =	vst v9;
	v5 =	vadd.f32 v15, v10  }
0x2a2: {  	v32 =	vld [tilespmem:s30+$0xBB00];
	[tilespmem:s23+$0xBB00] =	vst v6;
	v3 =	vadd.f32 v3, v4  }
0x2a3: {  	v33 =	vld [tilespmem:s30+$0x13B00];
	s26 =	sor.u32 s28, s29;
	[tilespmem:s23+$0x9B80] =	vst v5;
	v4 =	vadd.f32 v14, v12  }
0x2a4: {  	v6 =	vadd.f32 v20, v19;
	s0 =	sor.u32 $0x380, s26;
	v5 =	vld [tilespmem:s30+$0x9B80];
	[tilespmem:s30+$0x9B00] =	vst v3  }
0x2a5: {  	v7 =	vadd.f32 v24, v23;
	[tilespmem:s23+$0xBB80] =	vst v4;
	v4 =	vld [tilespmem:s0+$0x11800]  }
0x2a6: {  	v34 =	vld [tilespmem:s30+$0xBB80];
	v3 =	vadd.f32 v52, v21;
	[tilespmem:s30+$0xB800] =	vst v6  }
0x2a7: {  	v60 =	vld [tilespmem:s30+$0x13B80];
	v6 =	vadd.f32 v54, v25;
	[tilespmem:s30+$0xB900] =	vst v7  }
0x2a8: {  	[tilespmem:s30+$0xB880] =	vst v3;
	v3 =	vadd.f32 v29, v28  }
0x2a9: {  	v7 =	vadd.f32 v56, v30;
	[tilespmem:s30+$0xB980] =	vst v6  }
0x2aa: {  	[tilespmem:s30+$0xBA00] =	vst v3;
	v3 =	vadd.f32 v4, v5  }
0x2ab: {  	[tilespmem:s30+$0xBA80] =	vst v7;
	v4 =	vadd.f32 v33, v32  }
0x2ac: {  	v5 =	vadd.f32 v60, v34;
	[tilespmem:s30+$0x9B80] =	vst v3  }
0x2ad: {  	p0 =	sgt.u32 s21, $0xE;
	s0 =	sshll.u32 s21, $0xA;
	[tilespmem:s30+$0xBB00] =	vst v4  }
0x2ae: {  	s22 =	sshrl.u32 @!p0 s0, $0x2;
	[tilespmem:s30+$0xBB80] =	vst v5  }
0x2af: {  	v3 =	vld @!p0 [tilespmem:s22+$0x900];
	_ =	sdelay $0x4  }
0x2b0: {  	v4 =	vshll.u32 @!p0 v3, $0x3  }
0x2b1: {  	v5 =	vlaneseq.u32 @!p0;
	v3 =	vand.u32 @!p0 $0x7, v3;
	v4 =	vand.u32 @!p0 $0xFFFFFFC0, v4  }
0x2b2: {  	v6 =	vshrl.u32 @!p0 v5, $0x3;
	v3 =	vor.u32 @!p0 v3, v4;
	v4 =	vand.u32 @!p0 $0x7, v5  }
0x2b3: {  	v6 =	vmul.u32 @!p0 $0x8, v6;
	v4 =	vperm.xlane @!p0 v3, v4;
	_ =	sdelay $0x1  }
0x2b4: {  	v4 =	vadd.s32 @!p0 v6, v4;
	_ =	sdelay $0x3  }
0x2b5: {  	vm1 =	vmmov @!p0 $0xffff;
	s2 =	simm.s32 @!p0 $0x11800;
	s0 =	simm.s32 @!p0 $0x0  }
0x2b6: {  	v5 =	vor.u32 @!p0 $0x8, v5;
	[tilespmem:s2], [sflag:$0x3] =	stream.indirect_vreg.gather @!p0 [hbm4b:s3+s0], $0x80, v4, vm1, $0xb8;
	[tilespmem:$0x19800] =	vst v63  }
0x2b7: {  	v3 =	vperm.xlane @!p0 v3, v5;
	s2 =	simm.s32 @!p0 $0x12000  }
0x2b8: {  	[tilespmem:s2], [sflag:$0x3] =	stream.indirect_vreg.gather @!p0 [hbm4b:s10+s0], $0x80, v4, vm1, $0xb8;
	[tilespmem:$0x19800] =	vst v63  }
0x2b9: {  	v3 =	vadd.s32 @!p0 v6, v3;
	s2 =	simm.s32 @!p0 $0x12800  }
0x2ba: {  	[tilespmem:s2], [sflag:$0x3] =	stream.indirect_vreg.gather @!p0 [hbm4b:s11+s0], $0x80, v4, vm1, $0xb8;
	[tilespmem:$0x19800] =	vst v63  }
0x2bb: {  	s2 =	simm.s32 @!p0 $0x13000  }
0x2bc: {  	[tilespmem:s2], [sflag:$0x3] =	stream.indirect_vreg.gather @!p0 [hbm4b:s12+s0], $0x80, v4, vm1, $0xb8;
	[tilespmem:$0x19800] =	vst v63  }
0x2bd: {  	s2 =	simm.s32 @!p0 $0x13800  }
0x2be: {  	[tilespmem:s2], [sflag:$0x3] =	stream.indirect_vreg.gather @!p0 [hbm4b:s3+s0], $0x80, v3, vm1, $0xb8;
	[tilespmem:$0x19800] =	vst v63  }
0x2bf: {  	s2 =	simm.s32 @!p0 $0x14000  }
0x2c0: {  	[tilespmem:s2], [sflag:$0x3] =	stream.indirect_vreg.gather @!p0 [hbm4b:s10+s0], $0x80, v3, vm1, $0xb8;
	[tilespmem:$0x19800] =	vst v63  }
0x2c1: {  	s2 =	simm.s32 @!p0 $0x14800  }
0x2c2: {  	[tilespmem:s2], [sflag:$0x3] =	stream.indirect_vreg.gather @!p0 [hbm4b:s11+s0], $0x80, v3, vm1, $0xb8;
	[tilespmem:$0x19800] =	vst v63  }
0x2c3: {  	s2 =	simm.s32 @!p0 $0x15000  }
0x2c4: {  	[tilespmem:s2], [sflag:$0x3] =	stream.indirect_vreg.gather @!p0 [hbm4b:s12+s0], $0x80, v3, vm1, $0xb8;
	[tilespmem:$0x19800] =	vst v63  }
0x2c5: {  	s28 =	simm.s32 $0x0;
	_ =	swait.ge [sflag:s18], $0x4000  }
0x2c6: {  	s29 =	sand.u32 $0x70, s28;
	s0 =	sand.u32 $0x1C00, s28;
	[sflag:s18] =	ssyncset.done $0x0  }
0x2c7: {  	s23 =	sor.u32 s29, s0;
	[sflag:s18] =	ssyncadd.s32 $0xFFFFC000  }
0x2c8: {  	v3 =	vld [tilespmem:s23+$0xFB80]  }
0x2c9: {  	v4 =	vld [tilespmem:s23+$0x17B80]  }
0x2ca: {  	v5 =	vld [tilespmem:s23+$0xD800]  }
0x2cb: {  	v6 =	vld [tilespmem:s23+$0x15800]  }
0x2cc: {  	v7 =	vld [tilespmem:s23+$0xD880]  }
0x2cd: {  	v8 =	vld [tilespmem:s23+$0x15880]  }
0x2ce: {  	v9 =	vld [tilespmem:s23+$0xD900]  }
0x2cf: {  	v10 =	vld [tilespmem:s23+$0xD980];
	v3 =	vadd.f32 v4, v3  }
0x2d0: {  	v4 =	vld [tilespmem:s23+$0x15900]  }
0x2d1: {  	v5 =	vadd.f32 v6, v5;
	[tilespmem:s23+$0xFB80] =	vst v3;
	v3 =	vld [tilespmem:s23+$0x15980]  }
0x2d2: {  	v6 =	vld [tilespmem:s23+$0xDA00]  }
0x2d3: {  	[tilespmem:s23+$0xD800] =	vst v5;
	v5 =	vadd.f32 v8, v7;
	v7 =	vld [tilespmem:s23+$0x15A00]  }
0x2d4: {  	v8 =	vld [tilespmem:s23+$0x15A80]  }
0x2d5: {  	[tilespmem:s23+$0xD880] =	vst v5;
	v5 =	vld [tilespmem:s23+$0xDA80];
	v4 =	vadd.f32 v4, v9  }
0x2d6: {  	v9 =	vld [tilespmem:s23+$0x15B00];
	v3 =	vadd.f32 v3, v10  }
0x2d7: {  	[tilespmem:s23+$0xD900] =	vst v4;
	v4 =	vld [tilespmem:s23+$0xDB00]  }
0x2d8: {  	[tilespmem:s23+$0xD980] =	vst v3;
	v3 =	vadd.f32 v7, v6;
	v6 =	vld [tilespmem:s23+$0xDB80]  }
0x2d9: {  	v7 =	vld [tilespmem:s23+$0x15B80]  }
0x2da: {  	[tilespmem:s23+$0xDA00] =	vst v3;
	v3 =	vadd.f32 v8, v5;
	v5 =	vld [tilespmem:s23+$0xF800]  }
0x2db: {  	v8 =	vld [tilespmem:s23+$0x17800]  }
0x2dc: {  	[tilespmem:s23+$0xDA80] =	vst v3;
	v3 =	vadd.f32 v9, v4;
	v4 =	vld [tilespmem:s23+$0xF880]  }
0x2dd: {  	v9 =	vld [tilespmem:s23+$0x17880]  }
0x2de: {  	[tilespmem:s23+$0xDB00] =	vst v3;
	v3 =	vadd.f32 v7, v6;
	v6 =	vld [tilespmem:s23+$0xF900]  }
0x2df: {  	v7 =	vld [tilespmem:s23+$0x17900]  }
0x2e0: {  	v10 =	vld [tilespmem:s23+$0x17980]  }
0x2e1: {  	[tilespmem:s23+$0xDB80] =	vst v3;
	v3 =	vadd.f32 v8, v5;
	v8 =	vld [tilespmem:s23+$0xF980]  }
0x2e2: {  	v5 =	vld [tilespmem:s23+$0x17A00];
	v4 =	vadd.f32 v9, v4  }
0x2e3: {  	[tilespmem:s23+$0xF800] =	vst v3;
	v3 =	vld [tilespmem:s23+$0xFA00]  }
0x2e4: {  	[tilespmem:s23+$0xF880] =	vst v4;
	v7 =	vadd.f32 v7, v6;
	v4 =	vld [tilespmem:s23+$0xFA80]  }
0x2e5: {  	s24 =	simm.s32 $0x80;
	s30 =	simm.s32 $0x10;
	v6 =	vld [tilespmem:s23+$0x17A80]  }
0x2e6: {  	s31 =	sand.u32 $0x1C00, s24;
	s0 =	sand.u32 $0x70, s30;
	[tilespmem:s23+$0xF900] =	vst v7;
	v7 =	vld [tilespmem:s23+$0xFB00];
	v9 =	vadd.f32 v10, v8  }
0x2e7: {  	s25 =	simm.s32 $0x20;
	s26 =	sor.u32 s0, s31;
	v8 =	vld [tilespmem:s23+$0x17B00]  }
.LBB2_9:
0x2e8: {  	p1 =	sne.s32 s25, $0x3F0;
	v10 =	vld [tilespmem:s26+$0xFB80];
	[tilespmem:s23+$0xF980] =	vst v9;
	v3 =	vadd.f32 v5, v3  }
0x2e9: {  	v5 =	vld [tilespmem:s26+$0x17B80]  }
0x2ea: {  	v9 =	vld [tilespmem:s26+$0xD800];
	[tilespmem:s23+$0xFA00] =	vst v3;
	v3 =	vadd.f32 v6, v4  }
0x2eb: {  	v4 =	vld [tilespmem:s26+$0x15800]  }
0x2ec: {  	v6 =	vld [tilespmem:s26+$0xD880];
	[tilespmem:s23+$0xFA80] =	vst v3;
	v3 =	vadd.f32 v8, v7  }
0x2ed: {  	v7 =	vld [tilespmem:s26+$0x15880]  }
0x2ee: {  	v8 =	vld [tilespmem:s26+$0xD900];
	v5 =	vadd.f32 v5, v10;
	[tilespmem:s23+$0xFB00] =	vst v3;
	s23 =	smov.u32 s26  }
0x2ef: {  	v3 =	vld [tilespmem:s23+$0x15900]  }
0x2f0: {  	v4 =	vadd.f32 v4, v9;
	v9 =	vld [tilespmem:s23+$0xD980];
	[tilespmem:s23+$0xFB80] =	vst v5  }
0x2f1: {  	v5 =	vld [tilespmem:s23+$0x15980]  }
0x2f2: {  	[tilespmem:s23+$0xD800] =	vst v4;
	v4 =	vadd.f32 v7, v6;
	v6 =	vld [tilespmem:s23+$0xDA00]  }
0x2f3: {  	v7 =	vld [tilespmem:s23+$0x15A00]  }
0x2f4: {  	[tilespmem:s23+$0xD880] =	vst v4;
	v3 =	vadd.f32 v3, v8;
	v4 =	vld [tilespmem:s23+$0xDA80]  }
0x2f5: {  	v8 =	vld [tilespmem:s23+$0x15A80]  }
0x2f6: {  	[tilespmem:s23+$0xD900] =	vst v3;
	v3 =	vadd.f32 v5, v9;
	v5 =	vld [tilespmem:s23+$0xDB00]  }
0x2f7: {  	v9 =	vld [tilespmem:s23+$0x15B00]  }
0x2f8: {  	[tilespmem:s23+$0xD980] =	vst v3;
	v3 =	vadd.f32 v7, v6;
	v6 =	vld [tilespmem:s23+$0xDB80]  }
0x2f9: {  	v7 =	vld [tilespmem:s23+$0x15B80]  }
0x2fa: {  	[tilespmem:s23+$0xDA00] =	vst v3;
	v3 =	vadd.f32 v8, v4;
	v4 =	vld [tilespmem:s23+$0xF800]  }
0x2fb: {  	v8 =	vld [tilespmem:s23+$0x17800]  }
0x2fc: {  	[tilespmem:s23+$0xDA80] =	vst v3;
	v3 =	vadd.f32 v9, v5;
	v5 =	vld [tilespmem:s23+$0xF880]  }
0x2fd: {  	v9 =	vld [tilespmem:s23+$0x17880]  }
0x2fe: {  	[tilespmem:s23+$0xDB00] =	vst v3;
	v3 =	vadd.f32 v7, v6;
	v6 =	vld [tilespmem:s23+$0xF900]  }
0x2ff: {  	v7 =	vld [tilespmem:s23+$0x17900]  }
0x300: {  	[tilespmem:s23+$0xDB80] =	vst v3;
	v3 =	vadd.f32 v8, v4;
	v8 =	vld [tilespmem:s23+$0xF980]  }
0x301: {  	v10 =	vld [tilespmem:s23+$0x17980]  }
0x302: {  	[tilespmem:s23+$0xF800] =	vst v3;
	v4 =	vadd.f32 v9, v5;
	v3 =	vld [tilespmem:s23+$0xFA00]  }
.Ltmp3:
0x303: {  	v5 =	vld [tilespmem:s23+$0x17A00];
	(pc) =	sbr.rel @p1 .LBB2_9-.Ltmp3, $4  }
0x304: {  	[tilespmem:s23+$0xF880] =	vst v4;
	v7 =	vadd.f32 v7, v6;
	v4 =	vld [tilespmem:s23+$0xFA80]  }
0x305: {  	s24 =	sadd.s32 $0x80, s24;
	v6 =	vld [tilespmem:s23+$0x17A80]  }
0x306: {  	s0 =	sand.u32 $0x70, s25;
	s2 =	sand.u32 $0x1C00, s24;
	[tilespmem:s23+$0xF900] =	vst v7;
	v9 =	vadd.f32 v10, v8;
	v7 =	vld [tilespmem:s23+$0xFB00]  }
0x307: {  	s25 =	sadd.s32 $0x10, s25;
	s26 =	sor.u32 s0, s2;
	v8 =	vld [tilespmem:s23+$0x17B00]  }
0x308: {  	v10 =	vld [tilespmem:s26+$0xFB80]  }
0x309: {  	v11 =	vld [tilespmem:s26+$0x17B80]  }
0x30a: {  	v12 =	vld [tilespmem:s26+$0xD800]  }
0x30b: {  	v13 =	vld [tilespmem:s26+$0x15800]  }
0x30c: {  	v14 =	vld [tilespmem:s26+$0xD880]  }
0x30d: {  	v15 =	vld [tilespmem:s26+$0x15880]  }
0x30e: {  	v16 =	vld [tilespmem:s26+$0xD900]  }
0x30f: {  	v30 =	vld [tilespmem:s26+$0x15900]  }
0x310: {  	v17 =	vld [tilespmem:s26+$0xD980]  }
0x311: {  	v31 =	vld [tilespmem:s26+$0x15980]  }
0x312: {  	v33 =	vld [tilespmem:s26+$0xDA00]  }
0x313: {  	v34 =	vld [tilespmem:s26+$0x15A00]  }
0x314: {  	v35 =	vld [tilespmem:s26+$0xDA80]  }
0x315: {  	v36 =	vld [tilespmem:s26+$0x15A80]  }
0x316: {  	v37 =	vld [tilespmem:s26+$0xDB00]  }
0x317: {  	v38 =	vld [tilespmem:s26+$0x15B00]  }
0x318: {  	v40 =	vld [tilespmem:s26+$0xDB80]  }
0x319: {  	v41 =	vld [tilespmem:s26+$0x15B80]  }
0x31a: {  	v43 =	vld [tilespmem:s26+$0xF800];
	v3 =	vadd.f32 v5, v3  }
0x31b: {  	v44 =	vld [tilespmem:s26+$0x17800];
	[tilespmem:s23+$0xF980] =	vst v9;
	v4 =	vadd.f32 v6, v4  }
0x31c: {  	v46 =	vld [tilespmem:s26+$0xF880];
	[tilespmem:s23+$0xFA00] =	vst v3;
	v3 =	vadd.f32 v8, v7  }
0x31d: {  	v47 =	vld [tilespmem:s26+$0x17880];
	[tilespmem:s23+$0xFA80] =	vst v4;
	v10 =	vadd.f32 v11, v10  }
0x31e: {  	v49 =	vld [tilespmem:s26+$0xF900];
	v12 =	vadd.f32 v13, v12;
	[tilespmem:s23+$0xFB00] =	vst v3  }
0x31f: {  	v50 =	vld [tilespmem:s26+$0x17900];
	v32 =	vadd.f32 v15, v14;
	[tilespmem:s26+$0xFB80] =	vst v10  }
0x320: {  	v52 =	vld [tilespmem:s26+$0xF980];
	v11 =	vadd.f32 v30, v16;
	[tilespmem:s26+$0xD800] =	vst v12  }
0x321: {  	v53 =	vld [tilespmem:s26+$0x17980];
	v39 =	vadd.f32 v34, v33;
	[tilespmem:s26+$0xD880] =	vst v32  }
0x322: {  	v55 =	vld [tilespmem:s26+$0xFA00];
	v42 =	vadd.f32 v36, v35;
	[tilespmem:s26+$0xD900] =	vst v11  }
0x323: {  	v58 =	vld [tilespmem:s26+$0xFA80];
	v45 =	vadd.f32 v38, v37;
	[tilespmem:s26+$0xDA00] =	vst v39  }
0x324: {  	v59 =	vld [tilespmem:s26+$0x17A80];
	v48 =	vadd.f32 v41, v40;
	[tilespmem:s26+$0xDA80] =	vst v42  }
0x325: {  	v56 =	vld [tilespmem:s26+$0x17A00];
	v51 =	vadd.f32 v44, v43;
	[tilespmem:s26+$0xDB00] =	vst v45  }
0x326: {  	v60 =	vld [tilespmem:s26+$0xFB00];
	v54 =	vadd.f32 v47, v46;
	[tilespmem:s26+$0xDB80] =	vst v48  }
0x327: {  	v61 =	vld [tilespmem:s26+$0x17B00];
	v57 =	vadd.f32 v50, v49;
	[tilespmem:s26+$0xF800] =	vst v51  }
0x328: {  	v62 =	vadd.f32 v53, v52;
	[tilespmem:s26+$0xF880] =	vst v54  }
0x329: {  	v63 =	vadd.f32 v59, v58;
	[tilespmem:s26+$0xF900] =	vst v57  }
0x32a: {  	v3 =	vadd.f32 v56, v55;
	[tilespmem:s26+$0xF980] =	vst v62  }
0x32b: {  	v10 =	vadd.f32 v31, v17;
	[tilespmem:s26+$0xFA80] =	vst v63  }
0x32c: {  	[tilespmem:s26+$0xFA00] =	vst v3;
	v3 =	vadd.f32 v61, v60  }
0x32d: {  	[tilespmem:s26+$0xD980] =	vst v10  }
0x32e: {  	[tilespmem:s26+$0xFB00] =	vst v3  }
0x32f: {  	v3 =	vld @!p0 [tilespmem:s22+$0x980];
	_ =	sdelay $0x4  }
0x330: {  	v4 =	vshll.u32 @!p0 v3, $0x3  }
0x331: {  	v5 =	vlaneseq.u32 @!p0;
	v3 =	vand.u32 @!p0 $0x7, v3;
	v4 =	vand.u32 @!p0 $0xFFFFFFC0, v4  }
0x332: {  	v6 =	vshrl.u32 @!p0 v5, $0x3;
	v3 =	vor.u32 @!p0 v3, v4;
	v4 =	vand.u32 @!p0 $0x7, v5  }
0x333: {  	v6 =	vmul.u32 @!p0 $0x8, v6;
	v4 =	vperm.xlane @!p0 v3, v4;
	_ =	sdelay $0x1  }
0x334: {  	v4 =	vadd.s32 @!p0 v6, v4;
	_ =	sdelay $0x3  }
0x335: {  	s0 =	simm.s32 @!p0 $0x0;
	s2 =	simm.s32 @!p0 $0x15800  }
0x336: {  	v5 =	vor.u32 @!p0 $0x8, v5;
	[tilespmem:s2], [sflag:$0x4] =	stream.indirect_vreg.gather @!p0 [hbm4b:s3+s0], $0x80, v4, vm1, $0xb8;
	[tilespmem:$0x19800] =	vst v63  }
0x337: {  	v3 =	vperm.xlane @!p0 v3, v5;
	s2 =	simm.s32 @!p0 $0x16000  }
0x338: {  	[tilespmem:s2], [sflag:$0x4] =	stream.indirect_vreg.gather @!p0 [hbm4b:s10+s0], $0x80, v4, vm1, $0xb8;
	[tilespmem:$0x19800] =	vst v63  }
0x339: {  	v3 =	vadd.s32 @!p0 v6, v3;
	s2 =	simm.s32 @!p0 $0x16800  }
0x33a: {  	[tilespmem:s2], [sflag:$0x4] =	stream.indirect_vreg.gather @!p0 [hbm4b:s11+s0], $0x80, v4, vm1, $0xb8;
	[tilespmem:$0x19800] =	vst v63  }
0x33b: {  	s2 =	simm.s32 @!p0 $0x17000  }
0x33c: {  	[tilespmem:s2], [sflag:$0x4] =	stream.indirect_vreg.gather @!p0 [hbm4b:s12+s0], $0x80, v4, vm1, $0xb8;
	[tilespmem:$0x19800] =	vst v63  }
0x33d: {  	s2 =	simm.s32 @!p0 $0x17800  }
0x33e: {  	[tilespmem:s2], [sflag:$0x4] =	stream.indirect_vreg.gather @!p0 [hbm4b:s3+s0], $0x80, v3, vm1, $0xb8;
	[tilespmem:$0x19800] =	vst v63  }
0x33f: {  	s2 =	simm.s32 @!p0 $0x18000  }
0x340: {  	[tilespmem:s2], [sflag:$0x4] =	stream.indirect_vreg.gather @!p0 [hbm4b:s10+s0], $0x80, v3, vm1, $0xb8;
	[tilespmem:$0x19800] =	vst v63  }
0x341: {  	s2 =	simm.s32 @!p0 $0x18800  }
0x342: {  	[tilespmem:s2], [sflag:$0x4] =	stream.indirect_vreg.gather @!p0 [hbm4b:s11+s0], $0x80, v3, vm1, $0xb8;
	[tilespmem:$0x19800] =	vst v63  }
0x343: {  	s20 =	sadd.s32 $0x1, s20;
	s2 =	simm.s32 @!p0 $0x19000  }
0x344: {  	[tilespmem:s2], [sflag:$0x4] =	stream.indirect_vreg.gather @!p0 [hbm4b:s12+s0], $0x80, v3, vm1, $0xb8;
	[tilespmem:$0x19800] =	vst v63  }
0x345: {  	p0 =	sne.s32 s20, $0x8  }
.Ltmp4:
0x346: {  	_ = 	snop;
	(pc) =	sbr.rel @p0 .LBB2_2-.Ltmp4, $4  }
0x347: {  	_ = 	snop  }
0x348: {  	s31 =	sshll.u32 s21, $0xC  }
0x349: {  	s0 =	sadd.s32 s31, s13  }
0x34a: {  	[hbm4b:s0+s4] =	stream.linear.scatter [tilespmem:s6], [sflag:$0x6], $0x8000, $0x38;
	[tilespmem:$0x19800] =	vst v63  }
0x34b: {  	s2 =	simm.s32 $0x6  }
0x34c: {  	_ =	swait.ge [sflag:s2], $0x8000  }
0x34d: {  	s15 =	rddreg [dreg:$0x8]  }
0x34e: {  	s0 =	rddreg [dreg:$0x7];
	s15 =	sadd.s32 $0x1, s15  }
0x34f: {  	p0 =	sne.s32 s15, s0  }
.Ltmp5:
0x350: {  	_ = 	snop;
	(pc) =	sbr.rel @p0 .LBB2_1-.Ltmp5, $3  }
0x351: {  	_ =	sdelay $0x1  }
0x352: {  	[sflag:s2] =	ssyncset.done $0x0  }
0x353: {  	[sflag:s2] =	ssyncadd.s32 $0xFFFF8000  }
0x354: {  	_ =	sfence.sel $0x180000  }
0x355: {  	[bflag:$0x0] =	sbarrier.arrive $0xFFFF  }
0x356: {  	_ =	strace $0x90000047  }
0x357: {  	s0 =	stileid.u32;
	[bflag:$0x2] =	sbarrier.arrive $0xFFFF  }
0x358: {  	p0 =	sne.s32 s0, $0x0;
	s0 =	rddreg [dreg:$0x4]  }
0x359: {  	s0 =	sadd.s32 @!p0 $0x100000, s0  }
0x35a: {  	[sflag:s0] =	ssyncadd.tile.s32 @!p0 $0x1;
	_ =	shalt  }
.Lfunc_end2:
_tile_overlayer_lowered:
.L_overlay_start_2:
0x35b: {  	(tag) =	ssettag $0x2  }
0x35c: {  	s0 =	rddreg [dreg:$0x0];
	s2 =	stileid.u32  }
0x35d: {  	s1 =	rddreg [dreg:$0x1];
	p0 =	sne.s32 s2, $0x0  }
0x35e: {  	s3 =	rddreg [dreg:$0x2];
	[bflag:$0x3] =	sbarrier.arrive $0xFFFF;
	s2 =	simm.s32 @!p0 $0x1C07  }
0x35f: {  	[timem:s3], [sflag:s2] =	dma.local @!p0 [hbm:s0], s1  }
0x360: {  	s0 =	simm.s32 @!p0 $0x7  }
0x361: {  	_ =	swait.ge @!p0 [sflag:s0], s1  }
0x362: {  	s1 =	ssub.s32 @!p0 $0x0, s1;
	[sflag:s0] =	ssyncset.done @!p0 $0x0  }
0x363: {  	[sflag:s0] =	ssyncadd.s32 @!p0 s1  }
0x364: {  	[bflag:$0x3] =	sbarrier.arrive $0xFFFF  }
0x365: {  	_ =	shalt  }

</sc_bundles>
